<compile_context>
chip_gen: v7x
topology: tpu7x:2x2x1
jax: 0.10.2.dev20260603
libtpu: 0.0.44.dev20260713+nightly
codegen_flags: <defaults>
</compile_context>

<pallas_src>
import functools

import jax
import jax.numpy as jnp
from jax import lax
from jax.experimental import pallas as pl
from jax.experimental.pallas import tpu as pltpu
from jax.experimental.pallas import tpu_sc as plsc

N = 10000
E = 320000
IN_DIM = 128
HID = 256
OUT = 128

NC = 2
NS = 16
NW = NC * NS
C = 128
NP = 10240
RPT = NP // NS

A_CPT = 78
A_EPT = C * A_CPT
A_LAST = 82

D_CP2 = 160
EP = NS * D_CP2 * C

ZR = 32

BR = 1280
GRID = NP // BR

_MESH = dict(core_axis_name="c", subcore_axis_name="s", num_cores=NC,
             num_subcores=NS)



def _deg_body(gp_hbm, out_hbm, idx_v, ones_v, zer_v, deg_sh, asem0, asem1):
    c = lax.axis_index("c")
    s = lax.axis_index("s")
    pltpu.sync_copy(gp_hbm.at[c, s], idx_v)

    def fill_ones(i, _):
        ones_v[pl.ds(i * 16, 16)] = jnp.full((16,), 1.0, jnp.float32)
        return 0
    lax.fori_loop(0, C // 16, fill_ones, 0)

    def fill_zero(i, _):
        zer_v[pl.ds(i * 16, 16)] = jnp.zeros((16,), jnp.float32)
        return 0
    lax.fori_loop(0, RPT // 16, fill_zero, 0)

    pltpu.sync_copy(zer_v, deg_sh.at[pl.ds(s * RPT, RPT)])
    plsc.subcore_barrier()

    def pair(k, _):
        d0 = pltpu.async_copy(ones_v, deg_sh.at[idx_v.at[2 * k]], asem0,
                              add=True)
        d1 = pltpu.async_copy(ones_v, deg_sh.at[idx_v.at[2 * k + 1]], asem1,
                              add=True)
        d0.wait()
        d1.wait()
        return 0
    lax.fori_loop(0, D_CP2 // 2, pair, 0)
    plsc.subcore_barrier()

    pltpu.sync_copy(deg_sh.at[pl.ds(s * RPT, RPT)],
                    out_hbm.at[c, pl.ds(s * RPT, RPT)])


@functools.cache
def _deg_call():
    return pl.kernel(
        _deg_body,
        out_type=jax.ShapeDtypeStruct((NC, NP), jnp.float32),
        mesh=plsc.VectorSubcoreMesh(**_MESH),
        scratch_types=[
            pltpu.VMEM((D_CP2, C), jnp.int32),
            pltpu.VMEM((C,), jnp.float32),
            pltpu.VMEM((RPT,), jnp.float32),
            pltpu.VMEM_SHARED((NP,), jnp.float32),
            pltpu.SemaphoreType.DMA,
            pltpu.SemaphoreType.DMA,
        ],
    )


def _agg_body(tab_hbm, g_hbm, out_hbm, src_v, dring_v, buf0_v, buf1_v,
              zbuf_v, acc_sh, sem0, sem1, isem0, isem1, psem):
    c = lax.axis_index("c")
    s = lax.axis_index("s")
    wid = c * NS + s
    base = wid * A_EPT
    npairs = jnp.where(wid == NW - 1, A_LAST // 2, A_CPT // 2)
    nch = 2 * npairs

    pltpu.async_copy(g_hbm.at[0, pl.ds(base, C * A_LAST)], src_v, psem)

    def zrow(r, _):
        def zcol(k, _):
            zbuf_v[r, pl.ds(k * 16, 16)] = jnp.zeros((16,), jnp.float32)
            return 0
        lax.fori_loop(0, IN_DIM // 16, zcol, 0)
        return 0
    lax.fori_loop(0, ZR, zrow, 0)
    pltpu.make_async_copy(g_hbm.at[0, pl.ds(base, C * A_LAST)], src_v,
                          psem).wait()

    pltpu.async_copy(g_hbm.at[1, pl.ds(base, C)], dring_v.at[0], isem0)
    pltpu.async_copy(tab_hbm.at[src_v.at[pl.ds(0, C)]], buf0_v, sem0)

    def zcp(k, _):
        pltpu.sync_copy(zbuf_v, acc_sh.at[pl.ds(s * RPT + k * ZR, ZR)])
        return 0
    lax.fori_loop(0, RPT // ZR, zcp, 0)
    plsc.subcore_barrier()

    def pair(k, _):
        j0 = 2 * k
        pltpu.async_copy(tab_hbm.at[src_v.at[pl.ds((j0 + 1) * C, C)]],
                         buf1_v, sem1)
        pltpu.async_copy(g_hbm.at[1, pl.ds(base + (j0 + 1) * C, C)],
                         dring_v.at[1], isem1)
        pltpu.make_async_copy(g_hbm.at[1, pl.ds(base + j0 * C, C)],
                              dring_v.at[0], isem0).wait()
        pltpu.make_async_copy(tab_hbm.at[src_v.at[pl.ds(j0 * C, C)]],
                              buf0_v, sem0).wait()
        pltpu.sync_copy(buf0_v, acc_sh.at[dring_v.at[0]], add=True)

        @pl.when(j0 + 2 < nch)
        def _():
            pltpu.async_copy(tab_hbm.at[src_v.at[pl.ds((j0 + 2) * C, C)]],
                             buf0_v, sem0)
            pltpu.async_copy(g_hbm.at[1, pl.ds(base + (j0 + 2) * C, C)],
                             dring_v.at[0], isem0)

        pltpu.make_async_copy(g_hbm.at[1, pl.ds(base + (j0 + 1) * C, C)],
                              dring_v.at[1], isem1).wait()
        pltpu.make_async_copy(tab_hbm.at[src_v.at[pl.ds((j0 + 1) * C, C)]],
                              buf1_v, sem1).wait()
        pltpu.sync_copy(buf1_v, acc_sh.at[dring_v.at[1]], add=True)
        return 0
    lax.fori_loop(0, npairs, pair, 0)
    plsc.subcore_barrier()

    def cout(k, _):
        pltpu.sync_copy(acc_sh.at[pl.ds(s * RPT + k * C, C)],
                        out_hbm.at[c, pl.ds(s * RPT + k * C, C)])
        return 0
    lax.fori_loop(0, RPT // C, cout, 0)


@functools.cache
def _agg_call():
    return pl.kernel(
        _agg_body,
        out_type=jax.ShapeDtypeStruct((NC, NP, IN_DIM), jnp.float32),
        mesh=plsc.VectorSubcoreMesh(**_MESH),
        scratch_types=[
            pltpu.VMEM((C * A_LAST,), jnp.int32),
            pltpu.VMEM((2, C), jnp.int32),
            pltpu.VMEM((C, IN_DIM), jnp.float32),
            pltpu.VMEM((C, IN_DIM), jnp.float32),
            pltpu.VMEM((ZR, IN_DIM), jnp.float32),
            pltpu.VMEM_SHARED((NP, IN_DIM), jnp.float32),
            pltpu.SemaphoreType.DMA,
            pltpu.SemaphoreType.DMA,
            pltpu.SemaphoreType.DMA,
            pltpu.SemaphoreType.DMA,
            pltpu.SemaphoreType.DMA,
        ],
    )



def _norm_m1_body(deg_ref, feat_ref, m1_ref, ns_ref, nd_ref):
    d = deg_ref[...]
    deg_o = d[0]
    deg_i = d[1]
    ns = jnp.where(deg_o > 0, lax.rsqrt(jnp.maximum(deg_o, 1.0)), 0.0)
    nd = jnp.where(deg_i > 0, lax.rsqrt(jnp.maximum(deg_i, 1.0)), 0.0)
    ns_ref[...] = ns[:, None]
    nd_ref[...] = nd[:, None]
    m1_ref[...] = feat_ref[...] * ns[:, None]


_norm_m1_call = pl.pallas_call(
    _norm_m1_body,
    grid=(GRID,),
    in_specs=[
        pl.BlockSpec((2, BR), lambda i: (0, i)),
        pl.BlockSpec((BR, IN_DIM), lambda i: (i, 0)),
    ],
    out_specs=[
        pl.BlockSpec((BR, IN_DIM), lambda i: (i, 0)),
        pl.BlockSpec((BR, 1), lambda i: (i, 0)),
        pl.BlockSpec((BR, 1), lambda i: (i, 0)),
    ],
    out_shape=[
        jax.ShapeDtypeStruct((NP, IN_DIM), jnp.float32),
        jax.ShapeDtypeStruct((NP, 1), jnp.float32),
        jax.ShapeDtypeStruct((NP, 1), jnp.float32),
    ],
)


def _mid_body(q_ref, ns_ref, nd_ref, w1_ref, b1_ref, w2_ref, h1_ref, m2_ref):
    a = (q_ref[0] + q_ref[1]) * nd_ref[...]
    h1 = jnp.dot(a, w1_ref[...], preferred_element_type=jnp.float32)
    h1 = jnp.maximum(h1 + b1_ref[...], 0.0)
    h1_ref[...] = h1
    p = jnp.dot(h1, w2_ref[...], preferred_element_type=jnp.float32)
    m2_ref[...] = p * ns_ref[...]


_mid_call = pl.pallas_call(
    _mid_body,
    grid=(GRID,),
    in_specs=[
        pl.BlockSpec((2, BR, IN_DIM), lambda i: (0, i, 0)),
        pl.BlockSpec((BR, 1), lambda i: (i, 0)),
        pl.BlockSpec((BR, 1), lambda i: (i, 0)),
        pl.BlockSpec((IN_DIM, HID), lambda i: (0, 0)),
        pl.BlockSpec((1, HID), lambda i: (0, 0)),
        pl.BlockSpec((HID, OUT), lambda i: (0, 0)),
    ],
    out_specs=[
        pl.BlockSpec((BR, HID), lambda i: (i, 0)),
        pl.BlockSpec((BR, OUT), lambda i: (i, 0)),
    ],
    out_shape=[
        jax.ShapeDtypeStruct((N, HID), jnp.float32),
        jax.ShapeDtypeStruct((NP, OUT), jnp.float32),
    ],
)


def _fin_body(q_ref, nd_ref, b2_ref, cls_ref, ws_ref, h2_ref, sig_ref):
    h2_ref[...] = (q_ref[0] + q_ref[1]) * nd_ref[...] + b2_ref[...]

    @pl.when(pl.program_id(0) == 0)
    def _():
        z = jnp.dot(cls_ref[...], ws_ref[...],
                    preferred_element_type=jnp.float32)
        sig_ref[...] = jnp.maximum(z, 0.0) + jnp.log(1.0 + jnp.exp(-jnp.abs(z)))


_fin_call = pl.pallas_call(
    _fin_body,
    grid=(GRID,),
    in_specs=[
        pl.BlockSpec((2, BR, OUT), lambda i: (0, i, 0)),
        pl.BlockSpec((BR, 1), lambda i: (i, 0)),
        pl.BlockSpec((1, OUT), lambda i: (0, 0)),
        pl.BlockSpec((10, IN_DIM), lambda i: (0, 0)),
        pl.BlockSpec((IN_DIM, 1), lambda i: (0, 0)),
    ],
    out_specs=[
        pl.BlockSpec((BR, OUT), lambda i: (i, 0)),
        pl.BlockSpec((10, 1), lambda i: (0, 0)),
    ],
    out_shape=[
        jax.ShapeDtypeStruct((N, OUT), jnp.float32),
        jax.ShapeDtypeStruct((10, 1), jnp.float32),
    ],
)



def kernel(g, feat, cls_spec_avg_feats, W1, b1, W2, b2, W_sigma):
    padv = N + (jnp.arange(EP - E, dtype=jnp.int32) % (NP - N))
    gp = jnp.concatenate([g, jnp.tile(padv, (2, 1))], axis=1)
    gp4 = gp.reshape(2, NS, D_CP2, C)

    deg = _deg_call()(gp4)
    m1, ns, nd = _norm_m1_call(deg, feat)

    q1 = _agg_call()(m1, g)
    h1o, m2 = _mid_call(q1, ns, nd, W1, b1.reshape(1, HID), W2)

    q2 = _agg_call()(m2, g)
    h2o, sig2 = _fin_call(q2, nd, b2.reshape(1, OUT), cls_spec_avg_feats,
                          W_sigma)
    return (h2o, h1o, h2o, sig2[:, 0])

# --- scband reference (transcript-rebuilt; emitter-appended) ---
"""Pipeline reference for scband-gimb-net-66726611911055 (READ-ONLY COPY).

The authoritative reference and input builder live on the scoring server;
editing this copy changes nothing except your own understanding.
"""

import jax, jax.numpy as jnp
import numpy as np

N = 10000
E = 320000
IN_DIM = 128
HID = 256
OUT = 128
NCLS = 10


def setup_inputs(seed: int = 0) -> dict:
    key = jax.random.key(seed)
    ks = jax.random.split(key, 9)
    feat = jax.random.normal(ks[0], (N, IN_DIM), dtype=jnp.float32)
    g = jax.random.randint(ks[1], (2, E), 0, N, dtype=jnp.int32)
    cls_spec_avg_feats = jax.random.normal(ks[2], (NCLS, IN_DIM), dtype=jnp.float32)
    # learned parameters
    W1 = jax.random.normal(ks[3], (IN_DIM, HID), dtype=jnp.float32) * (1.0 / np.sqrt(IN_DIM))
    b1 = jnp.zeros((HID,), dtype=jnp.float32)
    W2 = jax.random.normal(ks[4], (HID, OUT), dtype=jnp.float32) * (1.0 / np.sqrt(HID))
    b2 = jnp.zeros((OUT,), dtype=jnp.float32)
    # private_space: linear map producing per-class sigmas
    W_sigma = jax.random.normal(ks[5], (IN_DIM, 1), dtype=jnp.float32) * (1.0 / np.sqrt(IN_DIM))
    return {"g": g, "feat": feat, "cls_spec_avg_feats": cls_spec_avg_feats,
            "W1": W1, "b1": b1, "W2": W2, "b2": b2, "W_sigma": W_sigma}


def _gcn_layer(x, src, dst, W, b, n_nodes):
    # symmetric-normalized GCN: h' = D^{-1/2} A D^{-1/2} x W + b
    ones = jnp.ones((src.shape[0],), dtype=jnp.float32)
    deg_out = jnp.zeros((n_nodes,), dtype=jnp.float32).at[src].add(ones)
    deg_in = jnp.zeros((n_nodes,), dtype=jnp.float32).at[dst].add(ones)
    norm_src = jnp.where(deg_out > 0, jax.lax.rsqrt(jnp.maximum(deg_out, 1.0)), 0.0)
    norm_dst = jnp.where(deg_in > 0, jax.lax.rsqrt(jnp.maximum(deg_in, 1.0)), 0.0)
    m = x * norm_src[:, None]
    msgs = jnp.take(m, src, axis=0)                      # gather (SparseCore)
    agg = jnp.zeros((n_nodes, x.shape[1]), dtype=x.dtype).at[dst].add(msgs)  # scatter-add
    agg = agg * norm_dst[:, None]
    return agg @ W + b


def reference(g, feat, cls_spec_avg_feats, W1, b1, W2, b2, W_sigma):
    # sigmas = self.private_space(cls_spec_avg_feats)  (stored on module; returned here for completeness)
    sigmas = jax.nn.softplus(cls_spec_avg_feats @ W_sigma).squeeze(-1)
    src, dst = g[0], g[1]
    # in_feat_dropout with p=0.0 -> identity (eval mode)
    h = feat
    # layer 1: GCN + relu (dropout=0 in eval)
    h1 = jax.nn.relu(_gcn_layer(h, src, dst, W1, b1, N))
    # layer 2 (last layer): GCN, no activation
    h2 = _gcn_layer(h1, src, dst, W2, b2, N)
    # proj=False, so forward returns (h, layerwise_embs)
    return (h2, h1, h2, sigmas)

if __name__ == "__main__":
    import jax
    _d = setup_inputs()
    print(jax.jit(kernel)(*tuple(_d.values())))

</pallas_src>

<mosaic_0001>
#map = affine_map<(d0, d1) -> (0, 0, 0, 0)>
#map1 = affine_map<(d0, d1) -> (0, 0)>
module attributes {stable_mosaic.version = 14 : i64} {
  func.func @_deg_body(%arg0: i32, %arg1: i32, %arg2: memref<2x16x160x128xi32, #tpu.memory_space<hbm>>, %arg3: memref<2x10240xf32, #tpu.memory_space<hbm>>, %arg4: memref<160x128xi32, #tpu.memory_space<vmem>>, %arg5: memref<128xf32, #tpu.memory_space<vmem>>, %arg6: memref<640xf32, #tpu.memory_space<vmem>>, %arg7: memref<10240xf32, #tpu.memory_space<vmem_shared>>, %arg8: memref<!tpu.dma_semaphore, #tpu.memory_space<semaphore_mem>>, %arg9: memref<!tpu.dma_semaphore, #tpu.memory_space<semaphore_mem>>) attributes {dimension_semantics = [#tpu.dimension_semantics<core_parallel>, #tpu.dimension_semantics<subcore_parallel>], iteration_bounds = array<i64: 2, 16>, scalar_prefetch = 0 : i64, scratch_operands = 6 : i64, tpu.core_type = #tpu.core_type<sc_vector_subcore>, window_params = [{transform_indices = #map}, {transform_indices = #map1}]} {
    "tpu.region"() ({
      %run_scoped3A = tpu.sem_alloc : memref<!tpu.dma_semaphore, #tpu.memory_space<semaphore_mem>>
      %dma_start3A = arith.constant 0 : i32
      %dma_start3A_26 = arith.constant 0 : i32
      %dma_start3A_27 = tpu.memref_slice %arg2[%arg0, %arg1, %dma_start3A, %dma_start3A_26] : memref<2x16x160x128xi32, #tpu.memory_space<hbm>> -> memref<1x1x160x128xi32, #tpu.memory_space<hbm>>
      %dma_start3A_28 = tpu.memref_squeeze %dma_start3A_27 : memref<1x1x160x128xi32, #tpu.memory_space<hbm>> -> memref<160x128xi32, #tpu.memory_space<hbm>>
      %dma_start3A_29 = arith.constant 0 : i32
      %dma_start3A_30 = arith.constant 0 : i32
      %dma_start3A_31 = tpu.memref_slice %arg2[%arg0, %arg1, %dma_start3A_29, %dma_start3A_30] : memref<2x16x160x128xi32, #tpu.memory_space<hbm>> -> memref<1x1x160x128xi32, #tpu.memory_space<hbm>>
      %dma_start3A_32 = tpu.memref_squeeze %dma_start3A_31 : memref<1x1x160x128xi32, #tpu.memory_space<hbm>> -> memref<160x128xi32, #tpu.memory_space<hbm>>
      tpu.enqueue_dma source(%dma_start3A_32 : memref<160x128xi32, #tpu.memory_space<hbm>>) target(%arg4 : memref<160x128xi32, #tpu.memory_space<vmem>>) target_semaphore(%run_scoped3A : memref<!tpu.dma_semaphore, #tpu.memory_space<semaphore_mem>>)
      %dma_wait3A = arith.constant 0 : i32
      %dma_wait3A_33 = arith.constant 0 : i32
      %dma_wait3A_34 = tpu.memref_slice %arg2[%arg0, %arg1, %dma_wait3A, %dma_wait3A_33] : memref<2x16x160x128xi32, #tpu.memory_space<hbm>> -> memref<1x1x160x128xi32, #tpu.memory_space<hbm>>
      %dma_wait3A_35 = tpu.memref_squeeze %dma_wait3A_34 : memref<1x1x160x128xi32, #tpu.memory_space<hbm>> -> memref<160x128xi32, #tpu.memory_space<hbm>>
      %dma_wait3A_36 = arith.constant 0 : i32
      %dma_wait3A_37 = arith.constant 0 : i32
      %dma_wait3A_38 = tpu.memref_slice %arg2[%arg0, %arg1, %dma_wait3A_36, %dma_wait3A_37] : memref<2x16x160x128xi32, #tpu.memory_space<hbm>> -> memref<1x1x160x128xi32, #tpu.memory_space<hbm>>
      %dma_wait3A_39 = tpu.memref_squeeze %dma_wait3A_38 : memref<1x1x160x128xi32, #tpu.memory_space<hbm>> -> memref<160x128xi32, #tpu.memory_space<hbm>>
      tpu.wait_dma2 semaphore(%run_scoped3A : memref<!tpu.dma_semaphore, #tpu.memory_space<semaphore_mem>>) src(%dma_wait3A_39 : memref<160x128xi32, #tpu.memory_space<hbm>>) dst(%arg4 : memref<160x128xi32, #tpu.memory_space<vmem>>)
      tpu.yield
    }) : () -> ()
    %scan3A = arith.constant 0 : i32
    %scan3A_0 = arith.constant 0 : i32
    %scan3A_1 = arith.constant 8 : i32
    %scan3A_2 = arith.addi %scan3A_0, %scan3A_1 : i32
    %scan3A_3 = arith.constant 1 : i32
    %scan3A_4 = scf.for %scan3A_26 = %scan3A_0 to %scan3A_2 step %scan3A_3 iter_args(%scan3A_27 = %scan3A) -> (i32)  : i32 {
      %broadcast_in_dim3A = arith.constant 1.000000e+00 : f32
      %broadcast_in_dim3A_28 = vector.broadcast %broadcast_in_dim3A : f32 to vector<16xf32>
      %mul3A_29 = arith.constant 16 : i32
      %mul3A_30 = arith.muli %scan3A_26, %mul3A_29 : i32
      %swap3A = arith.index_cast %mul3A_30 : i32 to index
      %swap3A_31 = tpu.vector_load %arg5[%swap3A] {strides = array<i32>} : memref<128xf32, #tpu.memory_space<vmem>>, vector<16xf32>,
      %swap3A_32 = vector.shape_cast %swap3A_31 : vector<16xf32> to vector<16xf32>
      %swap3A_33 = vector.shape_cast %broadcast_in_dim3A_28 : vector<16xf32> to vector<16xf32>
      tpu.vector_store %arg5[%swap3A], %swap3A_33 {strides = array<i32>} : memref<128xf32, #tpu.memory_space<vmem>>, vector<16xf32>,
      %scan3A_34 = arith.constant 0 : i32
      scf.yield %scan3A_34 : i32
    }
    %scan3A_5 = arith.constant 8 : i32
    %scan3A_6 = arith.constant 0 : i32
    %scan3A_7 = arith.constant 0 : i32
    %scan3A_8 = arith.constant 40 : i32
    %scan3A_9 = arith.addi %scan3A_7, %scan3A_8 : i32
    %scan3A_10 = arith.constant 1 : i32
    %scan3A_11 = scf.for %scan3A_26 = %scan3A_7 to %scan3A_9 step %scan3A_10 iter_args(%scan3A_27 = %scan3A_6) -> (i32)  : i32 {
      %broadcast_in_dim3A = arith.constant 0.000000e+00 : f32
      %broadcast_in_dim3A_28 = vector.broadcast %broadcast_in_dim3A : f32 to vector<16xf32>
      %mul3A_29 = arith.constant 16 : i32
      %mul3A_30 = arith.muli %scan3A_26, %mul3A_29 : i32
      %swap3A = arith.index_cast %mul3A_30 : i32 to index
      %swap3A_31 = tpu.vector_load %arg6[%swap3A] {strides = array<i32>} : memref<640xf32, #tpu.memory_space<vmem>>, vector<16xf32>,
      %swap3A_32 = vector.shape_cast %swap3A_31 : vector<16xf32> to vector<16xf32>
      %swap3A_33 = vector.shape_cast %broadcast_in_dim3A_28 : vector<16xf32> to vector<16xf32>
      tpu.vector_store %arg6[%swap3A], %swap3A_33 {strides = array<i32>} : memref<640xf32, #tpu.memory_space<vmem>>, vector<16xf32>,
      %scan3A_34 = arith.constant 0 : i32
      scf.yield %scan3A_34 : i32
    }
    %scan3A_12 = arith.constant 40 : i32
    %mul3A = arith.constant 640 : i32
    %mul3A_13 = arith.muli %arg1, %mul3A : i32
    "tpu.region"() ({
      %run_scoped3A = tpu.sem_alloc : memref<!tpu.dma_semaphore, #tpu.memory_space<semaphore_mem>>
      %dma_start3A = tpu.memref_slice %arg7[%mul3A_13] : memref<10240xf32, #tpu.memory_space<vmem_shared>> -> memref<640xf32, #tpu.memory_space<vmem_shared>>
      %dma_start3A_26 = tpu.memref_slice %arg7[%mul3A_13] : memref<10240xf32, #tpu.memory_space<vmem_shared>> -> memref<640xf32, #tpu.memory_space<vmem_shared>>
      tpu.enqueue_dma source(%arg6 : memref<640xf32, #tpu.memory_space<vmem>>) target(%dma_start3A_26 : memref<640xf32, #tpu.memory_space<vmem_shared>>) target_semaphore(%run_scoped3A : memref<!tpu.dma_semaphore, #tpu.memory_space<semaphore_mem>>)
      %dma_wait3A = tpu.memref_slice %arg7[%mul3A_13] : memref<10240xf32, #tpu.memory_space<vmem_shared>> -> memref<640xf32, #tpu.memory_space<vmem_shared>>
      %dma_wait3A_27 = tpu.memref_slice %arg7[%mul3A_13] : memref<10240xf32, #tpu.memory_space<vmem_shared>> -> memref<640xf32, #tpu.memory_space<vmem_shared>>
      tpu.wait_dma2 semaphore(%run_scoped3A : memref<!tpu.dma_semaphore, #tpu.memory_space<semaphore_mem>>) src(%arg6 : memref<640xf32, #tpu.memory_space<vmem>>) dst(%dma_wait3A_27 : memref<640xf32, #tpu.memory_space<vmem_shared>>)
      tpu.yield
    }) : () -> ()
    %barrier3A = arith.constant 0 : index
    tpu.barrier barrier_id(%barrier3A)
    %scan3A_14 = arith.constant 0 : i32
    %scan3A_15 = arith.constant 0 : i32
    %scan3A_16 = arith.constant 80 : i32
    %scan3A_17 = arith.addi %scan3A_15, %scan3A_16 : i32
    %scan3A_18 = arith.constant 1 : i32
    %scan3A_19 = scf.for %scan3A_26 = %scan3A_15 to %scan3A_17 step %scan3A_18 iter_args(%scan3A_27 = %scan3A_14) -> (i32)  : i32 {
      %mul3A_28 = arith.constant 2 : i32
      %mul3A_29 = arith.muli %mul3A_28, %scan3A_26 : i32
      %dma_start3A = arith.constant 0 : i32
      %dma_start3A_30 = tpu.memref_slice %arg4[%mul3A_29, %dma_start3A] : memref<160x128xi32, #tpu.memory_space<vmem>> -> memref<1x128xi32, #tpu.memory_space<vmem>>
      %dma_start3A_31 = tpu.memref_squeeze %dma_start3A_30 : memref<1x128xi32, #tpu.memory_space<vmem>> -> memref<128xi32, #tpu.memory_space<vmem>>
      %dma_start3A_32 = arith.constant 0 : i32
      %dma_start3A_33 = tpu.memref_slice %arg7[%dma_start3A_32] : memref<10240xf32, #tpu.memory_space<vmem_shared>> -> memref<10240xf32, #tpu.memory_space<vmem_shared>>
      tpu.enqueue_indirect_dma source(%arg5 : memref<128xf32, #tpu.memory_space<vmem>>) target(%dma_start3A_33 : memref<10240xf32, #tpu.memory_space<vmem_shared>>) offsets(%dma_start3A_31 : memref<128xi32, #tpu.memory_space<vmem>>) semaphore(%arg8 : memref<!tpu.dma_semaphore, #tpu.memory_space<semaphore_mem>>) {add = true}
      %mul3A_34 = arith.constant 2 : i32
      %mul3A_35 = arith.muli %mul3A_34, %scan3A_26 : i32
      %add3A = arith.constant 1 : i32
      %add3A_36 = arith.addi %mul3A_35, %add3A : i32
      %dma_start3A_37 = arith.constant 0 : i32
      %dma_start3A_38 = tpu.memref_slice %arg4[%add3A_36, %dma_start3A_37] : memref<160x128xi32, #tpu.memory_space<vmem>> -> memref<1x128xi32, #tpu.memory_space<vmem>>
      %dma_start3A_39 = tpu.memref_squeeze %dma_start3A_38 : memref<1x128xi32, #tpu.memory_space<vmem>> -> memref<128xi32, #tpu.memory_space<vmem>>
      %dma_start3A_40 = arith.constant 0 : i32
      %dma_start3A_41 = tpu.memref_slice %arg7[%dma_start3A_40] : memref<10240xf32, #tpu.memory_space<vmem_shared>> -> memref<10240xf32, #tpu.memory_space<vmem_shared>>
      tpu.enqueue_indirect_dma source(%arg5 : memref<128xf32, #tpu.memory_space<vmem>>) target(%dma_start3A_41 : memref<10240xf32, #tpu.memory_space<vmem_shared>>) offsets(%dma_start3A_39 : memref<128xi32, #tpu.memory_space<vmem>>) semaphore(%arg9 : memref<!tpu.dma_semaphore, #tpu.memory_space<semaphore_mem>>) {add = true}
      %dma_wait3A = arith.constant 0 : i32
      %dma_wait3A_42 = tpu.memref_slice %arg4[%mul3A_29, %dma_wait3A] : memref<160x128xi32, #tpu.memory_space<vmem>> -> memref<1x128xi32, #tpu.memory_space<vmem>>
      %dma_wait3A_43 = tpu.memref_squeeze %dma_wait3A_42 : memref<1x128xi32, #tpu.memory_space<vmem>> -> memref<128xi32, #tpu.memory_space<vmem>>
      %dma_wait3A_44 = arith.constant 0 : i32
      %dma_wait3A_45 = tpu.memref_slice %arg7[%dma_wait3A_44] : memref<10240xf32, #tpu.memory_space<vmem_shared>> -> memref<10240xf32, #tpu.memory_space<vmem_shared>>
      tpu.wait_indirect_dma semaphore(%arg8 : memref<!tpu.dma_semaphore, #tpu.memory_space<semaphore_mem>>) src(%arg5 : memref<128xf32, #tpu.memory_space<vmem>>) dst(%dma_wait3A_45 : memref<10240xf32, #tpu.memory_space<vmem_shared>>)
      %dma_wait3A_46 = arith.constant 0 : i32
      %dma_wait3A_47 = tpu.memref_slice %arg4[%add3A_36, %dma_wait3A_46] : memref<160x128xi32, #tpu.memory_space<vmem>> -> memref<1x128xi32, #tpu.memory_space<vmem>>
      %dma_wait3A_48 = tpu.memref_squeeze %dma_wait3A_47 : memref<1x128xi32, #tpu.memory_space<vmem>> -> memref<128xi32, #tpu.memory_space<vmem>>
      %dma_wait3A_49 = arith.constant 0 : i32
      %dma_wait3A_50 = tpu.memref_slice %arg7[%dma_wait3A_49] : memref<10240xf32, #tpu.memory_space<vmem_shared>> -> memref<10240xf32, #tpu.memory_space<vmem_shared>>
      tpu.wait_indirect_dma semaphore(%arg9 : memref<!tpu.dma_semaphore, #tpu.memory_space<semaphore_mem>>) src(%arg5 : memref<128xf32, #tpu.memory_space<vmem>>) dst(%dma_wait3A_50 : memref<10240xf32, #tpu.memory_space<vmem_shared>>)
      %scan3A_51 = arith.constant 0 : i32
      scf.yield %scan3A_51 : i32
    }
    %scan3A_20 = arith.constant 80 : i32
    %barrier3A_21 = arith.constant 0 : index
    tpu.barrier barrier_id(%barrier3A_21)
    %mul3A_22 = arith.constant 640 : i32
    %mul3A_23 = arith.muli %arg1, %mul3A_22 : i32
    %mul3A_24 = arith.constant 640 : i32
    %mul3A_25 = arith.muli %arg1, %mul3A_24 : i32
    "tpu.region"() ({
      %run_scoped3A = tpu.sem_alloc : memref<!tpu.dma_semaphore, #tpu.memory_space<semaphore_mem>>
      %dma_start3A = tpu.memref_slice %arg3[%arg0, %mul3A_25] : memref<2x10240xf32, #tpu.memory_space<hbm>> -> memref<1x640xf32, #tpu.memory_space<hbm>>
      %dma_start3A_26 = tpu.memref_squeeze %dma_start3A : memref<1x640xf32, #tpu.memory_space<hbm>> -> memref<640xf32, #tpu.memory_space<hbm>>
      %dma_start3A_27 = tpu.memref_slice %arg7[%mul3A_23] : memref<10240xf32, #tpu.memory_space<vmem_shared>> -> memref<640xf32, #tpu.memory_space<vmem_shared>>
      tpu.enqueue_dma source(%dma_start3A_27 : memref<640xf32, #tpu.memory_space<vmem_shared>>) target(%dma_start3A_26 : memref<640xf32, #tpu.memory_space<hbm>>) target_semaphore(%run_scoped3A : memref<!tpu.dma_semaphore, #tpu.memory_space<semaphore_mem>>)
      %dma_wait3A = tpu.memref_slice %arg3[%arg0, %mul3A_25] : memref<2x10240xf32, #tpu.memory_space<hbm>> -> memref<1x640xf32, #tpu.memory_space<hbm>>
      %dma_wait3A_28 = tpu.memref_squeeze %dma_wait3A : memref<1x640xf32, #tpu.memory_space<hbm>> -> memref<640xf32, #tpu.memory_space<hbm>>
      %dma_wait3A_29 = tpu.memref_slice %arg7[%mul3A_23] : memref<10240xf32, #tpu.memory_space<vmem_shared>> -> memref<640xf32, #tpu.memory_space<vmem_shared>>
      tpu.wait_dma2 semaphore(%run_scoped3A : memref<!tpu.dma_semaphore, #tpu.memory_space<semaphore_mem>>) src(%dma_wait3A_29 : memref<640xf32, #tpu.memory_space<vmem_shared>>) dst(%dma_wait3A_28 : memref<640xf32, #tpu.memory_space<hbm>>)
      tpu.yield
    }) : () -> ()
    return
  }
}

#map = affine_map<(d0, d1) -> (0, 0)>
#map1 = affine_map<(d0, d1) -> (0, 0, 0)>
module attributes {stable_mosaic.version = 14 : i64} {
  func.func @_agg_body(%arg0: i32, %arg1: i32, %arg2: memref<10240x128xf32, #tpu.memory_space<hbm>>, %arg3: memref<2x320000xi32, #tpu.memory_space<hbm>>, %arg4: memref<2x10240x128xf32, #tpu.memory_space<hbm>>, %arg5: memref<10496xi32, #tpu.memory_space<vmem>>, %arg6: memref<2x128xi32, #tpu.memory_space<vmem>>, %arg7: memref<128x128xf32, #tpu.memory_space<vmem>>, %arg8: memref<128x128xf32, #tpu.memory_space<vmem>>, %arg9: memref<32x128xf32, #tpu.memory_space<vmem>>, %arg10: memref<10240x128xf32, #tpu.memory_space<vmem_shared>>, %arg11: memref<!tpu.dma_semaphore, #tpu.memory_space<semaphore_mem>>, %arg12: memref<!tpu.dma_semaphore, #tpu.memory_space<semaphore_mem>>, %arg13: memref<!tpu.dma_semaphore, #tpu.memory_space<semaphore_mem>>, %arg14: memref<!tpu.dma_semaphore, #tpu.memory_space<semaphore_mem>>, %arg15: memref<!tpu.dma_semaphore, #tpu.memory_space<semaphore_mem>>) attributes {dimension_semantics = [#tpu.dimension_semantics<core_parallel>, #tpu.dimension_semantics<subcore_parallel>], iteration_bounds = array<i64: 2, 16>, scalar_prefetch = 0 : i64, scratch_operands = 11 : i64, tpu.core_type = #tpu.core_type<sc_vector_subcore>, window_params = [{transform_indices = #map}, {transform_indices = #map}, {transform_indices = #map1}]} {
    %mul3A = arith.constant 16 : i32
    %mul3A_0 = arith.muli %arg0, %mul3A : i32
    %add3A = arith.addi %mul3A_0, %arg1 : i32
    %mul3A_1 = arith.constant 9984 : i32
    %mul3A_2 = arith.muli %add3A, %mul3A_1 : i32
    %eq3A = arith.constant 31 : i32
    %eq3A_3 = arith.cmpi eq, %add3A, %eq3A : i32
    %jit3A = arith.constant 41 : i32
    %jit3A_4 = arith.constant 39 : i32
    %select_n3A = arith.select %eq3A_3, %jit3A, %jit3A_4 : i32
    %mul3A_5 = arith.constant 2 : i32
    %mul3A_6 = arith.muli %mul3A_5, %select_n3A : i32
    %dma_start3A = arith.constant 0 : i32
    %dma_start3A_7 = tpu.memref_slice %arg3[%dma_start3A, %mul3A_2] : memref<2x320000xi32, #tpu.memory_space<hbm>> -> memref<1x10496xi32, #tpu.memory_space<hbm>>
    %dma_start3A_8 = tpu.memref_squeeze %dma_start3A_7 : memref<1x10496xi32, #tpu.memory_space<hbm>> -> memref<10496xi32, #tpu.memory_space<hbm>>
    %dma_start3A_9 = tpu.memref_slice %arg3[%dma_start3A, %mul3A_2] : memref<2x320000xi32, #tpu.memory_space<hbm>> -> memref<1x10496xi32, #tpu.memory_space<hbm>>
    %dma_start3A_10 = tpu.memref_squeeze %dma_start3A_9 : memref<1x10496xi32, #tpu.memory_space<hbm>> -> memref<10496xi32, #tpu.memory_space<hbm>>
    tpu.enqueue_dma source(%dma_start3A_10 : memref<10496xi32, #tpu.memory_space<hbm>>) target(%arg5 : memref<10496xi32, #tpu.memory_space<vmem>>) target_semaphore(%arg15 : memref<!tpu.dma_semaphore, #tpu.memory_space<semaphore_mem>>)
    %scan3A = arith.constant 0 : i32
    %scan3A_11 = arith.constant 0 : i32
    %scan3A_12 = arith.constant 32 : i32
    %scan3A_13 = arith.addi %scan3A_11, %scan3A_12 : i32
    %scan3A_14 = arith.constant 1 : i32
    %scan3A_15 = scf.for %scan3A_64 = %scan3A_11 to %scan3A_13 step %scan3A_14 iter_args(%scan3A_65 = %scan3A) -> (i32)  : i32 {
      %scan3A_66 = arith.constant 0 : i32
      %scan3A_67 = arith.constant 0 : i32
      %scan3A_68 = arith.constant 8 : i32
      %scan3A_69 = arith.addi %scan3A_67, %scan3A_68 : i32
      %scan3A_70 = arith.constant 1 : i32
      %scan3A_71 = scf.for %scan3A_74 = %scan3A_67 to %scan3A_69 step %scan3A_70 iter_args(%scan3A_75 = %scan3A_66) -> (i32)  : i32 {
        %broadcast_in_dim3A = arith.constant 0.000000e+00 : f32
        %broadcast_in_dim3A_76 = vector.broadcast %broadcast_in_dim3A : f32 to vector<16xf32>
        %mul3A_77 = arith.constant 16 : i32
        %mul3A_78 = arith.muli %scan3A_74, %mul3A_77 : i32
        %swap3A = arith.index_cast %scan3A_64 : i32 to index
        %swap3A_79 = arith.index_cast %mul3A_78 : i32 to index
        %swap3A_80 = tpu.vector_load %arg9[%swap3A, %swap3A_79] {strides = array<i32>} : memref<32x128xf32, #tpu.memory_space<vmem>>, vector<1x16xf32>,
        %swap3A_81 = vector.shape_cast %swap3A_80 : vector<1x16xf32> to vector<16xf32>
        %swap3A_82 = vector.shape_cast %broadcast_in_dim3A_76 : vector<16xf32> to vector<1x16xf32>
        tpu.vector_store %arg9[%swap3A, %swap3A_79], %swap3A_82 {strides = array<i32>} : memref<32x128xf32, #tpu.memory_space<vmem>>, vector<1x16xf32>,
        %scan3A_83 = arith.constant 0 : i32
        scf.yield %scan3A_83 : i32
      }
      %scan3A_72 = arith.constant 8 : i32
      %scan3A_73 = arith.constant 0 : i32
      scf.yield %scan3A_73 : i32
    }
    %scan3A_16 = arith.constant 32 : i32
    %dma_wait3A = arith.constant 0 : i32
    %dma_wait3A_17 = tpu.memref_slice %arg3[%dma_wait3A, %mul3A_2] : memref<2x320000xi32, #tpu.memory_space<hbm>> -> memref<1x10496xi32, #tpu.memory_space<hbm>>
    %dma_wait3A_18 = tpu.memref_squeeze %dma_wait3A_17 : memref<1x10496xi32, #tpu.memory_space<hbm>> -> memref<10496xi32, #tpu.memory_space<hbm>>
    %dma_wait3A_19 = tpu.memref_slice %arg3[%dma_wait3A, %mul3A_2] : memref<2x320000xi32, #tpu.memory_space<hbm>> -> memref<1x10496xi32, #tpu.memory_space<hbm>>
    %dma_wait3A_20 = tpu.memref_squeeze %dma_wait3A_19 : memref<1x10496xi32, #tpu.memory_space<hbm>> -> memref<10496xi32, #tpu.memory_space<hbm>>
    tpu.wait_dma2 semaphore(%arg15 : memref<!tpu.dma_semaphore, #tpu.memory_space<semaphore_mem>>) src(%dma_wait3A_20 : memref<10496xi32, #tpu.memory_space<hbm>>) dst(%arg5 : memref<10496xi32, #tpu.memory_space<vmem>>)
    %dma_start3A_21 = arith.constant 1 : i32
    %dma_start3A_22 = arith.constant 0 : i32
    %dma_start3A_23 = arith.constant 0 : i32
    %dma_start3A_24 = tpu.memref_slice %arg6[%dma_start3A_22, %dma_start3A_23] : memref<2x128xi32, #tpu.memory_space<vmem>> -> memref<1x128xi32, #tpu.memory_space<vmem>>
    %dma_start3A_25 = tpu.memref_squeeze %dma_start3A_24 : memref<1x128xi32, #tpu.memory_space<vmem>> -> memref<128xi32, #tpu.memory_space<vmem>>
    %dma_start3A_26 = tpu.memref_slice %arg3[%dma_start3A_21, %mul3A_2] : memref<2x320000xi32, #tpu.memory_space<hbm>> -> memref<1x128xi32, #tpu.memory_space<hbm>>
    %dma_start3A_27 = tpu.memref_squeeze %dma_start3A_26 : memref<1x128xi32, #tpu.memory_space<hbm>> -> memref<128xi32, #tpu.memory_space<hbm>>
    %dma_start3A_28 = arith.constant 0 : i32
    %dma_start3A_29 = tpu.memref_slice %arg6[%dma_start3A_22, %dma_start3A_28] : memref<2x128xi32, #tpu.memory_space<vmem>> -> memref<1x128xi32, #tpu.memory_space<vmem>>
    %dma_start3A_30 = tpu.memref_squeeze %dma_start3A_29 : memref<1x128xi32, #tpu.memory_space<vmem>> -> memref<128xi32, #tpu.memory_space<vmem>>
    %dma_start3A_31 = tpu.memref_slice %arg3[%dma_start3A_21, %mul3A_2] : memref<2x320000xi32, #tpu.memory_space<hbm>> -> memref<1x128xi32, #tpu.memory_space<hbm>>
    %dma_start3A_32 = tpu.memref_squeeze %dma_start3A_31 : memref<1x128xi32, #tpu.memory_space<hbm>> -> memref<128xi32, #tpu.memory_space<hbm>>
    tpu.enqueue_dma source(%dma_start3A_32 : memref<128xi32, #tpu.memory_space<hbm>>) target(%dma_start3A_30 : memref<128xi32, #tpu.memory_space<vmem>>) target_semaphore(%arg13 : memref<!tpu.dma_semaphore, #tpu.memory_space<semaphore_mem>>)
    %dma_start3A_33 = arith.constant 0 : i32
    %dma_start3A_34 = tpu.memref_slice %arg5[%dma_start3A_33] : memref<10496xi32, #tpu.memory_space<vmem>> -> memref<128xi32, #tpu.memory_space<vmem>>
    %dma_start3A_35 = arith.constant 0 : i32
    %dma_start3A_36 = arith.constant 0 : i32
    %dma_start3A_37 = tpu.memref_slice %arg2[%dma_start3A_35, %dma_start3A_36] : memref<10240x128xf32, #tpu.memory_space<hbm>> -> memref<10240x128xf32, #tpu.memory_space<hbm>>
    tpu.enqueue_indirect_dma source(%dma_start3A_37 : memref<10240x128xf32, #tpu.memory_space<hbm>>) target(%arg7 : memref<128x128xf32, #tpu.memory_space<vmem>>) offsets(%dma_start3A_34 : memref<128xi32, #tpu.memory_space<vmem>>) semaphore(%arg11 : memref<!tpu.dma_semaphore, #tpu.memory_space<semaphore_mem>>)
    %scan3A_38 = arith.constant 0 : i32
    %scan3A_39 = arith.constant 0 : i32
    %scan3A_40 = arith.constant 20 : i32
    %scan3A_41 = arith.addi %scan3A_39, %scan3A_40 : i32
    %scan3A_42 = arith.constant 1 : i32
    %scan3A_43 = scf.for %scan3A_64 = %scan3A_39 to %scan3A_41 step %scan3A_42 iter_args(%scan3A_65 = %scan3A_38) -> (i32)  : i32 {
      %mul3A_66 = arith.constant 640 : i32
      %mul3A_67 = arith.muli %arg1, %mul3A_66 : i32
      %mul3A_68 = arith.constant 32 : i32
      %mul3A_69 = arith.muli %scan3A_64, %mul3A_68 : i32
      %add3A_70 = arith.addi %mul3A_67, %mul3A_69 : i32
      "tpu.region"() ({
        %run_scoped3A = tpu.sem_alloc : memref<!tpu.dma_semaphore, #tpu.memory_space<semaphore_mem>>
        %dma_start3A_72 = arith.constant 0 : i32
        %dma_start3A_73 = tpu.memref_slice %arg10[%add3A_70, %dma_start3A_72] : memref<10240x128xf32, #tpu.memory_space<vmem_shared>> -> memref<32x128xf32, #tpu.memory_space<vmem_shared>>
        %dma_start3A_74 = arith.constant 0 : i32
        %dma_start3A_75 = tpu.memref_slice %arg10[%add3A_70, %dma_start3A_74] : memref<10240x128xf32, #tpu.memory_space<vmem_shared>> -> memref<32x128xf32, #tpu.memory_space<vmem_shared>>
        tpu.enqueue_dma source(%arg9 : memref<32x128xf32, #tpu.memory_space<vmem>>) target(%dma_start3A_75 : memref<32x128xf32, #tpu.memory_space<vmem_shared>>) target_semaphore(%run_scoped3A : memref<!tpu.dma_semaphore, #tpu.memory_space<semaphore_mem>>)
        %dma_wait3A_76 = arith.constant 0 : i32
        %dma_wait3A_77 = tpu.memref_slice %arg10[%add3A_70, %dma_wait3A_76] : memref<10240x128xf32, #tpu.memory_space<vmem_shared>> -> memref<32x128xf32, #tpu.memory_space<vmem_shared>>
        %dma_wait3A_78 = arith.constant 0 : i32
        %dma_wait3A_79 = tpu.memref_slice %arg10[%add3A_70, %dma_wait3A_78] : memref<10240x128xf32, #tpu.memory_space<vmem_shared>> -> memref<32x128xf32, #tpu.memory_space<vmem_shared>>
        tpu.wait_dma2 semaphore(%run_scoped3A : memref<!tpu.dma_semaphore, #tpu.memory_space<semaphore_mem>>) src(%arg9 : memref<32x128xf32, #tpu.memory_space<vmem>>) dst(%dma_wait3A_79 : memref<32x128xf32, #tpu.memory_space<vmem_shared>>)
        tpu.yield
      }) : () -> ()
      %scan3A_71 = arith.constant 0 : i32
      scf.yield %scan3A_71 : i32
    }
    %scan3A_44 = arith.constant 20 : i32
    %barrier3A = arith.constant 0 : index
    tpu.barrier barrier_id(%barrier3A)
    %while3A = arith.constant 0 : i32
    %while3A_45 = arith.constant 0 : i32
    %while3A_46 = arith.subi %select_n3A, %while3A : i32
    %while3A_47 = arith.addi %while3A, %while3A_46 : i32
    %while3A_48 = arith.constant 1 : i32
    %while3A_49 = arith.divsi %while3A_46, %while3A_48 : i32
    %while3A_50 = arith.muli %while3A_49, %while3A_48 : i32
    %while3A_51 = arith.addi %while3A, %while3A_50 : i32
    %while3A_52 = arith.constant 1 : i32
    %while3A_53 = scf.for %while3A_64 = %while3A to %while3A_51 step %while3A_52 iter_args(%while3A_65 = %while3A_45) -> (i32)  : i32 {
      %mul3A_66 = arith.constant 2 : i32
      %mul3A_67 = arith.muli %mul3A_66, %while3A_64 : i32
      %add3A_68 = arith.constant 1 : i32
      %add3A_69 = arith.addi %mul3A_67, %add3A_68 : i32
      %mul3A_70 = arith.constant 128 : i32
      %mul3A_71 = arith.muli %add3A_69, %mul3A_70 : i32
      %dma_start3A_72 = tpu.memref_slice %arg5[%mul3A_71] : memref<10496xi32, #tpu.memory_space<vmem>> -> memref<128xi32, #tpu.memory_space<vmem>>
      %dma_start3A_73 = arith.constant 0 : i32
      %dma_start3A_74 = arith.constant 0 : i32
      %dma_start3A_75 = tpu.memref_slice %arg2[%dma_start3A_73, %dma_start3A_74] : memref<10240x128xf32, #tpu.memory_space<hbm>> -> memref<10240x128xf32, #tpu.memory_space<hbm>>
      tpu.enqueue_indirect_dma source(%dma_start3A_75 : memref<10240x128xf32, #tpu.memory_space<hbm>>) target(%arg8 : memref<128x128xf32, #tpu.memory_space<vmem>>) offsets(%dma_start3A_72 : memref<128xi32, #tpu.memory_space<vmem>>) semaphore(%arg12 : memref<!tpu.dma_semaphore, #tpu.memory_space<semaphore_mem>>)
      %add3A_76 = arith.constant 1 : i32
      %add3A_77 = arith.addi %mul3A_67, %add3A_76 : i32
      %mul3A_78 = arith.constant 128 : i32
      %mul3A_79 = arith.muli %add3A_77, %mul3A_78 : i32
      %add3A_80 = arith.addi %mul3A_2, %mul3A_79 : i32
      %dma_start3A_81 = arith.constant 1 : i32
      %dma_start3A_82 = arith.constant 1 : i32
      %dma_start3A_83 = arith.constant 0 : i32
      %dma_start3A_84 = tpu.memref_slice %arg6[%dma_start3A_82, %dma_start3A_83] : memref<2x128xi32, #tpu.memory_space<vmem>> -> memref<1x128xi32, #tpu.memory_space<vmem>>
      %dma_start3A_85 = tpu.memref_squeeze %dma_start3A_84 : memref<1x128xi32, #tpu.memory_space<vmem>> -> memref<128xi32, #tpu.memory_space<vmem>>
      %dma_start3A_86 = tpu.memref_slice %arg3[%dma_start3A_81, %add3A_80] : memref<2x320000xi32, #tpu.memory_space<hbm>> -> memref<1x128xi32, #tpu.memory_space<hbm>>
      %dma_start3A_87 = tpu.memref_squeeze %dma_start3A_86 : memref<1x128xi32, #tpu.memory_space<hbm>> -> memref<128xi32, #tpu.memory_space<hbm>>
      %dma_start3A_88 = arith.constant 0 : i32
      %dma_start3A_89 = tpu.memref_slice %arg6[%dma_start3A_82, %dma_start3A_88] : memref<2x128xi32, #tpu.memory_space<vmem>> -> memref<1x128xi32, #tpu.memory_space<vmem>>
      %dma_start3A_90 = tpu.memref_squeeze %dma_start3A_89 : memref<1x128xi32, #tpu.memory_space<vmem>> -> memref<128xi32, #tpu.memory_space<vmem>>
      %dma_start3A_91 = tpu.memref_slice %arg3[%dma_start3A_81, %add3A_80] : memref<2x320000xi32, #tpu.memory_space<hbm>> -> memref<1x128xi32, #tpu.memory_space<hbm>>
      %dma_start3A_92 = tpu.memref_squeeze %dma_start3A_91 : memref<1x128xi32, #tpu.memory_space<hbm>> -> memref<128xi32, #tpu.memory_space<hbm>>
      tpu.enqueue_dma source(%dma_start3A_92 : memref<128xi32, #tpu.memory_space<hbm>>) target(%dma_start3A_90 : memref<128xi32, #tpu.memory_space<vmem>>) target_semaphore(%arg14 : memref<!tpu.dma_semaphore, #tpu.memory_space<semaphore_mem>>)
      %mul3A_93 = arith.constant 128 : i32
      %mul3A_94 = arith.muli %mul3A_67, %mul3A_93 : i32
      %add3A_95 = arith.addi %mul3A_2, %mul3A_94 : i32
      %dma_wait3A_96 = arith.constant 1 : i32
      %dma_wait3A_97 = arith.constant 0 : i32
      %dma_wait3A_98 = arith.constant 0 : i32
      %dma_wait3A_99 = tpu.memref_slice %arg6[%dma_wait3A_97, %dma_wait3A_98] : memref<2x128xi32, #tpu.memory_space<vmem>> -> memref<1x128xi32, #tpu.memory_space<vmem>>
      %dma_wait3A_100 = tpu.memref_squeeze %dma_wait3A_99 : memref<1x128xi32, #tpu.memory_space<vmem>> -> memref<128xi32, #tpu.memory_space<vmem>>
      %dma_wait3A_101 = tpu.memref_slice %arg3[%dma_wait3A_96, %add3A_95] : memref<2x320000xi32, #tpu.memory_space<hbm>> -> memref<1x128xi32, #tpu.memory_space<hbm>>
      %dma_wait3A_102 = tpu.memref_squeeze %dma_wait3A_101 : memref<1x128xi32, #tpu.memory_space<hbm>> -> memref<128xi32, #tpu.memory_space<hbm>>
      %dma_wait3A_103 = arith.constant 0 : i32
      %dma_wait3A_104 = tpu.memref_slice %arg6[%dma_wait3A_97, %dma_wait3A_103] : memref<2x128xi32, #tpu.memory_space<vmem>> -> memref<1x128xi32, #tpu.memory_space<vmem>>
      %dma_wait3A_105 = tpu.memref_squeeze %dma_wait3A_104 : memref<1x128xi32, #tpu.memory_space<vmem>> -> memref<128xi32, #tpu.memory_space<vmem>>
      %dma_wait3A_106 = tpu.memref_slice %arg3[%dma_wait3A_96, %add3A_95] : memref<2x320000xi32, #tpu.memory_space<hbm>> -> memref<1x128xi32, #tpu.memory_space<hbm>>
      %dma_wait3A_107 = tpu.memref_squeeze %dma_wait3A_106 : memref<1x128xi32, #tpu.memory_space<hbm>> -> memref<128xi32, #tpu.memory_space<hbm>>
      tpu.wait_dma2 semaphore(%arg13 : memref<!tpu.dma_semaphore, #tpu.memory_space<semaphore_mem>>) src(%dma_wait3A_107 : memref<128xi32, #tpu.memory_space<hbm>>) dst(%dma_wait3A_105 : memref<128xi32, #tpu.memory_space<vmem>>)
      %mul3A_108 = arith.constant 128 : i32
      %mul3A_109 = arith.muli %mul3A_67, %mul3A_108 : i32
      %dma_wait3A_110 = tpu.memref_slice %arg5[%mul3A_109] : memref<10496xi32, #tpu.memory_space<vmem>> -> memref<128xi32, #tpu.memory_space<vmem>>
      %dma_wait3A_111 = arith.constant 0 : i32
      %dma_wait3A_112 = arith.constant 0 : i32
      %dma_wait3A_113 = tpu.memref_slice %arg2[%dma_wait3A_111, %dma_wait3A_112] : memref<10240x128xf32, #tpu.memory_space<hbm>> -> memref<10240x128xf32, #tpu.memory_space<hbm>>
      tpu.wait_indirect_dma semaphore(%arg11 : memref<!tpu.dma_semaphore, #tpu.memory_space<semaphore_mem>>) src(%dma_wait3A_113 : memref<10240x128xf32, #tpu.memory_space<hbm>>) dst(%arg7 : memref<128x128xf32, #tpu.memory_space<vmem>>)
      %run_scoped3A = arith.constant 0 : i32
      "tpu.region"() ({
        %run_scoped3A_144 = tpu.sem_alloc : memref<!tpu.dma_semaphore, #tpu.memory_space<semaphore_mem>>
        %dma_start3A_145 = arith.constant 0 : i32
        %dma_start3A_146 = tpu.memref_slice %arg6[%run_scoped3A, %dma_start3A_145] : memref<2x128xi32, #tpu.memory_space<vmem>> -> memref<1x128xi32, #tpu.memory_space<vmem>>
        %dma_start3A_147 = tpu.memref_squeeze %dma_start3A_146 : memref<1x128xi32, #tpu.memory_space<vmem>> -> memref<128xi32, #tpu.memory_space<vmem>>
        %dma_start3A_148 = arith.constant 0 : i32
        %dma_start3A_149 = arith.constant 0 : i32
        %dma_start3A_150 = tpu.memref_slice %arg10[%dma_start3A_148, %dma_start3A_149] : memref<10240x128xf32, #tpu.memory_space<vmem_shared>> -> memref<10240x128xf32, #tpu.memory_space<vmem_shared>>
        tpu.enqueue_indirect_dma source(%arg7 : memref<128x128xf32, #tpu.memory_space<vmem>>) target(%dma_start3A_150 : memref<10240x128xf32, #tpu.memory_space<vmem_shared>>) offsets(%dma_start3A_147 : memref<128xi32, #tpu.memory_space<vmem>>) semaphore(%run_scoped3A_144 : memref<!tpu.dma_semaphore, #tpu.memory_space<semaphore_mem>>) {add = true}
        %dma_wait3A_151 = arith.constant 0 : i32
        %dma_wait3A_152 = tpu.memref_slice %arg6[%run_scoped3A, %dma_wait3A_151] : memref<2x128xi32, #tpu.memory_space<vmem>> -> memref<1x128xi32, #tpu.memory_space<vmem>>
        %dma_wait3A_153 = tpu.memref_squeeze %dma_wait3A_152 : memref<1x128xi32, #tpu.memory_space<vmem>> -> memref<128xi32, #tpu.memory_space<vmem>>
        %dma_wait3A_154 = arith.constant 0 : i32
        %dma_wait3A_155 = arith.constant 0 : i32
        %dma_wait3A_156 = tpu.memref_slice %arg10[%dma_wait3A_154, %dma_wait3A_155] : memref<10240x128xf32, #tpu.memory_space<vmem_shared>> -> memref<10240x128xf32, #tpu.memory_space<vmem_shared>>
        tpu.wait_indirect_dma semaphore(%run_scoped3A_144 : memref<!tpu.dma_semaphore, #tpu.memory_space<semaphore_mem>>) src(%arg7 : memref<128x128xf32, #tpu.memory_space<vmem>>) dst(%dma_wait3A_156 : memref<10240x128xf32, #tpu.memory_space<vmem_shared>>)
        tpu.yield
      }) : () -> ()
      %add3A_114 = arith.constant 2 : i32
      %add3A_115 = arith.addi %mul3A_67, %add3A_114 : i32
      %lt3A = arith.cmpi slt, %add3A_115, %mul3A_6 : i32
      %convert_element_type3A = arith.extui %lt3A : i1 to i32
      %cond3A = arith.constant 0 : i32
      %cond3A_116 = arith.cmpi ne, %convert_element_type3A, %cond3A : i32
      scf.if %cond3A_116 {
        %add3A_144 = arith.constant 2 : i32
        %add3A_145 = arith.addi %mul3A_67, %add3A_144 : i32
        %mul3A_146 = arith.constant 128 : i32
        %mul3A_147 = arith.muli %add3A_145, %mul3A_146 : i32
        %dma_start3A_148 = tpu.memref_slice %arg5[%mul3A_147] : memref<10496xi32, #tpu.memory_space<vmem>> -> memref<128xi32, #tpu.memory_space<vmem>>
        %dma_start3A_149 = arith.constant 0 : i32
        %dma_start3A_150 = arith.constant 0 : i32
        %dma_start3A_151 = tpu.memref_slice %arg2[%dma_start3A_149, %dma_start3A_150] : memref<10240x128xf32, #tpu.memory_space<hbm>> -> memref<10240x128xf32, #tpu.memory_space<hbm>>
        tpu.enqueue_indirect_dma source(%dma_start3A_151 : memref<10240x128xf32, #tpu.memory_space<hbm>>) target(%arg7 : memref<128x128xf32, #tpu.memory_space<vmem>>) offsets(%dma_start3A_148 : memref<128xi32, #tpu.memory_space<vmem>>) semaphore(%arg11 : memref<!tpu.dma_semaphore, #tpu.memory_space<semaphore_mem>>)
        %add3A_152 = arith.constant 2 : i32
        %add3A_153 = arith.addi %mul3A_67, %add3A_152 : i32
        %mul3A_154 = arith.constant 128 : i32
        %mul3A_155 = arith.muli %add3A_153, %mul3A_154 : i32
        %add3A_156 = arith.addi %mul3A_2, %mul3A_155 : i32
        %dma_start3A_157 = arith.constant 1 : i32
        %dma_start3A_158 = arith.constant 0 : i32
        %dma_start3A_159 = arith.constant 0 : i32
        %dma_start3A_160 = tpu.memref_slice %arg6[%dma_start3A_158, %dma_start3A_159] : memref<2x128xi32, #tpu.memory_space<vmem>> -> memref<1x128xi32, #tpu.memory_space<vmem>>
        %dma_start3A_161 = tpu.memref_squeeze %dma_start3A_160 : memref<1x128xi32, #tpu.memory_space<vmem>> -> memref<128xi32, #tpu.memory_space<vmem>>
        %dma_start3A_162 = tpu.memref_slice %arg3[%dma_start3A_157, %add3A_156] : memref<2x320000xi32, #tpu.memory_space<hbm>> -> memref<1x128xi32, #tpu.memory_space<hbm>>
        %dma_start3A_163 = tpu.memref_squeeze %dma_start3A_162 : memref<1x128xi32, #tpu.memory_space<hbm>> -> memref<128xi32, #tpu.memory_space<hbm>>
        %dma_start3A_164 = arith.constant 0 : i32
        %dma_start3A_165 = tpu.memref_slice %arg6[%dma_start3A_158, %dma_start3A_164] : memref<2x128xi32, #tpu.memory_space<vmem>> -> memref<1x128xi32, #tpu.memory_space<vmem>>
        %dma_start3A_166 = tpu.memref_squeeze %dma_start3A_165 : memref<1x128xi32, #tpu.memory_space<vmem>> -> memref<128xi32, #tpu.memory_space<vmem>>
        %dma_start3A_167 = tpu.memref_slice %arg3[%dma_start3A_157, %add3A_156] : memref<2x320000xi32, #tpu.memory_space<hbm>> -> memref<1x128xi32, #tpu.memory_space<hbm>>
        %dma_start3A_168 = tpu.memref_squeeze %dma_start3A_167 : memref<1x128xi32, #tpu.memory_space<hbm>> -> memref<128xi32, #tpu.memory_space<hbm>>
        tpu.enqueue_dma source(%dma_start3A_168 : memref<128xi32, #tpu.memory_space<hbm>>) target(%dma_start3A_166 : memref<128xi32, #tpu.memory_space<vmem>>) target_semaphore(%arg13 : memref<!tpu.dma_semaphore, #tpu.memory_space<semaphore_mem>>)
      } else {
      }
      %add3A_117 = arith.constant 1 : i32
      %add3A_118 = arith.addi %mul3A_67, %add3A_117 : i32
      %mul3A_119 = arith.constant 128 : i32
      %mul3A_120 = arith.muli %add3A_118, %mul3A_119 : i32
      %add3A_121 = arith.addi %mul3A_2, %mul3A_120 : i32
      %dma_wait3A_122 = arith.constant 1 : i32
      %dma_wait3A_123 = arith.constant 1 : i32
      %dma_wait3A_124 = arith.constant 0 : i32
      %dma_wait3A_125 = tpu.memref_slice %arg6[%dma_wait3A_123, %dma_wait3A_124] : memref<2x128xi32, #tpu.memory_space<vmem>> -> memref<1x128xi32, #tpu.memory_space<vmem>>
      %dma_wait3A_126 = tpu.memref_squeeze %dma_wait3A_125 : memref<1x128xi32, #tpu.memory_space<vmem>> -> memref<128xi32, #tpu.memory_space<vmem>>
      %dma_wait3A_127 = tpu.memref_slice %arg3[%dma_wait3A_122, %add3A_121] : memref<2x320000xi32, #tpu.memory_space<hbm>> -> memref<1x128xi32, #tpu.memory_space<hbm>>
      %dma_wait3A_128 = tpu.memref_squeeze %dma_wait3A_127 : memref<1x128xi32, #tpu.memory_space<hbm>> -> memref<128xi32, #tpu.memory_space<hbm>>
      %dma_wait3A_129 = arith.constant 0 : i32
      %dma_wait3A_130 = tpu.memref_slice %arg6[%dma_wait3A_123, %dma_wait3A_129] : memref<2x128xi32, #tpu.memory_space<vmem>> -> memref<1x128xi32, #tpu.memory_space<vmem>>
      %dma_wait3A_131 = tpu.memref_squeeze %dma_wait3A_130 : memref<1x128xi32, #tpu.memory_space<vmem>> -> memref<128xi32, #tpu.memory_space<vmem>>
      %dma_wait3A_132 = tpu.memref_slice %arg3[%dma_wait3A_122, %add3A_121] : memref<2x320000xi32, #tpu.memory_space<hbm>> -> memref<1x128xi32, #tpu.memory_space<hbm>>
      %dma_wait3A_133 = tpu.memref_squeeze %dma_wait3A_132 : memref<1x128xi32, #tpu.memory_space<hbm>> -> memref<128xi32, #tpu.memory_space<hbm>>
      tpu.wait_dma2 semaphore(%arg14 : memref<!tpu.dma_semaphore, #tpu.memory_space<semaphore_mem>>) src(%dma_wait3A_133 : memref<128xi32, #tpu.memory_space<hbm>>) dst(%dma_wait3A_131 : memref<128xi32, #tpu.memory_space<vmem>>)
      %add3A_134 = arith.constant 1 : i32
      %add3A_135 = arith.addi %mul3A_67, %add3A_134 : i32
      %mul3A_136 = arith.constant 128 : i32
      %mul3A_137 = arith.muli %add3A_135, %mul3A_136 : i32
      %dma_wait3A_138 = tpu.memref_slice %arg5[%mul3A_137] : memref<10496xi32, #tpu.memory_space<vmem>> -> memref<128xi32, #tpu.memory_space<vmem>>
      %dma_wait3A_139 = arith.constant 0 : i32
      %dma_wait3A_140 = arith.constant 0 : i32
      %dma_wait3A_141 = tpu.memref_slice %arg2[%dma_wait3A_139, %dma_wait3A_140] : memref<10240x128xf32, #tpu.memory_space<hbm>> -> memref<10240x128xf32, #tpu.memory_space<hbm>>
      tpu.wait_indirect_dma semaphore(%arg12 : memref<!tpu.dma_semaphore, #tpu.memory_space<semaphore_mem>>) src(%dma_wait3A_141 : memref<10240x128xf32, #tpu.memory_space<hbm>>) dst(%arg8 : memref<128x128xf32, #tpu.memory_space<vmem>>)
      %run_scoped3A_142 = arith.constant 1 : i32
      "tpu.region"() ({
        %run_scoped3A_144 = tpu.sem_alloc : memref<!tpu.dma_semaphore, #tpu.memory_space<semaphore_mem>>
        %dma_start3A_145 = arith.constant 0 : i32
        %dma_start3A_146 = tpu.memref_slice %arg6[%run_scoped3A_142, %dma_start3A_145] : memref<2x128xi32, #tpu.memory_space<vmem>> -> memref<1x128xi32, #tpu.memory_space<vmem>>
        %dma_start3A_147 = tpu.memref_squeeze %dma_start3A_146 : memref<1x128xi32, #tpu.memory_space<vmem>> -> memref<128xi32, #tpu.memory_space<vmem>>
        %dma_start3A_148 = arith.constant 0 : i32
        %dma_start3A_149 = arith.constant 0 : i32
        %dma_start3A_150 = tpu.memref_slice %arg10[%dma_start3A_148, %dma_start3A_149] : memref<10240x128xf32, #tpu.memory_space<vmem_shared>> -> memref<10240x128xf32, #tpu.memory_space<vmem_shared>>
        tpu.enqueue_indirect_dma source(%arg8 : memref<128x128xf32, #tpu.memory_space<vmem>>) target(%dma_start3A_150 : memref<10240x128xf32, #tpu.memory_space<vmem_shared>>) offsets(%dma_start3A_147 : memref<128xi32, #tpu.memory_space<vmem>>) semaphore(%run_scoped3A_144 : memref<!tpu.dma_semaphore, #tpu.memory_space<semaphore_mem>>) {add = true}
        %dma_wait3A_151 = arith.constant 0 : i32
        %dma_wait3A_152 = tpu.memref_slice %arg6[%run_scoped3A_142, %dma_wait3A_151] : memref<2x128xi32, #tpu.memory_space<vmem>> -> memref<1x128xi32, #tpu.memory_space<vmem>>
        %dma_wait3A_153 = tpu.memref_squeeze %dma_wait3A_152 : memref<1x128xi32, #tpu.memory_space<vmem>> -> memref<128xi32, #tpu.memory_space<vmem>>
        %dma_wait3A_154 = arith.constant 0 : i32
        %dma_wait3A_155 = arith.constant 0 : i32
        %dma_wait3A_156 = tpu.memref_slice %arg10[%dma_wait3A_154, %dma_wait3A_155] : memref<10240x128xf32, #tpu.memory_space<vmem_shared>> -> memref<10240x128xf32, #tpu.memory_space<vmem_shared>>
        tpu.wait_indirect_dma semaphore(%run_scoped3A_144 : memref<!tpu.dma_semaphore, #tpu.memory_space<semaphore_mem>>) src(%arg8 : memref<128x128xf32, #tpu.memory_space<vmem>>) dst(%dma_wait3A_156 : memref<10240x128xf32, #tpu.memory_space<vmem_shared>>)
        tpu.yield
      }) : () -> ()
      %while3A_143 = arith.constant 0 : i32
      scf.yield %while3A_143 : i32
    }
    %while3A_54 = arith.constant 1 : i32
    %while3A_55 = scf.for %while3A_64 = %while3A_51 to %while3A_47 step %while3A_54 iter_args(%while3A_65 = %while3A_53) -> (i32)  : i32 {
      %mul3A_66 = arith.constant 2 : i32
      %mul3A_67 = arith.muli %mul3A_66, %while3A_64 : i32
      %add3A_68 = arith.constant 1 : i32
      %add3A_69 = arith.addi %mul3A_67, %add3A_68 : i32
      %mul3A_70 = arith.constant 128 : i32
      %mul3A_71 = arith.muli %add3A_69, %mul3A_70 : i32
      %dma_start3A_72 = tpu.memref_slice %arg5[%mul3A_71] : memref<10496xi32, #tpu.memory_space<vmem>> -> memref<128xi32, #tpu.memory_space<vmem>>
      %dma_start3A_73 = arith.constant 0 : i32
      %dma_start3A_74 = arith.constant 0 : i32
      %dma_start3A_75 = tpu.memref_slice %arg2[%dma_start3A_73, %dma_start3A_74] : memref<10240x128xf32, #tpu.memory_space<hbm>> -> memref<10240x128xf32, #tpu.memory_space<hbm>>
      tpu.enqueue_indirect_dma source(%dma_start3A_75 : memref<10240x128xf32, #tpu.memory_space<hbm>>) target(%arg8 : memref<128x128xf32, #tpu.memory_space<vmem>>) offsets(%dma_start3A_72 : memref<128xi32, #tpu.memory_space<vmem>>) semaphore(%arg12 : memref<!tpu.dma_semaphore, #tpu.memory_space<semaphore_mem>>)
      %add3A_76 = arith.constant 1 : i32
      %add3A_77 = arith.addi %mul3A_67, %add3A_76 : i32
      %mul3A_78 = arith.constant 128 : i32
      %mul3A_79 = arith.muli %add3A_77, %mul3A_78 : i32
      %add3A_80 = arith.addi %mul3A_2, %mul3A_79 : i32
      %dma_start3A_81 = arith.constant 1 : i32
      %dma_start3A_82 = arith.constant 1 : i32
      %dma_start3A_83 = arith.constant 0 : i32
      %dma_start3A_84 = tpu.memref_slice %arg6[%dma_start3A_82, %dma_start3A_83] : memref<2x128xi32, #tpu.memory_space<vmem>> -> memref<1x128xi32, #tpu.memory_space<vmem>>
      %dma_start3A_85 = tpu.memref_squeeze %dma_start3A_84 : memref<1x128xi32, #tpu.memory_space<vmem>> -> memref<128xi32, #tpu.memory_space<vmem>>
      %dma_start3A_86 = tpu.memref_slice %arg3[%dma_start3A_81, %add3A_80] : memref<2x320000xi32, #tpu.memory_space<hbm>> -> memref<1x128xi32, #tpu.memory_space<hbm>>
      %dma_start3A_87 = tpu.memref_squeeze %dma_start3A_86 : memref<1x128xi32, #tpu.memory_space<hbm>> -> memref<128xi32, #tpu.memory_space<hbm>>
      %dma_start3A_88 = arith.constant 0 : i32
      %dma_start3A_89 = tpu.memref_slice %arg6[%dma_start3A_82, %dma_start3A_88] : memref<2x128xi32, #tpu.memory_space<vmem>> -> memref<1x128xi32, #tpu.memory_space<vmem>>
      %dma_start3A_90 = tpu.memref_squeeze %dma_start3A_89 : memref<1x128xi32, #tpu.memory_space<vmem>> -> memref<128xi32, #tpu.memory_space<vmem>>
      %dma_start3A_91 = tpu.memref_slice %arg3[%dma_start3A_81, %add3A_80] : memref<2x320000xi32, #tpu.memory_space<hbm>> -> memref<1x128xi32, #tpu.memory_space<hbm>>
      %dma_start3A_92 = tpu.memref_squeeze %dma_start3A_91 : memref<1x128xi32, #tpu.memory_space<hbm>> -> memref<128xi32, #tpu.memory_space<hbm>>
      tpu.enqueue_dma source(%dma_start3A_92 : memref<128xi32, #tpu.memory_space<hbm>>) target(%dma_start3A_90 : memref<128xi32, #tpu.memory_space<vmem>>) target_semaphore(%arg14 : memref<!tpu.dma_semaphore, #tpu.memory_space<semaphore_mem>>)
      %mul3A_93 = arith.constant 128 : i32
      %mul3A_94 = arith.muli %mul3A_67, %mul3A_93 : i32
      %add3A_95 = arith.addi %mul3A_2, %mul3A_94 : i32
      %dma_wait3A_96 = arith.constant 1 : i32
      %dma_wait3A_97 = arith.constant 0 : i32
      %dma_wait3A_98 = arith.constant 0 : i32
      %dma_wait3A_99 = tpu.memref_slice %arg6[%dma_wait3A_97, %dma_wait3A_98] : memref<2x128xi32, #tpu.memory_space<vmem>> -> memref<1x128xi32, #tpu.memory_space<vmem>>
      %dma_wait3A_100 = tpu.memref_squeeze %dma_wait3A_99 : memref<1x128xi32, #tpu.memory_space<vmem>> -> memref<128xi32, #tpu.memory_space<vmem>>
      %dma_wait3A_101 = tpu.memref_slice %arg3[%dma_wait3A_96, %add3A_95] : memref<2x320000xi32, #tpu.memory_space<hbm>> -> memref<1x128xi32, #tpu.memory_space<hbm>>
      %dma_wait3A_102 = tpu.memref_squeeze %dma_wait3A_101 : memref<1x128xi32, #tpu.memory_space<hbm>> -> memref<128xi32, #tpu.memory_space<hbm>>
      %dma_wait3A_103 = arith.constant 0 : i32
      %dma_wait3A_104 = tpu.memref_slice %arg6[%dma_wait3A_97, %dma_wait3A_103] : memref<2x128xi32, #tpu.memory_space<vmem>> -> memref<1x128xi32, #tpu.memory_space<vmem>>
      %dma_wait3A_105 = tpu.memref_squeeze %dma_wait3A_104 : memref<1x128xi32, #tpu.memory_space<vmem>> -> memref<128xi32, #tpu.memory_space<vmem>>
      %dma_wait3A_106 = tpu.memref_slice %arg3[%dma_wait3A_96, %add3A_95] : memref<2x320000xi32, #tpu.memory_space<hbm>> -> memref<1x128xi32, #tpu.memory_space<hbm>>
      %dma_wait3A_107 = tpu.memref_squeeze %dma_wait3A_106 : memref<1x128xi32, #tpu.memory_space<hbm>> -> memref<128xi32, #tpu.memory_space<hbm>>
      tpu.wait_dma2 semaphore(%arg13 : memref<!tpu.dma_semaphore, #tpu.memory_space<semaphore_mem>>) src(%dma_wait3A_107 : memref<128xi32, #tpu.memory_space<hbm>>) dst(%dma_wait3A_105 : memref<128xi32, #tpu.memory_space<vmem>>)
      %mul3A_108 = arith.constant 128 : i32
      %mul3A_109 = arith.muli %mul3A_67, %mul3A_108 : i32
      %dma_wait3A_110 = tpu.memref_slice %arg5[%mul3A_109] : memref<10496xi32, #tpu.memory_space<vmem>> -> memref<128xi32, #tpu.memory_space<vmem>>
      %dma_wait3A_111 = arith.constant 0 : i32
      %dma_wait3A_112 = arith.constant 0 : i32
      %dma_wait3A_113 = tpu.memref_slice %arg2[%dma_wait3A_111, %dma_wait3A_112] : memref<10240x128xf32, #tpu.memory_space<hbm>> -> memref<10240x128xf32, #tpu.memory_space<hbm>>
      tpu.wait_indirect_dma semaphore(%arg11 : memref<!tpu.dma_semaphore, #tpu.memory_space<semaphore_mem>>) src(%dma_wait3A_113 : memref<10240x128xf32, #tpu.memory_space<hbm>>) dst(%arg7 : memref<128x128xf32, #tpu.memory_space<vmem>>)
      %run_scoped3A = arith.constant 0 : i32
      "tpu.region"() ({
        %run_scoped3A_144 = tpu.sem_alloc : memref<!tpu.dma_semaphore, #tpu.memory_space<semaphore_mem>>
        %dma_start3A_145 = arith.constant 0 : i32
        %dma_start3A_146 = tpu.memref_slice %arg6[%run_scoped3A, %dma_start3A_145] : memref<2x128xi32, #tpu.memory_space<vmem>> -> memref<1x128xi32, #tpu.memory_space<vmem>>
        %dma_start3A_147 = tpu.memref_squeeze %dma_start3A_146 : memref<1x128xi32, #tpu.memory_space<vmem>> -> memref<128xi32, #tpu.memory_space<vmem>>
        %dma_start3A_148 = arith.constant 0 : i32
        %dma_start3A_149 = arith.constant 0 : i32
        %dma_start3A_150 = tpu.memref_slice %arg10[%dma_start3A_148, %dma_start3A_149] : memref<10240x128xf32, #tpu.memory_space<vmem_shared>> -> memref<10240x128xf32, #tpu.memory_space<vmem_shared>>
        tpu.enqueue_indirect_dma source(%arg7 : memref<128x128xf32, #tpu.memory_space<vmem>>) target(%dma_start3A_150 : memref<10240x128xf32, #tpu.memory_space<vmem_shared>>) offsets(%dma_start3A_147 : memref<128xi32, #tpu.memory_space<vmem>>) semaphore(%run_scoped3A_144 : memref<!tpu.dma_semaphore, #tpu.memory_space<semaphore_mem>>) {add = true}
        %dma_wait3A_151 = arith.constant 0 : i32
        %dma_wait3A_152 = tpu.memref_slice %arg6[%run_scoped3A, %dma_wait3A_151] : memref<2x128xi32, #tpu.memory_space<vmem>> -> memref<1x128xi32, #tpu.memory_space<vmem>>
        %dma_wait3A_153 = tpu.memref_squeeze %dma_wait3A_152 : memref<1x128xi32, #tpu.memory_space<vmem>> -> memref<128xi32, #tpu.memory_space<vmem>>
        %dma_wait3A_154 = arith.constant 0 : i32
        %dma_wait3A_155 = arith.constant 0 : i32
        %dma_wait3A_156 = tpu.memref_slice %arg10[%dma_wait3A_154, %dma_wait3A_155] : memref<10240x128xf32, #tpu.memory_space<vmem_shared>> -> memref<10240x128xf32, #tpu.memory_space<vmem_shared>>
        tpu.wait_indirect_dma semaphore(%run_scoped3A_144 : memref<!tpu.dma_semaphore, #tpu.memory_space<semaphore_mem>>) src(%arg7 : memref<128x128xf32, #tpu.memory_space<vmem>>) dst(%dma_wait3A_156 : memref<10240x128xf32, #tpu.memory_space<vmem_shared>>)
        tpu.yield
      }) : () -> ()
      %add3A_114 = arith.constant 2 : i32
      %add3A_115 = arith.addi %mul3A_67, %add3A_114 : i32
      %lt3A = arith.cmpi slt, %add3A_115, %mul3A_6 : i32
      %convert_element_type3A = arith.extui %lt3A : i1 to i32
      %cond3A = arith.constant 0 : i32
      %cond3A_116 = arith.cmpi ne, %convert_element_type3A, %cond3A : i32
      scf.if %cond3A_116 {
        %add3A_144 = arith.constant 2 : i32
        %add3A_145 = arith.addi %mul3A_67, %add3A_144 : i32
        %mul3A_146 = arith.constant 128 : i32
        %mul3A_147 = arith.muli %add3A_145, %mul3A_146 : i32
        %dma_start3A_148 = tpu.memref_slice %arg5[%mul3A_147] : memref<10496xi32, #tpu.memory_space<vmem>> -> memref<128xi32, #tpu.memory_space<vmem>>
        %dma_start3A_149 = arith.constant 0 : i32
        %dma_start3A_150 = arith.constant 0 : i32
        %dma_start3A_151 = tpu.memref_slice %arg2[%dma_start3A_149, %dma_start3A_150] : memref<10240x128xf32, #tpu.memory_space<hbm>> -> memref<10240x128xf32, #tpu.memory_space<hbm>>
        tpu.enqueue_indirect_dma source(%dma_start3A_151 : memref<10240x128xf32, #tpu.memory_space<hbm>>) target(%arg7 : memref<128x128xf32, #tpu.memory_space<vmem>>) offsets(%dma_start3A_148 : memref<128xi32, #tpu.memory_space<vmem>>) semaphore(%arg11 : memref<!tpu.dma_semaphore, #tpu.memory_space<semaphore_mem>>)
        %add3A_152 = arith.constant 2 : i32
        %add3A_153 = arith.addi %mul3A_67, %add3A_152 : i32
        %mul3A_154 = arith.constant 128 : i32
        %mul3A_155 = arith.muli %add3A_153, %mul3A_154 : i32
        %add3A_156 = arith.addi %mul3A_2, %mul3A_155 : i32
        %dma_start3A_157 = arith.constant 1 : i32
        %dma_start3A_158 = arith.constant 0 : i32
        %dma_start3A_159 = arith.constant 0 : i32
        %dma_start3A_160 = tpu.memref_slice %arg6[%dma_start3A_158, %dma_start3A_159] : memref<2x128xi32, #tpu.memory_space<vmem>> -> memref<1x128xi32, #tpu.memory_space<vmem>>
        %dma_start3A_161 = tpu.memref_squeeze %dma_start3A_160 : memref<1x128xi32, #tpu.memory_space<vmem>> -> memref<128xi32, #tpu.memory_space<vmem>>
        %dma_start3A_162 = tpu.memref_slice %arg3[%dma_start3A_157, %add3A_156] : memref<2x320000xi32, #tpu.memory_space<hbm>> -> memref<1x128xi32, #tpu.memory_space<hbm>>
        %dma_start3A_163 = tpu.memref_squeeze %dma_start3A_162 : memref<1x128xi32, #tpu.memory_space<hbm>> -> memref<128xi32, #tpu.memory_space<hbm>>
        %dma_start3A_164 = arith.constant 0 : i32
        %dma_start3A_165 = tpu.memref_slice %arg6[%dma_start3A_158, %dma_start3A_164] : memref<2x128xi32, #tpu.memory_space<vmem>> -> memref<1x128xi32, #tpu.memory_space<vmem>>
        %dma_start3A_166 = tpu.memref_squeeze %dma_start3A_165 : memref<1x128xi32, #tpu.memory_space<vmem>> -> memref<128xi32, #tpu.memory_space<vmem>>
        %dma_start3A_167 = tpu.memref_slice %arg3[%dma_start3A_157, %add3A_156] : memref<2x320000xi32, #tpu.memory_space<hbm>> -> memref<1x128xi32, #tpu.memory_space<hbm>>
        %dma_start3A_168 = tpu.memref_squeeze %dma_start3A_167 : memref<1x128xi32, #tpu.memory_space<hbm>> -> memref<128xi32, #tpu.memory_space<hbm>>
        tpu.enqueue_dma source(%dma_start3A_168 : memref<128xi32, #tpu.memory_space<hbm>>) target(%dma_start3A_166 : memref<128xi32, #tpu.memory_space<vmem>>) target_semaphore(%arg13 : memref<!tpu.dma_semaphore, #tpu.memory_space<semaphore_mem>>)
      } else {
      }
      %add3A_117 = arith.constant 1 : i32
      %add3A_118 = arith.addi %mul3A_67, %add3A_117 : i32
      %mul3A_119 = arith.constant 128 : i32
      %mul3A_120 = arith.muli %add3A_118, %mul3A_119 : i32
      %add3A_121 = arith.addi %mul3A_2, %mul3A_120 : i32
      %dma_wait3A_122 = arith.constant 1 : i32
      %dma_wait3A_123 = arith.constant 1 : i32
      %dma_wait3A_124 = arith.constant 0 : i32
      %dma_wait3A_125 = tpu.memref_slice %arg6[%dma_wait3A_123, %dma_wait3A_124] : memref<2x128xi32, #tpu.memory_space<vmem>> -> memref<1x128xi32, #tpu.memory_space<vmem>>
      %dma_wait3A_126 = tpu.memref_squeeze %dma_wait3A_125 : memref<1x128xi32, #tpu.memory_space<vmem>> -> memref<128xi32, #tpu.memory_space<vmem>>
      %dma_wait3A_127 = tpu.memref_slice %arg3[%dma_wait3A_122, %add3A_121] : memref<2x320000xi32, #tpu.memory_space<hbm>> -> memref<1x128xi32, #tpu.memory_space<hbm>>
      %dma_wait3A_128 = tpu.memref_squeeze %dma_wait3A_127 : memref<1x128xi32, #tpu.memory_space<hbm>> -> memref<128xi32, #tpu.memory_space<hbm>>
      %dma_wait3A_129 = arith.constant 0 : i32
      %dma_wait3A_130 = tpu.memref_slice %arg6[%dma_wait3A_123, %dma_wait3A_129] : memref<2x128xi32, #tpu.memory_space<vmem>> -> memref<1x128xi32, #tpu.memory_space<vmem>>
      %dma_wait3A_131 = tpu.memref_squeeze %dma_wait3A_130 : memref<1x128xi32, #tpu.memory_space<vmem>> -> memref<128xi32, #tpu.memory_space<vmem>>
      %dma_wait3A_132 = tpu.memref_slice %arg3[%dma_wait3A_122, %add3A_121] : memref<2x320000xi32, #tpu.memory_space<hbm>> -> memref<1x128xi32, #tpu.memory_space<hbm>>
      %dma_wait3A_133 = tpu.memref_squeeze %dma_wait3A_132 : memref<1x128xi32, #tpu.memory_space<hbm>> -> memref<128xi32, #tpu.memory_space<hbm>>
      tpu.wait_dma2 semaphore(%arg14 : memref<!tpu.dma_semaphore, #tpu.memory_space<semaphore_mem>>) src(%dma_wait3A_133 : memref<128xi32, #tpu.memory_space<hbm>>) dst(%dma_wait3A_131 : memref<128xi32, #tpu.memory_space<vmem>>)
      %add3A_134 = arith.constant 1 : i32
      %add3A_135 = arith.addi %mul3A_67, %add3A_134 : i32
      %mul3A_136 = arith.constant 128 : i32
      %mul3A_137 = arith.muli %add3A_135, %mul3A_136 : i32
      %dma_wait3A_138 = tpu.memref_slice %arg5[%mul3A_137] : memref<10496xi32, #tpu.memory_space<vmem>> -> memref<128xi32, #tpu.memory_space<vmem>>
      %dma_wait3A_139 = arith.constant 0 : i32
      %dma_wait3A_140 = arith.constant 0 : i32
      %dma_wait3A_141 = tpu.memref_slice %arg2[%dma_wait3A_139, %dma_wait3A_140] : memref<10240x128xf32, #tpu.memory_space<hbm>> -> memref<10240x128xf32, #tpu.memory_space<hbm>>
      tpu.wait_indirect_dma semaphore(%arg12 : memref<!tpu.dma_semaphore, #tpu.memory_space<semaphore_mem>>) src(%dma_wait3A_141 : memref<10240x128xf32, #tpu.memory_space<hbm>>) dst(%arg8 : memref<128x128xf32, #tpu.memory_space<vmem>>)
      %run_scoped3A_142 = arith.constant 1 : i32
      "tpu.region"() ({
        %run_scoped3A_144 = tpu.sem_alloc : memref<!tpu.dma_semaphore, #tpu.memory_space<semaphore_mem>>
        %dma_start3A_145 = arith.constant 0 : i32
        %dma_start3A_146 = tpu.memref_slice %arg6[%run_scoped3A_142, %dma_start3A_145] : memref<2x128xi32, #tpu.memory_space<vmem>> -> memref<1x128xi32, #tpu.memory_space<vmem>>
        %dma_start3A_147 = tpu.memref_squeeze %dma_start3A_146 : memref<1x128xi32, #tpu.memory_space<vmem>> -> memref<128xi32, #tpu.memory_space<vmem>>
        %dma_start3A_148 = arith.constant 0 : i32
        %dma_start3A_149 = arith.constant 0 : i32
        %dma_start3A_150 = tpu.memref_slice %arg10[%dma_start3A_148, %dma_start3A_149] : memref<10240x128xf32, #tpu.memory_space<vmem_shared>> -> memref<10240x128xf32, #tpu.memory_space<vmem_shared>>
        tpu.enqueue_indirect_dma source(%arg8 : memref<128x128xf32, #tpu.memory_space<vmem>>) target(%dma_start3A_150 : memref<10240x128xf32, #tpu.memory_space<vmem_shared>>) offsets(%dma_start3A_147 : memref<128xi32, #tpu.memory_space<vmem>>) semaphore(%run_scoped3A_144 : memref<!tpu.dma_semaphore, #tpu.memory_space<semaphore_mem>>) {add = true}
        %dma_wait3A_151 = arith.constant 0 : i32
        %dma_wait3A_152 = tpu.memref_slice %arg6[%run_scoped3A_142, %dma_wait3A_151] : memref<2x128xi32, #tpu.memory_space<vmem>> -> memref<1x128xi32, #tpu.memory_space<vmem>>
        %dma_wait3A_153 = tpu.memref_squeeze %dma_wait3A_152 : memref<1x128xi32, #tpu.memory_space<vmem>> -> memref<128xi32, #tpu.memory_space<vmem>>
        %dma_wait3A_154 = arith.constant 0 : i32
        %dma_wait3A_155 = arith.constant 0 : i32
        %dma_wait3A_156 = tpu.memref_slice %arg10[%dma_wait3A_154, %dma_wait3A_155] : memref<10240x128xf32, #tpu.memory_space<vmem_shared>> -> memref<10240x128xf32, #tpu.memory_space<vmem_shared>>
        tpu.wait_indirect_dma semaphore(%run_scoped3A_144 : memref<!tpu.dma_semaphore, #tpu.memory_space<semaphore_mem>>) src(%arg8 : memref<128x128xf32, #tpu.memory_space<vmem>>) dst(%dma_wait3A_156 : memref<10240x128xf32, #tpu.memory_space<vmem_shared>>)
        tpu.yield
      }) : () -> ()
      %while3A_143 = arith.constant 0 : i32
      scf.yield %while3A_143 : i32
    }
    %barrier3A_56 = arith.constant 0 : index
    tpu.barrier barrier_id(%barrier3A_56)
    %scan3A_57 = arith.constant 0 : i32
    %scan3A_58 = arith.constant 0 : i32
    %scan3A_59 = arith.constant 5 : i32
    %scan3A_60 = arith.addi %scan3A_58, %scan3A_59 : i32
    %scan3A_61 = arith.constant 1 : i32
    %scan3A_62 = scf.for %scan3A_64 = %scan3A_58 to %scan3A_60 step %scan3A_61 iter_args(%scan3A_65 = %scan3A_57) -> (i32)  : i32 {
      %mul3A_66 = arith.constant 640 : i32
      %mul3A_67 = arith.muli %arg1, %mul3A_66 : i32
      %mul3A_68 = arith.constant 128 : i32
      %mul3A_69 = arith.muli %scan3A_64, %mul3A_68 : i32
      %add3A_70 = arith.addi %mul3A_67, %mul3A_69 : i32
      %mul3A_71 = arith.constant 640 : i32
      %mul3A_72 = arith.muli %arg1, %mul3A_71 : i32
      %mul3A_73 = arith.constant 128 : i32
      %mul3A_74 = arith.muli %scan3A_64, %mul3A_73 : i32
      %add3A_75 = arith.addi %mul3A_72, %mul3A_74 : i32
      "tpu.region"() ({
        %run_scoped3A = tpu.sem_alloc : memref<!tpu.dma_semaphore, #tpu.memory_space<semaphore_mem>>
        %dma_start3A_77 = arith.constant 0 : i32
        %dma_start3A_78 = tpu.memref_slice %arg4[%arg0, %add3A_75, %dma_start3A_77] : memref<2x10240x128xf32, #tpu.memory_space<hbm>> -> memref<1x128x128xf32, #tpu.memory_space<hbm>>
        %dma_start3A_79 = tpu.memref_squeeze %dma_start3A_78 : memref<1x128x128xf32, #tpu.memory_space<hbm>> -> memref<128x128xf32, #tpu.memory_space<hbm>>
        %dma_start3A_80 = arith.constant 0 : i32
        %dma_start3A_81 = tpu.memref_slice %arg10[%add3A_70, %dma_start3A_80] : memref<10240x128xf32, #tpu.memory_space<vmem_shared>> -> memref<128x128xf32, #tpu.memory_space<vmem_shared>>
        tpu.enqueue_dma source(%dma_start3A_81 : memref<128x128xf32, #tpu.memory_space<vmem_shared>>) target(%dma_start3A_79 : memref<128x128xf32, #tpu.memory_space<hbm>>) target_semaphore(%run_scoped3A : memref<!tpu.dma_semaphore, #tpu.memory_space<semaphore_mem>>)
        %dma_wait3A_82 = arith.constant 0 : i32
        %dma_wait3A_83 = tpu.memref_slice %arg4[%arg0, %add3A_75, %dma_wait3A_82] : memref<2x10240x128xf32, #tpu.memory_space<hbm>> -> memref<1x128x128xf32, #tpu.memory_space<hbm>>
        %dma_wait3A_84 = tpu.memref_squeeze %dma_wait3A_83 : memref<1x128x128xf32, #tpu.memory_space<hbm>> -> memref<128x128xf32, #tpu.memory_space<hbm>>
        %dma_wait3A_85 = arith.constant 0 : i32
        %dma_wait3A_86 = tpu.memref_slice %arg10[%add3A_70, %dma_wait3A_85] : memref<10240x128xf32, #tpu.memory_space<vmem_shared>> -> memref<128x128xf32, #tpu.memory_space<vmem_shared>>
        tpu.wait_dma2 semaphore(%run_scoped3A : memref<!tpu.dma_semaphore, #tpu.memory_space<semaphore_mem>>) src(%dma_wait3A_86 : memref<128x128xf32, #tpu.memory_space<vmem_shared>>) dst(%dma_wait3A_84 : memref<128x128xf32, #tpu.memory_space<hbm>>)
        tpu.yield
      }) : () -> ()
      %scan3A_76 = arith.constant 0 : i32
      scf.yield %scan3A_76 : i32
    }
    %scan3A_63 = arith.constant 5 : i32
    return
  }
}

#map = affine_map<(d0, d1) -> (0, 0)>
#map1 = affine_map<(d0, d1) -> (0, 0, 0)>
module attributes {stable_mosaic.version = 14 : i64} {
  func.func @_agg_body(%arg0: i32, %arg1: i32, %arg2: memref<10240x128xf32, #tpu.memory_space<hbm>>, %arg3: memref<2x320000xi32, #tpu.memory_space<hbm>>, %arg4: memref<2x10240x128xf32, #tpu.memory_space<hbm>>, %arg5: memref<10496xi32, #tpu.memory_space<vmem>>, %arg6: memref<2x128xi32, #tpu.memory_space<vmem>>, %arg7: memref<128x128xf32, #tpu.memory_space<vmem>>, %arg8: memref<128x128xf32, #tpu.memory_space<vmem>>, %arg9: memref<32x128xf32, #tpu.memory_space<vmem>>, %arg10: memref<10240x128xf32, #tpu.memory_space<vmem_shared>>, %arg11: memref<!tpu.dma_semaphore, #tpu.memory_space<semaphore_mem>>, %arg12: memref<!tpu.dma_semaphore, #tpu.memory_space<semaphore_mem>>, %arg13: memref<!tpu.dma_semaphore, #tpu.memory_space<semaphore_mem>>, %arg14: memref<!tpu.dma_semaphore, #tpu.memory_space<semaphore_mem>>, %arg15: memref<!tpu.dma_semaphore, #tpu.memory_space<semaphore_mem>>) attributes {dimension_semantics = [#tpu.dimension_semantics<core_parallel>, #tpu.dimension_semantics<subcore_parallel>], iteration_bounds = array<i64: 2, 16>, scalar_prefetch = 0 : i64, scratch_operands = 11 : i64, tpu.core_type = #tpu.core_type<sc_vector_subcore>, window_params = [{transform_indices = #map}, {transform_indices = #map}, {transform_indices = #map1}]} {
    %mul3A = arith.constant 16 : i32
    %mul3A_0 = arith.muli %arg0, %mul3A : i32
    %add3A = arith.addi %mul3A_0, %arg1 : i32
    %mul3A_1 = arith.constant 9984 : i32
    %mul3A_2 = arith.muli %add3A, %mul3A_1 : i32
    %eq3A = arith.constant 31 : i32
    %eq3A_3 = arith.cmpi eq, %add3A, %eq3A : i32
    %jit3A = arith.constant 41 : i32
    %jit3A_4 = arith.constant 39 : i32
    %select_n3A = arith.select %eq3A_3, %jit3A, %jit3A_4 : i32
    %mul3A_5 = arith.constant 2 : i32
    %mul3A_6 = arith.muli %mul3A_5, %select_n3A : i32
    %dma_start3A = arith.constant 0 : i32
    %dma_start3A_7 = tpu.memref_slice %arg3[%dma_start3A, %mul3A_2] : memref<2x320000xi32, #tpu.memory_space<hbm>> -> memref<1x10496xi32, #tpu.memory_space<hbm>>
    %dma_start3A_8 = tpu.memref_squeeze %dma_start3A_7 : memref<1x10496xi32, #tpu.memory_space<hbm>> -> memref<10496xi32, #tpu.memory_space<hbm>>
    %dma_start3A_9 = tpu.memref_slice %arg3[%dma_start3A, %mul3A_2] : memref<2x320000xi32, #tpu.memory_space<hbm>> -> memref<1x10496xi32, #tpu.memory_space<hbm>>
    %dma_start3A_10 = tpu.memref_squeeze %dma_start3A_9 : memref<1x10496xi32, #tpu.memory_space<hbm>> -> memref<10496xi32, #tpu.memory_space<hbm>>
    tpu.enqueue_dma source(%dma_start3A_10 : memref<10496xi32, #tpu.memory_space<hbm>>) target(%arg5 : memref<10496xi32, #tpu.memory_space<vmem>>) target_semaphore(%arg15 : memref<!tpu.dma_semaphore, #tpu.memory_space<semaphore_mem>>)
    %scan3A = arith.constant 0 : i32
    %scan3A_11 = arith.constant 0 : i32
    %scan3A_12 = arith.constant 32 : i32
    %scan3A_13 = arith.addi %scan3A_11, %scan3A_12 : i32
    %scan3A_14 = arith.constant 1 : i32
    %scan3A_15 = scf.for %scan3A_64 = %scan3A_11 to %scan3A_13 step %scan3A_14 iter_args(%scan3A_65 = %scan3A) -> (i32)  : i32 {
      %scan3A_66 = arith.constant 0 : i32
      %scan3A_67 = arith.constant 0 : i32
      %scan3A_68 = arith.constant 8 : i32
      %scan3A_69 = arith.addi %scan3A_67, %scan3A_68 : i32
      %scan3A_70 = arith.constant 1 : i32
      %scan3A_71 = scf.for %scan3A_74 = %scan3A_67 to %scan3A_69 step %scan3A_70 iter_args(%scan3A_75 = %scan3A_66) -> (i32)  : i32 {
        %broadcast_in_dim3A = arith.constant 0.000000e+00 : f32
        %broadcast_in_dim3A_76 = vector.broadcast %broadcast_in_dim3A : f32 to vector<16xf32>
        %mul3A_77 = arith.constant 16 : i32
        %mul3A_78 = arith.muli %scan3A_74, %mul3A_77 : i32
        %swap3A = arith.index_cast %scan3A_64 : i32 to index
        %swap3A_79 = arith.index_cast %mul3A_78 : i32 to index
        %swap3A_80 = tpu.vector_load %arg9[%swap3A, %swap3A_79] {strides = array<i32>} : memref<32x128xf32, #tpu.memory_space<vmem>>, vector<1x16xf32>,
        %swap3A_81 = vector.shape_cast %swap3A_80 : vector<1x16xf32> to vector<16xf32>
        %swap3A_82 = vector.shape_cast %broadcast_in_dim3A_76 : vector<16xf32> to vector<1x16xf32>
        tpu.vector_store %arg9[%swap3A, %swap3A_79], %swap3A_82 {strides = array<i32>} : memref<32x128xf32, #tpu.memory_space<vmem>>, vector<1x16xf32>,
        %scan3A_83 = arith.constant 0 : i32
        scf.yield %scan3A_83 : i32
      }
      %scan3A_72 = arith.constant 8 : i32
      %scan3A_73 = arith.constant 0 : i32
      scf.yield %scan3A_73 : i32
    }
    %scan3A_16 = arith.constant 32 : i32
    %dma_wait3A = arith.constant 0 : i32
    %dma_wait3A_17 = tpu.memref_slice %arg3[%dma_wait3A, %mul3A_2] : memref<2x320000xi32, #tpu.memory_space<hbm>> -> memref<1x10496xi32, #tpu.memory_space<hbm>>
    %dma_wait3A_18 = tpu.memref_squeeze %dma_wait3A_17 : memref<1x10496xi32, #tpu.memory_space<hbm>> -> memref<10496xi32, #tpu.memory_space<hbm>>
    %dma_wait3A_19 = tpu.memref_slice %arg3[%dma_wait3A, %mul3A_2] : memref<2x320000xi32, #tpu.memory_space<hbm>> -> memref<1x10496xi32, #tpu.memory_space<hbm>>
    %dma_wait3A_20 = tpu.memref_squeeze %dma_wait3A_19 : memref<1x10496xi32, #tpu.memory_space<hbm>> -> memref<10496xi32, #tpu.memory_space<hbm>>
    tpu.wait_dma2 semaphore(%arg15 : memref<!tpu.dma_semaphore, #tpu.memory_space<semaphore_mem>>) src(%dma_wait3A_20 : memref<10496xi32, #tpu.memory_space<hbm>>) dst(%arg5 : memref<10496xi32, #tpu.memory_space<vmem>>)
    %dma_start3A_21 = arith.constant 1 : i32
    %dma_start3A_22 = arith.constant 0 : i32
    %dma_start3A_23 = arith.constant 0 : i32
    %dma_start3A_24 = tpu.memref_slice %arg6[%dma_start3A_22, %dma_start3A_23] : memref<2x128xi32, #tpu.memory_space<vmem>> -> memref<1x128xi32, #tpu.memory_space<vmem>>
    %dma_start3A_25 = tpu.memref_squeeze %dma_start3A_24 : memref<1x128xi32, #tpu.memory_space<vmem>> -> memref<128xi32, #tpu.memory_space<vmem>>
    %dma_start3A_26 = tpu.memref_slice %arg3[%dma_start3A_21, %mul3A_2] : memref<2x320000xi32, #tpu.memory_space<hbm>> -> memref<1x128xi32, #tpu.memory_space<hbm>>
    %dma_start3A_27 = tpu.memref_squeeze %dma_start3A_26 : memref<1x128xi32, #tpu.memory_space<hbm>> -> memref<128xi32, #tpu.memory_space<hbm>>
    %dma_start3A_28 = arith.constant 0 : i32
    %dma_start3A_29 = tpu.memref_slice %arg6[%dma_start3A_22, %dma_start3A_28] : memref<2x128xi32, #tpu.memory_space<vmem>> -> memref<1x128xi32, #tpu.memory_space<vmem>>
    %dma_start3A_30 = tpu.memref_squeeze %dma_start3A_29 : memref<1x128xi32, #tpu.memory_space<vmem>> -> memref<128xi32, #tpu.memory_space<vmem>>
    %dma_start3A_31 = tpu.memref_slice %arg3[%dma_start3A_21, %mul3A_2] : memref<2x320000xi32, #tpu.memory_space<hbm>> -> memref<1x128xi32, #tpu.memory_space<hbm>>
    %dma_start3A_32 = tpu.memref_squeeze %dma_start3A_31 : memref<1x128xi32, #tpu.memory_space<hbm>> -> memref<128xi32, #tpu.memory_space<hbm>>
    tpu.enqueue_dma source(%dma_start3A_32 : memref<128xi32, #tpu.memory_space<hbm>>) target(%dma_start3A_30 : memref<128xi32, #tpu.memory_space<vmem>>) target_semaphore(%arg13 : memref<!tpu.dma_semaphore, #tpu.memory_space<semaphore_mem>>)
    %dma_start3A_33 = arith.constant 0 : i32
    %dma_start3A_34 = tpu.memref_slice %arg5[%dma_start3A_33] : memref<10496xi32, #tpu.memory_space<vmem>> -> memref<128xi32, #tpu.memory_space<vmem>>
    %dma_start3A_35 = arith.constant 0 : i32
    %dma_start3A_36 = arith.constant 0 : i32
    %dma_start3A_37 = tpu.memref_slice %arg2[%dma_start3A_35, %dma_start3A_36] : memref<10240x128xf32, #tpu.memory_space<hbm>> -> memref<10240x128xf32, #tpu.memory_space<hbm>>
    tpu.enqueue_indirect_dma source(%dma_start3A_37 : memref<10240x128xf32, #tpu.memory_space<hbm>>) target(%arg7 : memref<128x128xf32, #tpu.memory_space<vmem>>) offsets(%dma_start3A_34 : memref<128xi32, #tpu.memory_space<vmem>>) semaphore(%arg11 : memref<!tpu.dma_semaphore, #tpu.memory_space<semaphore_mem>>)
    %scan3A_38 = arith.constant 0 : i32
    %scan3A_39 = arith.constant 0 : i32
    %scan3A_40 = arith.constant 20 : i32
    %scan3A_41 = arith.addi %scan3A_39, %scan3A_40 : i32
    %scan3A_42 = arith.constant 1 : i32
    %scan3A_43 = scf.for %scan3A_64 = %scan3A_39 to %scan3A_41 step %scan3A_42 iter_args(%scan3A_65 = %scan3A_38) -> (i32)  : i32 {
      %mul3A_66 = arith.constant 640 : i32
      %mul3A_67 = arith.muli %arg1, %mul3A_66 : i32
      %mul3A_68 = arith.constant 32 : i32
      %mul3A_69 = arith.muli %scan3A_64, %mul3A_68 : i32
      %add3A_70 = arith.addi %mul3A_67, %mul3A_69 : i32
      "tpu.region"() ({
        %run_scoped3A = tpu.sem_alloc : memref<!tpu.dma_semaphore, #tpu.memory_space<semaphore_mem>>
        %dma_start3A_72 = arith.constant 0 : i32
        %dma_start3A_73 = tpu.memref_slice %arg10[%add3A_70, %dma_start3A_72] : memref<10240x128xf32, #tpu.memory_space<vmem_shared>> -> memref<32x128xf32, #tpu.memory_space<vmem_shared>>
        %dma_start3A_74 = arith.constant 0 : i32
        %dma_start3A_75 = tpu.memref_slice %arg10[%add3A_70, %dma_start3A_74] : memref<10240x128xf32, #tpu.memory_space<vmem_shared>> -> memref<32x128xf32, #tpu.memory_space<vmem_shared>>
        tpu.enqueue_dma source(%arg9 : memref<32x128xf32, #tpu.memory_space<vmem>>) target(%dma_start3A_75 : memref<32x128xf32, #tpu.memory_space<vmem_shared>>) target_semaphore(%run_scoped3A : memref<!tpu.dma_semaphore, #tpu.memory_space<semaphore_mem>>)
        %dma_wait3A_76 = arith.constant 0 : i32
        %dma_wait3A_77 = tpu.memref_slice %arg10[%add3A_70, %dma_wait3A_76] : memref<10240x128xf32, #tpu.memory_space<vmem_shared>> -> memref<32x128xf32, #tpu.memory_space<vmem_shared>>
        %dma_wait3A_78 = arith.constant 0 : i32
        %dma_wait3A_79 = tpu.memref_slice %arg10[%add3A_70, %dma_wait3A_78] : memref<10240x128xf32, #tpu.memory_space<vmem_shared>> -> memref<32x128xf32, #tpu.memory_space<vmem_shared>>
        tpu.wait_dma2 semaphore(%run_scoped3A : memref<!tpu.dma_semaphore, #tpu.memory_space<semaphore_mem>>) src(%arg9 : memref<32x128xf32, #tpu.memory_space<vmem>>) dst(%dma_wait3A_79 : memref<32x128xf32, #tpu.memory_space<vmem_shared>>)
        tpu.yield
      }) : () -> ()
      %scan3A_71 = arith.constant 0 : i32
      scf.yield %scan3A_71 : i32
    }
    %scan3A_44 = arith.constant 20 : i32
    %barrier3A = arith.constant 0 : index
    tpu.barrier barrier_id(%barrier3A)
    %while3A = arith.constant 0 : i32
    %while3A_45 = arith.constant 0 : i32
    %while3A_46 = arith.subi %select_n3A, %while3A : i32
    %while3A_47 = arith.addi %while3A, %while3A_46 : i32
    %while3A_48 = arith.constant 1 : i32
    %while3A_49 = arith.divsi %while3A_46, %while3A_48 : i32
    %while3A_50 = arith.muli %while3A_49, %while3A_48 : i32
    %while3A_51 = arith.addi %while3A, %while3A_50 : i32
    %while3A_52 = arith.constant 1 : i32
    %while3A_53 = scf.for %while3A_64 = %while3A to %while3A_51 step %while3A_52 iter_args(%while3A_65 = %while3A_45) -> (i32)  : i32 {
      %mul3A_66 = arith.constant 2 : i32
      %mul3A_67 = arith.muli %mul3A_66, %while3A_64 : i32
      %add3A_68 = arith.constant 1 : i32
      %add3A_69 = arith.addi %mul3A_67, %add3A_68 : i32
      %mul3A_70 = arith.constant 128 : i32
      %mul3A_71 = arith.muli %add3A_69, %mul3A_70 : i32
      %dma_start3A_72 = tpu.memref_slice %arg5[%mul3A_71] : memref<10496xi32, #tpu.memory_space<vmem>> -> memref<128xi32, #tpu.memory_space<vmem>>
      %dma_start3A_73 = arith.constant 0 : i32
      %dma_start3A_74 = arith.constant 0 : i32
      %dma_start3A_75 = tpu.memref_slice %arg2[%dma_start3A_73, %dma_start3A_74] : memref<10240x128xf32, #tpu.memory_space<hbm>> -> memref<10240x128xf32, #tpu.memory_space<hbm>>
      tpu.enqueue_indirect_dma source(%dma_start3A_75 : memref<10240x128xf32, #tpu.memory_space<hbm>>) target(%arg8 : memref<128x128xf32, #tpu.memory_space<vmem>>) offsets(%dma_start3A_72 : memref<128xi32, #tpu.memory_space<vmem>>) semaphore(%arg12 : memref<!tpu.dma_semaphore, #tpu.memory_space<semaphore_mem>>)
      %add3A_76 = arith.constant 1 : i32
      %add3A_77 = arith.addi %mul3A_67, %add3A_76 : i32
      %mul3A_78 = arith.constant 128 : i32
      %mul3A_79 = arith.muli %add3A_77, %mul3A_78 : i32
      %add3A_80 = arith.addi %mul3A_2, %mul3A_79 : i32
      %dma_start3A_81 = arith.constant 1 : i32
      %dma_start3A_82 = arith.constant 1 : i32
      %dma_start3A_83 = arith.constant 0 : i32
      %dma_start3A_84 = tpu.memref_slice %arg6[%dma_start3A_82, %dma_start3A_83] : memref<2x128xi32, #tpu.memory_space<vmem>> -> memref<1x128xi32, #tpu.memory_space<vmem>>
      %dma_start3A_85 = tpu.memref_squeeze %dma_start3A_84 : memref<1x128xi32, #tpu.memory_space<vmem>> -> memref<128xi32, #tpu.memory_space<vmem>>
      %dma_start3A_86 = tpu.memref_slice %arg3[%dma_start3A_81, %add3A_80] : memref<2x320000xi32, #tpu.memory_space<hbm>> -> memref<1x128xi32, #tpu.memory_space<hbm>>
      %dma_start3A_87 = tpu.memref_squeeze %dma_start3A_86 : memref<1x128xi32, #tpu.memory_space<hbm>> -> memref<128xi32, #tpu.memory_space<hbm>>
      %dma_start3A_88 = arith.constant 0 : i32
      %dma_start3A_89 = tpu.memref_slice %arg6[%dma_start3A_82, %dma_start3A_88] : memref<2x128xi32, #tpu.memory_space<vmem>> -> memref<1x128xi32, #tpu.memory_space<vmem>>
      %dma_start3A_90 = tpu.memref_squeeze %dma_start3A_89 : memref<1x128xi32, #tpu.memory_space<vmem>> -> memref<128xi32, #tpu.memory_space<vmem>>
      %dma_start3A_91 = tpu.memref_slice %arg3[%dma_start3A_81, %add3A_80] : memref<2x320000xi32, #tpu.memory_space<hbm>> -> memref<1x128xi32, #tpu.memory_space<hbm>>
      %dma_start3A_92 = tpu.memref_squeeze %dma_start3A_91 : memref<1x128xi32, #tpu.memory_space<hbm>> -> memref<128xi32, #tpu.memory_space<hbm>>
      tpu.enqueue_dma source(%dma_start3A_92 : memref<128xi32, #tpu.memory_space<hbm>>) target(%dma_start3A_90 : memref<128xi32, #tpu.memory_space<vmem>>) target_semaphore(%arg14 : memref<!tpu.dma_semaphore, #tpu.memory_space<semaphore_mem>>)
      %mul3A_93 = arith.constant 128 : i32
      %mul3A_94 = arith.muli %mul3A_67, %mul3A_93 : i32
      %add3A_95 = arith.addi %mul3A_2, %mul3A_94 : i32
      %dma_wait3A_96 = arith.constant 1 : i32
      %dma_wait3A_97 = arith.constant 0 : i32
      %dma_wait3A_98 = arith.constant 0 : i32
      %dma_wait3A_99 = tpu.memref_slice %arg6[%dma_wait3A_97, %dma_wait3A_98] : memref<2x128xi32, #tpu.memory_space<vmem>> -> memref<1x128xi32, #tpu.memory_space<vmem>>
      %dma_wait3A_100 = tpu.memref_squeeze %dma_wait3A_99 : memref<1x128xi32, #tpu.memory_space<vmem>> -> memref<128xi32, #tpu.memory_space<vmem>>
      %dma_wait3A_101 = tpu.memref_slice %arg3[%dma_wait3A_96, %add3A_95] : memref<2x320000xi32, #tpu.memory_space<hbm>> -> memref<1x128xi32, #tpu.memory_space<hbm>>
      %dma_wait3A_102 = tpu.memref_squeeze %dma_wait3A_101 : memref<1x128xi32, #tpu.memory_space<hbm>> -> memref<128xi32, #tpu.memory_space<hbm>>
      %dma_wait3A_103 = arith.constant 0 : i32
      %dma_wait3A_104 = tpu.memref_slice %arg6[%dma_wait3A_97, %dma_wait3A_103] : memref<2x128xi32, #tpu.memory_space<vmem>> -> memref<1x128xi32, #tpu.memory_space<vmem>>
      %dma_wait3A_105 = tpu.memref_squeeze %dma_wait3A_104 : memref<1x128xi32, #tpu.memory_space<vmem>> -> memref<128xi32, #tpu.memory_space<vmem>>
      %dma_wait3A_106 = tpu.memref_slice %arg3[%dma_wait3A_96, %add3A_95] : memref<2x320000xi32, #tpu.memory_space<hbm>> -> memref<1x128xi32, #tpu.memory_space<hbm>>
      %dma_wait3A_107 = tpu.memref_squeeze %dma_wait3A_106 : memref<1x128xi32, #tpu.memory_space<hbm>> -> memref<128xi32, #tpu.memory_space<hbm>>
      tpu.wait_dma2 semaphore(%arg13 : memref<!tpu.dma_semaphore, #tpu.memory_space<semaphore_mem>>) src(%dma_wait3A_107 : memref<128xi32, #tpu.memory_space<hbm>>) dst(%dma_wait3A_105 : memref<128xi32, #tpu.memory_space<vmem>>)
      %mul3A_108 = arith.constant 128 : i32
      %mul3A_109 = arith.muli %mul3A_67, %mul3A_108 : i32
      %dma_wait3A_110 = tpu.memref_slice %arg5[%mul3A_109] : memref<10496xi32, #tpu.memory_space<vmem>> -> memref<128xi32, #tpu.memory_space<vmem>>
      %dma_wait3A_111 = arith.constant 0 : i32
      %dma_wait3A_112 = arith.constant 0 : i32
      %dma_wait3A_113 = tpu.memref_slice %arg2[%dma_wait3A_111, %dma_wait3A_112] : memref<10240x128xf32, #tpu.memory_space<hbm>> -> memref<10240x128xf32, #tpu.memory_space<hbm>>
      tpu.wait_indirect_dma semaphore(%arg11 : memref<!tpu.dma_semaphore, #tpu.memory_space<semaphore_mem>>) src(%dma_wait3A_113 : memref<10240x128xf32, #tpu.memory_space<hbm>>) dst(%arg7 : memref<128x128xf32, #tpu.memory_space<vmem>>)
      %run_scoped3A = arith.constant 0 : i32
      "tpu.region"() ({
        %run_scoped3A_144 = tpu.sem_alloc : memref<!tpu.dma_semaphore, #tpu.memory_space<semaphore_mem>>
        %dma_start3A_145 = arith.constant 0 : i32
        %dma_start3A_146 = tpu.memref_slice %arg6[%run_scoped3A, %dma_start3A_145] : memref<2x128xi32, #tpu.memory_space<vmem>> -> memref<1x128xi32, #tpu.memory_space<vmem>>
        %dma_start3A_147 = tpu.memref_squeeze %dma_start3A_146 : memref<1x128xi32, #tpu.memory_space<vmem>> -> memref<128xi32, #tpu.memory_space<vmem>>
        %dma_start3A_148 = arith.constant 0 : i32
        %dma_start3A_149 = arith.constant 0 : i32
        %dma_start3A_150 = tpu.memref_slice %arg10[%dma_start3A_148, %dma_start3A_149] : memref<10240x128xf32, #tpu.memory_space<vmem_shared>> -> memref<10240x128xf32, #tpu.memory_space<vmem_shared>>
        tpu.enqueue_indirect_dma source(%arg7 : memref<128x128xf32, #tpu.memory_space<vmem>>) target(%dma_start3A_150 : memref<10240x128xf32, #tpu.memory_space<vmem_shared>>) offsets(%dma_start3A_147 : memref<128xi32, #tpu.memory_space<vmem>>) semaphore(%run_scoped3A_144 : memref<!tpu.dma_semaphore, #tpu.memory_space<semaphore_mem>>) {add = true}
        %dma_wait3A_151 = arith.constant 0 : i32
        %dma_wait3A_152 = tpu.memref_slice %arg6[%run_scoped3A, %dma_wait3A_151] : memref<2x128xi32, #tpu.memory_space<vmem>> -> memref<1x128xi32, #tpu.memory_space<vmem>>
        %dma_wait3A_153 = tpu.memref_squeeze %dma_wait3A_152 : memref<1x128xi32, #tpu.memory_space<vmem>> -> memref<128xi32, #tpu.memory_space<vmem>>
        %dma_wait3A_154 = arith.constant 0 : i32
        %dma_wait3A_155 = arith.constant 0 : i32
        %dma_wait3A_156 = tpu.memref_slice %arg10[%dma_wait3A_154, %dma_wait3A_155] : memref<10240x128xf32, #tpu.memory_space<vmem_shared>> -> memref<10240x128xf32, #tpu.memory_space<vmem_shared>>
        tpu.wait_indirect_dma semaphore(%run_scoped3A_144 : memref<!tpu.dma_semaphore, #tpu.memory_space<semaphore_mem>>) src(%arg7 : memref<128x128xf32, #tpu.memory_space<vmem>>) dst(%dma_wait3A_156 : memref<10240x128xf32, #tpu.memory_space<vmem_shared>>)
        tpu.yield
      }) : () -> ()
      %add3A_114 = arith.constant 2 : i32
      %add3A_115 = arith.addi %mul3A_67, %add3A_114 : i32
      %lt3A = arith.cmpi slt, %add3A_115, %mul3A_6 : i32
      %convert_element_type3A = arith.extui %lt3A : i1 to i32
      %cond3A = arith.constant 0 : i32
      %cond3A_116 = arith.cmpi ne, %convert_element_type3A, %cond3A : i32
      scf.if %cond3A_116 {
        %add3A_144 = arith.constant 2 : i32
        %add3A_145 = arith.addi %mul3A_67, %add3A_144 : i32
        %mul3A_146 = arith.constant 128 : i32
        %mul3A_147 = arith.muli %add3A_145, %mul3A_146 : i32
        %dma_start3A_148 = tpu.memref_slice %arg5[%mul3A_147] : memref<10496xi32, #tpu.memory_space<vmem>> -> memref<128xi32, #tpu.memory_space<vmem>>
        %dma_start3A_149 = arith.constant 0 : i32
        %dma_start3A_150 = arith.constant 0 : i32
        %dma_start3A_151 = tpu.memref_slice %arg2[%dma_start3A_149, %dma_start3A_150] : memref<10240x128xf32, #tpu.memory_space<hbm>> -> memref<10240x128xf32, #tpu.memory_space<hbm>>
        tpu.enqueue_indirect_dma source(%dma_start3A_151 : memref<10240x128xf32, #tpu.memory_space<hbm>>) target(%arg7 : memref<128x128xf32, #tpu.memory_space<vmem>>) offsets(%dma_start3A_148 : memref<128xi32, #tpu.memory_space<vmem>>) semaphore(%arg11 : memref<!tpu.dma_semaphore, #tpu.memory_space<semaphore_mem>>)
        %add3A_152 = arith.constant 2 : i32
        %add3A_153 = arith.addi %mul3A_67, %add3A_152 : i32
        %mul3A_154 = arith.constant 128 : i32
        %mul3A_155 = arith.muli %add3A_153, %mul3A_154 : i32
        %add3A_156 = arith.addi %mul3A_2, %mul3A_155 : i32
        %dma_start3A_157 = arith.constant 1 : i32
        %dma_start3A_158 = arith.constant 0 : i32
        %dma_start3A_159 = arith.constant 0 : i32
        %dma_start3A_160 = tpu.memref_slice %arg6[%dma_start3A_158, %dma_start3A_159] : memref<2x128xi32, #tpu.memory_space<vmem>> -> memref<1x128xi32, #tpu.memory_space<vmem>>
        %dma_start3A_161 = tpu.memref_squeeze %dma_start3A_160 : memref<1x128xi32, #tpu.memory_space<vmem>> -> memref<128xi32, #tpu.memory_space<vmem>>
        %dma_start3A_162 = tpu.memref_slice %arg3[%dma_start3A_157, %add3A_156] : memref<2x320000xi32, #tpu.memory_space<hbm>> -> memref<1x128xi32, #tpu.memory_space<hbm>>
        %dma_start3A_163 = tpu.memref_squeeze %dma_start3A_162 : memref<1x128xi32, #tpu.memory_space<hbm>> -> memref<128xi32, #tpu.memory_space<hbm>>
        %dma_start3A_164 = arith.constant 0 : i32
        %dma_start3A_165 = tpu.memref_slice %arg6[%dma_start3A_158, %dma_start3A_164] : memref<2x128xi32, #tpu.memory_space<vmem>> -> memref<1x128xi32, #tpu.memory_space<vmem>>
        %dma_start3A_166 = tpu.memref_squeeze %dma_start3A_165 : memref<1x128xi32, #tpu.memory_space<vmem>> -> memref<128xi32, #tpu.memory_space<vmem>>
        %dma_start3A_167 = tpu.memref_slice %arg3[%dma_start3A_157, %add3A_156] : memref<2x320000xi32, #tpu.memory_space<hbm>> -> memref<1x128xi32, #tpu.memory_space<hbm>>
        %dma_start3A_168 = tpu.memref_squeeze %dma_start3A_167 : memref<1x128xi32, #tpu.memory_space<hbm>> -> memref<128xi32, #tpu.memory_space<hbm>>
        tpu.enqueue_dma source(%dma_start3A_168 : memref<128xi32, #tpu.memory_space<hbm>>) target(%dma_start3A_166 : memref<128xi32, #tpu.memory_space<vmem>>) target_semaphore(%arg13 : memref<!tpu.dma_semaphore, #tpu.memory_space<semaphore_mem>>)
      } else {
      }
      %add3A_117 = arith.constant 1 : i32
      %add3A_118 = arith.addi %mul3A_67, %add3A_117 : i32
      %mul3A_119 = arith.constant 128 : i32
      %mul3A_120 = arith.muli %add3A_118, %mul3A_119 : i32
      %add3A_121 = arith.addi %mul3A_2, %mul3A_120 : i32
      %dma_wait3A_122 = arith.constant 1 : i32
      %dma_wait3A_123 = arith.constant 1 : i32
      %dma_wait3A_124 = arith.constant 0 : i32
      %dma_wait3A_125 = tpu.memref_slice %arg6[%dma_wait3A_123, %dma_wait3A_124] : memref<2x128xi32, #tpu.memory_space<vmem>> -> memref<1x128xi32, #tpu.memory_space<vmem>>
      %dma_wait3A_126 = tpu.memref_squeeze %dma_wait3A_125 : memref<1x128xi32, #tpu.memory_space<vmem>> -> memref<128xi32, #tpu.memory_space<vmem>>
      %dma_wait3A_127 = tpu.memref_slice %arg3[%dma_wait3A_122, %add3A_121] : memref<2x320000xi32, #tpu.memory_space<hbm>> -> memref<1x128xi32, #tpu.memory_space<hbm>>
      %dma_wait3A_128 = tpu.memref_squeeze %dma_wait3A_127 : memref<1x128xi32, #tpu.memory_space<hbm>> -> memref<128xi32, #tpu.memory_space<hbm>>
      %dma_wait3A_129 = arith.constant 0 : i32
      %dma_wait3A_130 = tpu.memref_slice %arg6[%dma_wait3A_123, %dma_wait3A_129] : memref<2x128xi32, #tpu.memory_space<vmem>> -> memref<1x128xi32, #tpu.memory_space<vmem>>
      %dma_wait3A_131 = tpu.memref_squeeze %dma_wait3A_130 : memref<1x128xi32, #tpu.memory_space<vmem>> -> memref<128xi32, #tpu.memory_space<vmem>>
      %dma_wait3A_132 = tpu.memref_slice %arg3[%dma_wait3A_122, %add3A_121] : memref<2x320000xi32, #tpu.memory_space<hbm>> -> memref<1x128xi32, #tpu.memory_space<hbm>>
      %dma_wait3A_133 = tpu.memref_squeeze %dma_wait3A_132 : memref<1x128xi32, #tpu.memory_space<hbm>> -> memref<128xi32, #tpu.memory_space<hbm>>
      tpu.wait_dma2 semaphore(%arg14 : memref<!tpu.dma_semaphore, #tpu.memory_space<semaphore_mem>>) src(%dma_wait3A_133 : memref<128xi32, #tpu.memory_space<hbm>>) dst(%dma_wait3A_131 : memref<128xi32, #tpu.memory_space<vmem>>)
      %add3A_134 = arith.constant 1 : i32
      %add3A_135 = arith.addi %mul3A_67, %add3A_134 : i32
      %mul3A_136 = arith.constant 128 : i32
      %mul3A_137 = arith.muli %add3A_135, %mul3A_136 : i32
      %dma_wait3A_138 = tpu.memref_slice %arg5[%mul3A_137] : memref<10496xi32, #tpu.memory_space<vmem>> -> memref<128xi32, #tpu.memory_space<vmem>>
      %dma_wait3A_139 = arith.constant 0 : i32
      %dma_wait3A_140 = arith.constant 0 : i32
      %dma_wait3A_141 = tpu.memref_slice %arg2[%dma_wait3A_139, %dma_wait3A_140] : memref<10240x128xf32, #tpu.memory_space<hbm>> -> memref<10240x128xf32, #tpu.memory_space<hbm>>
      tpu.wait_indirect_dma semaphore(%arg12 : memref<!tpu.dma_semaphore, #tpu.memory_space<semaphore_mem>>) src(%dma_wait3A_141 : memref<10240x128xf32, #tpu.memory_space<hbm>>) dst(%arg8 : memref<128x128xf32, #tpu.memory_space<vmem>>)
      %run_scoped3A_142 = arith.constant 1 : i32
      "tpu.region"() ({
        %run_scoped3A_144 = tpu.sem_alloc : memref<!tpu.dma_semaphore, #tpu.memory_space<semaphore_mem>>
        %dma_start3A_145 = arith.constant 0 : i32
        %dma_start3A_146 = tpu.memref_slice %arg6[%run_scoped3A_142, %dma_start3A_145] : memref<2x128xi32, #tpu.memory_space<vmem>> -> memref<1x128xi32, #tpu.memory_space<vmem>>
        %dma_start3A_147 = tpu.memref_squeeze %dma_start3A_146 : memref<1x128xi32, #tpu.memory_space<vmem>> -> memref<128xi32, #tpu.memory_space<vmem>>
        %dma_start3A_148 = arith.constant 0 : i32
        %dma_start3A_149 = arith.constant 0 : i32
        %dma_start3A_150 = tpu.memref_slice %arg10[%dma_start3A_148, %dma_start3A_149] : memref<10240x128xf32, #tpu.memory_space<vmem_shared>> -> memref<10240x128xf32, #tpu.memory_space<vmem_shared>>
        tpu.enqueue_indirect_dma source(%arg8 : memref<128x128xf32, #tpu.memory_space<vmem>>) target(%dma_start3A_150 : memref<10240x128xf32, #tpu.memory_space<vmem_shared>>) offsets(%dma_start3A_147 : memref<128xi32, #tpu.memory_space<vmem>>) semaphore(%run_scoped3A_144 : memref<!tpu.dma_semaphore, #tpu.memory_space<semaphore_mem>>) {add = true}
        %dma_wait3A_151 = arith.constant 0 : i32
        %dma_wait3A_152 = tpu.memref_slice %arg6[%run_scoped3A_142, %dma_wait3A_151] : memref<2x128xi32, #tpu.memory_space<vmem>> -> memref<1x128xi32, #tpu.memory_space<vmem>>
        %dma_wait3A_153 = tpu.memref_squeeze %dma_wait3A_152 : memref<1x128xi32, #tpu.memory_space<vmem>> -> memref<128xi32, #tpu.memory_space<vmem>>
        %dma_wait3A_154 = arith.constant 0 : i32
        %dma_wait3A_155 = arith.constant 0 : i32
        %dma_wait3A_156 = tpu.memref_slice %arg10[%dma_wait3A_154, %dma_wait3A_155] : memref<10240x128xf32, #tpu.memory_space<vmem_shared>> -> memref<10240x128xf32, #tpu.memory_space<vmem_shared>>
        tpu.wait_indirect_dma semaphore(%run_scoped3A_144 : memref<!tpu.dma_semaphore, #tpu.memory_space<semaphore_mem>>) src(%arg8 : memref<128x128xf32, #tpu.memory_space<vmem>>) dst(%dma_wait3A_156 : memref<10240x128xf32, #tpu.memory_space<vmem_shared>>)
        tpu.yield
      }) : () -> ()
      %while3A_143 = arith.constant 0 : i32
      scf.yield %while3A_143 : i32
    }
    %while3A_54 = arith.constant 1 : i32
    %while3A_55 = scf.for %while3A_64 = %while3A_51 to %while3A_47 step %while3A_54 iter_args(%while3A_65 = %while3A_53) -> (i32)  : i32 {
      %mul3A_66 = arith.constant 2 : i32
      %mul3A_67 = arith.muli %mul3A_66, %while3A_64 : i32
      %add3A_68 = arith.constant 1 : i32
      %add3A_69 = arith.addi %mul3A_67, %add3A_68 : i32
      %mul3A_70 = arith.constant 128 : i32
      %mul3A_71 = arith.muli %add3A_69, %mul3A_70 : i32
      %dma_start3A_72 = tpu.memref_slice %arg5[%mul3A_71] : memref<10496xi32, #tpu.memory_space<vmem>> -> memref<128xi32, #tpu.memory_space<vmem>>
      %dma_start3A_73 = arith.constant 0 : i32
      %dma_start3A_74 = arith.constant 0 : i32
      %dma_start3A_75 = tpu.memref_slice %arg2[%dma_start3A_73, %dma_start3A_74] : memref<10240x128xf32, #tpu.memory_space<hbm>> -> memref<10240x128xf32, #tpu.memory_space<hbm>>
      tpu.enqueue_indirect_dma source(%dma_start3A_75 : memref<10240x128xf32, #tpu.memory_space<hbm>>) target(%arg8 : memref<128x128xf32, #tpu.memory_space<vmem>>) offsets(%dma_start3A_72 : memref<128xi32, #tpu.memory_space<vmem>>) semaphore(%arg12 : memref<!tpu.dma_semaphore, #tpu.memory_space<semaphore_mem>>)
      %add3A_76 = arith.constant 1 : i32
      %add3A_77 = arith.addi %mul3A_67, %add3A_76 : i32
      %mul3A_78 = arith.constant 128 : i32
      %mul3A_79 = arith.muli %add3A_77, %mul3A_78 : i32
      %add3A_80 = arith.addi %mul3A_2, %mul3A_79 : i32
      %dma_start3A_81 = arith.constant 1 : i32
      %dma_start3A_82 = arith.constant 1 : i32
      %dma_start3A_83 = arith.constant 0 : i32
      %dma_start3A_84 = tpu.memref_slice %arg6[%dma_start3A_82, %dma_start3A_83] : memref<2x128xi32, #tpu.memory_space<vmem>> -> memref<1x128xi32, #tpu.memory_space<vmem>>
      %dma_start3A_85 = tpu.memref_squeeze %dma_start3A_84 : memref<1x128xi32, #tpu.memory_space<vmem>> -> memref<128xi32, #tpu.memory_space<vmem>>
      %dma_start3A_86 = tpu.memref_slice %arg3[%dma_start3A_81, %add3A_80] : memref<2x320000xi32, #tpu.memory_space<hbm>> -> memref<1x128xi32, #tpu.memory_space<hbm>>
      %dma_start3A_87 = tpu.memref_squeeze %dma_start3A_86 : memref<1x128xi32, #tpu.memory_space<hbm>> -> memref<128xi32, #tpu.memory_space<hbm>>
      %dma_start3A_88 = arith.constant 0 : i32
      %dma_start3A_89 = tpu.memref_slice %arg6[%dma_start3A_82, %dma_start3A_88] : memref<2x128xi32, #tpu.memory_space<vmem>> -> memref<1x128xi32, #tpu.memory_space<vmem>>
      %dma_start3A_90 = tpu.memref_squeeze %dma_start3A_89 : memref<1x128xi32, #tpu.memory_space<vmem>> -> memref<128xi32, #tpu.memory_space<vmem>>
      %dma_start3A_91 = tpu.memref_slice %arg3[%dma_start3A_81, %add3A_80] : memref<2x320000xi32, #tpu.memory_space<hbm>> -> memref<1x128xi32, #tpu.memory_space<hbm>>
      %dma_start3A_92 = tpu.memref_squeeze %dma_start3A_91 : memref<1x128xi32, #tpu.memory_space<hbm>> -> memref<128xi32, #tpu.memory_space<hbm>>
      tpu.enqueue_dma source(%dma_start3A_92 : memref<128xi32, #tpu.memory_space<hbm>>) target(%dma_start3A_90 : memref<128xi32, #tpu.memory_space<vmem>>) target_semaphore(%arg14 : memref<!tpu.dma_semaphore, #tpu.memory_space<semaphore_mem>>)
      %mul3A_93 = arith.constant 128 : i32
      %mul3A_94 = arith.muli %mul3A_67, %mul3A_93 : i32
      %add3A_95 = arith.addi %mul3A_2, %mul3A_94 : i32
      %dma_wait3A_96 = arith.constant 1 : i32
      %dma_wait3A_97 = arith.constant 0 : i32
      %dma_wait3A_98 = arith.constant 0 : i32
      %dma_wait3A_99 = tpu.memref_slice %arg6[%dma_wait3A_97, %dma_wait3A_98] : memref<2x128xi32, #tpu.memory_space<vmem>> -> memref<1x128xi32, #tpu.memory_space<vmem>>
      %dma_wait3A_100 = tpu.memref_squeeze %dma_wait3A_99 : memref<1x128xi32, #tpu.memory_space<vmem>> -> memref<128xi32, #tpu.memory_space<vmem>>
      %dma_wait3A_101 = tpu.memref_slice %arg3[%dma_wait3A_96, %add3A_95] : memref<2x320000xi32, #tpu.memory_space<hbm>> -> memref<1x128xi32, #tpu.memory_space<hbm>>
      %dma_wait3A_102 = tpu.memref_squeeze %dma_wait3A_101 : memref<1x128xi32, #tpu.memory_space<hbm>> -> memref<128xi32, #tpu.memory_space<hbm>>
      %dma_wait3A_103 = arith.constant 0 : i32
      %dma_wait3A_104 = tpu.memref_slice %arg6[%dma_wait3A_97, %dma_wait3A_103] : memref<2x128xi32, #tpu.memory_space<vmem>> -> memref<1x128xi32, #tpu.memory_space<vmem>>
      %dma_wait3A_105 = tpu.memref_squeeze %dma_wait3A_104 : memref<1x128xi32, #tpu.memory_space<vmem>> -> memref<128xi32, #tpu.memory_space<vmem>>
      %dma_wait3A_106 = tpu.memref_slice %arg3[%dma_wait3A_96, %add3A_95] : memref<2x320000xi32, #tpu.memory_space<hbm>> -> memref<1x128xi32, #tpu.memory_space<hbm>>
      %dma_wait3A_107 = tpu.memref_squeeze %dma_wait3A_106 : memref<1x128xi32, #tpu.memory_space<hbm>> -> memref<128xi32, #tpu.memory_space<hbm>>
      tpu.wait_dma2 semaphore(%arg13 : memref<!tpu.dma_semaphore, #tpu.memory_space<semaphore_mem>>) src(%dma_wait3A_107 : memref<128xi32, #tpu.memory_space<hbm>>) dst(%dma_wait3A_105 : memref<128xi32, #tpu.memory_space<vmem>>)
      %mul3A_108 = arith.constant 128 : i32
      %mul3A_109 = arith.muli %mul3A_67, %mul3A_108 : i32
      %dma_wait3A_110 = tpu.memref_slice %arg5[%mul3A_109] : memref<10496xi32, #tpu.memory_space<vmem>> -> memref<128xi32, #tpu.memory_space<vmem>>
      %dma_wait3A_111 = arith.constant 0 : i32
      %dma_wait3A_112 = arith.constant 0 : i32
      %dma_wait3A_113 = tpu.memref_slice %arg2[%dma_wait3A_111, %dma_wait3A_112] : memref<10240x128xf32, #tpu.memory_space<hbm>> -> memref<10240x128xf32, #tpu.memory_space<hbm>>
      tpu.wait_indirect_dma semaphore(%arg11 : memref<!tpu.dma_semaphore, #tpu.memory_space<semaphore_mem>>) src(%dma_wait3A_113 : memref<10240x128xf32, #tpu.memory_space<hbm>>) dst(%arg7 : memref<128x128xf32, #tpu.memory_space<vmem>>)
      %run_scoped3A = arith.constant 0 : i32
      "tpu.region"() ({
        %run_scoped3A_144 = tpu.sem_alloc : memref<!tpu.dma_semaphore, #tpu.memory_space<semaphore_mem>>
        %dma_start3A_145 = arith.constant 0 : i32
        %dma_start3A_146 = tpu.memref_slice %arg6[%run_scoped3A, %dma_start3A_145] : memref<2x128xi32, #tpu.memory_space<vmem>> -> memref<1x128xi32, #tpu.memory_space<vmem>>
        %dma_start3A_147 = tpu.memref_squeeze %dma_start3A_146 : memref<1x128xi32, #tpu.memory_space<vmem>> -> memref<128xi32, #tpu.memory_space<vmem>>
        %dma_start3A_148 = arith.constant 0 : i32
        %dma_start3A_149 = arith.constant 0 : i32
        %dma_start3A_150 = tpu.memref_slice %arg10[%dma_start3A_148, %dma_start3A_149] : memref<10240x128xf32, #tpu.memory_space<vmem_shared>> -> memref<10240x128xf32, #tpu.memory_space<vmem_shared>>
        tpu.enqueue_indirect_dma source(%arg7 : memref<128x128xf32, #tpu.memory_space<vmem>>) target(%dma_start3A_150 : memref<10240x128xf32, #tpu.memory_space<vmem_shared>>) offsets(%dma_start3A_147 : memref<128xi32, #tpu.memory_space<vmem>>) semaphore(%run_scoped3A_144 : memref<!tpu.dma_semaphore, #tpu.memory_space<semaphore_mem>>) {add = true}
        %dma_wait3A_151 = arith.constant 0 : i32
        %dma_wait3A_152 = tpu.memref_slice %arg6[%run_scoped3A, %dma_wait3A_151] : memref<2x128xi32, #tpu.memory_space<vmem>> -> memref<1x128xi32, #tpu.memory_space<vmem>>
        %dma_wait3A_153 = tpu.memref_squeeze %dma_wait3A_152 : memref<1x128xi32, #tpu.memory_space<vmem>> -> memref<128xi32, #tpu.memory_space<vmem>>
        %dma_wait3A_154 = arith.constant 0 : i32
        %dma_wait3A_155 = arith.constant 0 : i32
        %dma_wait3A_156 = tpu.memref_slice %arg10[%dma_wait3A_154, %dma_wait3A_155] : memref<10240x128xf32, #tpu.memory_space<vmem_shared>> -> memref<10240x128xf32, #tpu.memory_space<vmem_shared>>
        tpu.wait_indirect_dma semaphore(%run_scoped3A_144 : memref<!tpu.dma_semaphore, #tpu.memory_space<semaphore_mem>>) src(%arg7 : memref<128x128xf32, #tpu.memory_space<vmem>>) dst(%dma_wait3A_156 : memref<10240x128xf32, #tpu.memory_space<vmem_shared>>)
        tpu.yield
      }) : () -> ()
      %add3A_114 = arith.constant 2 : i32
      %add3A_115 = arith.addi %mul3A_67, %add3A_114 : i32
      %lt3A = arith.cmpi slt, %add3A_115, %mul3A_6 : i32
      %convert_element_type3A = arith.extui %lt3A : i1 to i32
      %cond3A = arith.constant 0 : i32
      %cond3A_116 = arith.cmpi ne, %convert_element_type3A, %cond3A : i32
      scf.if %cond3A_116 {
        %add3A_144 = arith.constant 2 : i32
        %add3A_145 = arith.addi %mul3A_67, %add3A_144 : i32
        %mul3A_146 = arith.constant 128 : i32
        %mul3A_147 = arith.muli %add3A_145, %mul3A_146 : i32
        %dma_start3A_148 = tpu.memref_slice %arg5[%mul3A_147] : memref<10496xi32, #tpu.memory_space<vmem>> -> memref<128xi32, #tpu.memory_space<vmem>>
        %dma_start3A_149 = arith.constant 0 : i32
        %dma_start3A_150 = arith.constant 0 : i32
        %dma_start3A_151 = tpu.memref_slice %arg2[%dma_start3A_149, %dma_start3A_150] : memref<10240x128xf32, #tpu.memory_space<hbm>> -> memref<10240x128xf32, #tpu.memory_space<hbm>>
        tpu.enqueue_indirect_dma source(%dma_start3A_151 : memref<10240x128xf32, #tpu.memory_space<hbm>>) target(%arg7 : memref<128x128xf32, #tpu.memory_space<vmem>>) offsets(%dma_start3A_148 : memref<128xi32, #tpu.memory_space<vmem>>) semaphore(%arg11 : memref<!tpu.dma_semaphore, #tpu.memory_space<semaphore_mem>>)
        %add3A_152 = arith.constant 2 : i32
        %add3A_153 = arith.addi %mul3A_67, %add3A_152 : i32
        %mul3A_154 = arith.constant 128 : i32
        %mul3A_155 = arith.muli %add3A_153, %mul3A_154 : i32
        %add3A_156 = arith.addi %mul3A_2, %mul3A_155 : i32
        %dma_start3A_157 = arith.constant 1 : i32
        %dma_start3A_158 = arith.constant 0 : i32
        %dma_start3A_159 = arith.constant 0 : i32
        %dma_start3A_160 = tpu.memref_slice %arg6[%dma_start3A_158, %dma_start3A_159] : memref<2x128xi32, #tpu.memory_space<vmem>> -> memref<1x128xi32, #tpu.memory_space<vmem>>
        %dma_start3A_161 = tpu.memref_squeeze %dma_start3A_160 : memref<1x128xi32, #tpu.memory_space<vmem>> -> memref<128xi32, #tpu.memory_space<vmem>>
        %dma_start3A_162 = tpu.memref_slice %arg3[%dma_start3A_157, %add3A_156] : memref<2x320000xi32, #tpu.memory_space<hbm>> -> memref<1x128xi32, #tpu.memory_space<hbm>>
        %dma_start3A_163 = tpu.memref_squeeze %dma_start3A_162 : memref<1x128xi32, #tpu.memory_space<hbm>> -> memref<128xi32, #tpu.memory_space<hbm>>
        %dma_start3A_164 = arith.constant 0 : i32
        %dma_start3A_165 = tpu.memref_slice %arg6[%dma_start3A_158, %dma_start3A_164] : memref<2x128xi32, #tpu.memory_space<vmem>> -> memref<1x128xi32, #tpu.memory_space<vmem>>
        %dma_start3A_166 = tpu.memref_squeeze %dma_start3A_165 : memref<1x128xi32, #tpu.memory_space<vmem>> -> memref<128xi32, #tpu.memory_space<vmem>>
        %dma_start3A_167 = tpu.memref_slice %arg3[%dma_start3A_157, %add3A_156] : memref<2x320000xi32, #tpu.memory_space<hbm>> -> memref<1x128xi32, #tpu.memory_space<hbm>>
        %dma_start3A_168 = tpu.memref_squeeze %dma_start3A_167 : memref<1x128xi32, #tpu.memory_space<hbm>> -> memref<128xi32, #tpu.memory_space<hbm>>
        tpu.enqueue_dma source(%dma_start3A_168 : memref<128xi32, #tpu.memory_space<hbm>>) target(%dma_start3A_166 : memref<128xi32, #tpu.memory_space<vmem>>) target_semaphore(%arg13 : memref<!tpu.dma_semaphore, #tpu.memory_space<semaphore_mem>>)
      } else {
      }
      %add3A_117 = arith.constant 1 : i32
      %add3A_118 = arith.addi %mul3A_67, %add3A_117 : i32
      %mul3A_119 = arith.constant 128 : i32
      %mul3A_120 = arith.muli %add3A_118, %mul3A_119 : i32
      %add3A_121 = arith.addi %mul3A_2, %mul3A_120 : i32
      %dma_wait3A_122 = arith.constant 1 : i32
      %dma_wait3A_123 = arith.constant 1 : i32
      %dma_wait3A_124 = arith.constant 0 : i32
      %dma_wait3A_125 = tpu.memref_slice %arg6[%dma_wait3A_123, %dma_wait3A_124] : memref<2x128xi32, #tpu.memory_space<vmem>> -> memref<1x128xi32, #tpu.memory_space<vmem>>
      %dma_wait3A_126 = tpu.memref_squeeze %dma_wait3A_125 : memref<1x128xi32, #tpu.memory_space<vmem>> -> memref<128xi32, #tpu.memory_space<vmem>>
      %dma_wait3A_127 = tpu.memref_slice %arg3[%dma_wait3A_122, %add3A_121] : memref<2x320000xi32, #tpu.memory_space<hbm>> -> memref<1x128xi32, #tpu.memory_space<hbm>>
      %dma_wait3A_128 = tpu.memref_squeeze %dma_wait3A_127 : memref<1x128xi32, #tpu.memory_space<hbm>> -> memref<128xi32, #tpu.memory_space<hbm>>
      %dma_wait3A_129 = arith.constant 0 : i32
      %dma_wait3A_130 = tpu.memref_slice %arg6[%dma_wait3A_123, %dma_wait3A_129] : memref<2x128xi32, #tpu.memory_space<vmem>> -> memref<1x128xi32, #tpu.memory_space<vmem>>
      %dma_wait3A_131 = tpu.memref_squeeze %dma_wait3A_130 : memref<1x128xi32, #tpu.memory_space<vmem>> -> memref<128xi32, #tpu.memory_space<vmem>>
      %dma_wait3A_132 = tpu.memref_slice %arg3[%dma_wait3A_122, %add3A_121] : memref<2x320000xi32, #tpu.memory_space<hbm>> -> memref<1x128xi32, #tpu.memory_space<hbm>>
      %dma_wait3A_133 = tpu.memref_squeeze %dma_wait3A_132 : memref<1x128xi32, #tpu.memory_space<hbm>> -> memref<128xi32, #tpu.memory_space<hbm>>
      tpu.wait_dma2 semaphore(%arg14 : memref<!tpu.dma_semaphore, #tpu.memory_space<semaphore_mem>>) src(%dma_wait3A_133 : memref<128xi32, #tpu.memory_space<hbm>>) dst(%dma_wait3A_131 : memref<128xi32, #tpu.memory_space<vmem>>)
      %add3A_134 = arith.constant 1 : i32
      %add3A_135 = arith.addi %mul3A_67, %add3A_134 : i32
      %mul3A_136 = arith.constant 128 : i32
      %mul3A_137 = arith.muli %add3A_135, %mul3A_136 : i32
      %dma_wait3A_138 = tpu.memref_slice %arg5[%mul3A_137] : memref<10496xi32, #tpu.memory_space<vmem>> -> memref<128xi32, #tpu.memory_space<vmem>>
      %dma_wait3A_139 = arith.constant 0 : i32
      %dma_wait3A_140 = arith.constant 0 : i32
      %dma_wait3A_141 = tpu.memref_slice %arg2[%dma_wait3A_139, %dma_wait3A_140] : memref<10240x128xf32, #tpu.memory_space<hbm>> -> memref<10240x128xf32, #tpu.memory_space<hbm>>
      tpu.wait_indirect_dma semaphore(%arg12 : memref<!tpu.dma_semaphore, #tpu.memory_space<semaphore_mem>>) src(%dma_wait3A_141 : memref<10240x128xf32, #tpu.memory_space<hbm>>) dst(%arg8 : memref<128x128xf32, #tpu.memory_space<vmem>>)
      %run_scoped3A_142 = arith.constant 1 : i32
      "tpu.region"() ({
        %run_scoped3A_144 = tpu.sem_alloc : memref<!tpu.dma_semaphore, #tpu.memory_space<semaphore_mem>>
        %dma_start3A_145 = arith.constant 0 : i32
        %dma_start3A_146 = tpu.memref_slice %arg6[%run_scoped3A_142, %dma_start3A_145] : memref<2x128xi32, #tpu.memory_space<vmem>> -> memref<1x128xi32, #tpu.memory_space<vmem>>
        %dma_start3A_147 = tpu.memref_squeeze %dma_start3A_146 : memref<1x128xi32, #tpu.memory_space<vmem>> -> memref<128xi32, #tpu.memory_space<vmem>>
        %dma_start3A_148 = arith.constant 0 : i32
        %dma_start3A_149 = arith.constant 0 : i32
        %dma_start3A_150 = tpu.memref_slice %arg10[%dma_start3A_148, %dma_start3A_149] : memref<10240x128xf32, #tpu.memory_space<vmem_shared>> -> memref<10240x128xf32, #tpu.memory_space<vmem_shared>>
        tpu.enqueue_indirect_dma source(%arg8 : memref<128x128xf32, #tpu.memory_space<vmem>>) target(%dma_start3A_150 : memref<10240x128xf32, #tpu.memory_space<vmem_shared>>) offsets(%dma_start3A_147 : memref<128xi32, #tpu.memory_space<vmem>>) semaphore(%run_scoped3A_144 : memref<!tpu.dma_semaphore, #tpu.memory_space<semaphore_mem>>) {add = true}
        %dma_wait3A_151 = arith.constant 0 : i32
        %dma_wait3A_152 = tpu.memref_slice %arg6[%run_scoped3A_142, %dma_wait3A_151] : memref<2x128xi32, #tpu.memory_space<vmem>> -> memref<1x128xi32, #tpu.memory_space<vmem>>
        %dma_wait3A_153 = tpu.memref_squeeze %dma_wait3A_152 : memref<1x128xi32, #tpu.memory_space<vmem>> -> memref<128xi32, #tpu.memory_space<vmem>>
        %dma_wait3A_154 = arith.constant 0 : i32
        %dma_wait3A_155 = arith.constant 0 : i32
        %dma_wait3A_156 = tpu.memref_slice %arg10[%dma_wait3A_154, %dma_wait3A_155] : memref<10240x128xf32, #tpu.memory_space<vmem_shared>> -> memref<10240x128xf32, #tpu.memory_space<vmem_shared>>
        tpu.wait_indirect_dma semaphore(%run_scoped3A_144 : memref<!tpu.dma_semaphore, #tpu.memory_space<semaphore_mem>>) src(%arg8 : memref<128x128xf32, #tpu.memory_space<vmem>>) dst(%dma_wait3A_156 : memref<10240x128xf32, #tpu.memory_space<vmem_shared>>)
        tpu.yield
      }) : () -> ()
      %while3A_143 = arith.constant 0 : i32
      scf.yield %while3A_143 : i32
    }
    %barrier3A_56 = arith.constant 0 : index
    tpu.barrier barrier_id(%barrier3A_56)
    %scan3A_57 = arith.constant 0 : i32
    %scan3A_58 = arith.constant 0 : i32
    %scan3A_59 = arith.constant 5 : i32
    %scan3A_60 = arith.addi %scan3A_58, %scan3A_59 : i32
    %scan3A_61 = arith.constant 1 : i32
    %scan3A_62 = scf.for %scan3A_64 = %scan3A_58 to %scan3A_60 step %scan3A_61 iter_args(%scan3A_65 = %scan3A_57) -> (i32)  : i32 {
      %mul3A_66 = arith.constant 640 : i32
      %mul3A_67 = arith.muli %arg1, %mul3A_66 : i32
      %mul3A_68 = arith.constant 128 : i32
      %mul3A_69 = arith.muli %scan3A_64, %mul3A_68 : i32
      %add3A_70 = arith.addi %mul3A_67, %mul3A_69 : i32
      %mul3A_71 = arith.constant 640 : i32
      %mul3A_72 = arith.muli %arg1, %mul3A_71 : i32
      %mul3A_73 = arith.constant 128 : i32
      %mul3A_74 = arith.muli %scan3A_64, %mul3A_73 : i32
      %add3A_75 = arith.addi %mul3A_72, %mul3A_74 : i32
      "tpu.region"() ({
        %run_scoped3A = tpu.sem_alloc : memref<!tpu.dma_semaphore, #tpu.memory_space<semaphore_mem>>
        %dma_start3A_77 = arith.constant 0 : i32
        %dma_start3A_78 = tpu.memref_slice %arg4[%arg0, %add3A_75, %dma_start3A_77] : memref<2x10240x128xf32, #tpu.memory_space<hbm>> -> memref<1x128x128xf32, #tpu.memory_space<hbm>>
        %dma_start3A_79 = tpu.memref_squeeze %dma_start3A_78 : memref<1x128x128xf32, #tpu.memory_space<hbm>> -> memref<128x128xf32, #tpu.memory_space<hbm>>
        %dma_start3A_80 = arith.constant 0 : i32
        %dma_start3A_81 = tpu.memref_slice %arg10[%add3A_70, %dma_start3A_80] : memref<10240x128xf32, #tpu.memory_space<vmem_shared>> -> memref<128x128xf32, #tpu.memory_space<vmem_shared>>
        tpu.enqueue_dma source(%dma_start3A_81 : memref<128x128xf32, #tpu.memory_space<vmem_shared>>) target(%dma_start3A_79 : memref<128x128xf32, #tpu.memory_space<hbm>>) target_semaphore(%run_scoped3A : memref<!tpu.dma_semaphore, #tpu.memory_space<semaphore_mem>>)
        %dma_wait3A_82 = arith.constant 0 : i32
        %dma_wait3A_83 = tpu.memref_slice %arg4[%arg0, %add3A_75, %dma_wait3A_82] : memref<2x10240x128xf32, #tpu.memory_space<hbm>> -> memref<1x128x128xf32, #tpu.memory_space<hbm>>
        %dma_wait3A_84 = tpu.memref_squeeze %dma_wait3A_83 : memref<1x128x128xf32, #tpu.memory_space<hbm>> -> memref<128x128xf32, #tpu.memory_space<hbm>>
        %dma_wait3A_85 = arith.constant 0 : i32
        %dma_wait3A_86 = tpu.memref_slice %arg10[%add3A_70, %dma_wait3A_85] : memref<10240x128xf32, #tpu.memory_space<vmem_shared>> -> memref<128x128xf32, #tpu.memory_space<vmem_shared>>
        tpu.wait_dma2 semaphore(%run_scoped3A : memref<!tpu.dma_semaphore, #tpu.memory_space<semaphore_mem>>) src(%dma_wait3A_86 : memref<128x128xf32, #tpu.memory_space<vmem_shared>>) dst(%dma_wait3A_84 : memref<128x128xf32, #tpu.memory_space<hbm>>)
        tpu.yield
      }) : () -> ()
      %scan3A_76 = arith.constant 0 : i32
      scf.yield %scan3A_76 : i32
    }
    %scan3A_63 = arith.constant 5 : i32
    return
  }
}

module attributes {stable_mosaic.version = 14 : i64} {
  func.func @_norm_m1_body(%arg0: i32, %arg1: memref<2x1280xf32, #tpu.memory_space<vmem>>, %arg2: memref<1280x128xf32, #tpu.memory_space<vmem>>, %arg3: memref<1280x128xf32, #tpu.memory_space<vmem>>, %arg4: memref<1280x1xf32, #tpu.memory_space<vmem>>, %arg5: memref<1280x1xf32, #tpu.memory_space<vmem>>) attributes {dimension_semantics = [#tpu.dimension_semantics<arbitrary>], iteration_bounds = array<i64: 8>, scalar_prefetch = 0 : i64, scratch_operands = 0 : i64, tpu.core_type = #tpu.core_type<tc>, window_params = [{transform_indices = @transform_0, window_bounds = array<i64: 2, 1280>}, {transform_indices = @transform_1, window_bounds = array<i64: 1280, 128>}, {transform_indices = @transform_2, window_bounds = array<i64: 1280, 128>}, {transform_indices = @transform_3, window_bounds = array<i64: 1280, 1>}, {transform_indices = @transform_4, window_bounds = array<i64: 1280, 1>}]} {
    %get3A = arith.constant 0 : index
    %get3A_0 = arith.constant 0 : index
    %get3A_1 = vector.load %arg1[%get3A, %get3A_0] : memref<2x1280xf32, #tpu.memory_space<vmem>>, vector<2x1280xf32>
    %slice3A = vector.extract_strided_slice %get3A_1 {offsets = [0, 0], sizes = [1, 1280], strides = [1, 1]} : vector<2x1280xf32> to vector<1x1280xf32>
    %squeeze3A = vector.shape_cast %slice3A : vector<1x1280xf32> to vector<1280xf32>
    %slice3A_2 = vector.extract_strided_slice %get3A_1 {offsets = [1, 0], sizes = [1, 1280], strides = [1, 1]} : vector<2x1280xf32> to vector<1x1280xf32>
    %squeeze3A_3 = vector.shape_cast %slice3A_2 : vector<1x1280xf32> to vector<1280xf32>
    %gt3A = arith.constant 0.000000e+00 : f32
    %gt3A_4 = vector.broadcast %gt3A : f32 to vector<1280xf32>
    %gt3A_5 = arith.cmpf ogt, %squeeze3A, %gt3A_4 : vector<1280xf32>
    %max3A = arith.constant 1.000000e+00 : f32
    %max3A_6 = vector.broadcast %max3A : f32 to vector<1280xf32>
    %max3A_7 = arith.maximumf %squeeze3A, %max3A_6 : vector<1280xf32>
    %rsqrt3A = math.rsqrt %max3A_7 : vector<1280xf32>
    %jit3A = arith.constant 0.000000e+00 : f32
    %broadcast_in_dim3A = vector.broadcast %jit3A : f32 to vector<1280xf32>
    %select_n3A = arith.select %gt3A_5, %rsqrt3A, %broadcast_in_dim3A : vector<1280xi1>, vector<1280xf32>
    %gt3A_8 = arith.constant 0.000000e+00 : f32
    %gt3A_9 = vector.broadcast %gt3A_8 : f32 to vector<1280xf32>
    %gt3A_10 = arith.cmpf ogt, %squeeze3A_3, %gt3A_9 : vector<1280xf32>
    %max3A_11 = arith.constant 1.000000e+00 : f32
    %max3A_12 = vector.broadcast %max3A_11 : f32 to vector<1280xf32>
    %max3A_13 = arith.maximumf %squeeze3A_3, %max3A_12 : vector<1280xf32>
    %rsqrt3A_14 = math.rsqrt %max3A_13 : vector<1280xf32>
    %jit3A_15 = arith.constant 0.000000e+00 : f32
    %broadcast_in_dim3A_16 = vector.broadcast %jit3A_15 : f32 to vector<1280xf32>
    %select_n3A_17 = arith.select %gt3A_10, %rsqrt3A_14, %broadcast_in_dim3A_16 : vector<1280xi1>, vector<1280xf32>
    %broadcast_in_dim3A_18 = vector.shape_cast %select_n3A : vector<1280xf32> to vector<1280x1xf32>
    %swap3A = arith.constant 0 : index
    %swap3A_19 = arith.constant 0 : index
    %swap3A_20 = vector.load %arg4[%swap3A, %swap3A_19] : memref<1280x1xf32, #tpu.memory_space<vmem>>, vector<1280x1xf32>
    tpu.vector_store %arg4[%swap3A, %swap3A_19], %broadcast_in_dim3A_18 {strides = array<i32>} : memref<1280x1xf32, #tpu.memory_space<vmem>>, vector<1280x1xf32>,
    %broadcast_in_dim3A_21 = vector.shape_cast %select_n3A_17 : vector<1280xf32> to vector<1280x1xf32>
    %swap3A_22 = arith.constant 0 : index
    %swap3A_23 = arith.constant 0 : index
    %swap3A_24 = vector.load %arg5[%swap3A_22, %swap3A_23] : memref<1280x1xf32, #tpu.memory_space<vmem>>, vector<1280x1xf32>
    tpu.vector_store %arg5[%swap3A_22, %swap3A_23], %broadcast_in_dim3A_21 {strides = array<i32>} : memref<1280x1xf32, #tpu.memory_space<vmem>>, vector<1280x1xf32>,
    %get3A_25 = arith.constant 0 : index
    %get3A_26 = arith.constant 0 : index
    %get3A_27 = vector.load %arg2[%get3A_25, %get3A_26] : memref<1280x128xf32, #tpu.memory_space<vmem>>, vector<1280x128xf32>
    %broadcast_in_dim3A_28 = vector.shape_cast %select_n3A : vector<1280xf32> to vector<1280x1xf32>
    %mul3A = vector.broadcast %broadcast_in_dim3A_28 : vector<1280x1xf32> to vector<1280x128xf32>
    %mul3A_29 = arith.mulf %get3A_27, %mul3A : vector<1280x128xf32>
    %swap3A_30 = arith.constant 0 : index
    %swap3A_31 = arith.constant 0 : index
    %swap3A_32 = vector.load %arg3[%swap3A_30, %swap3A_31] : memref<1280x128xf32, #tpu.memory_space<vmem>>, vector<1280x128xf32>
    tpu.vector_store %arg3[%swap3A_30, %swap3A_31], %mul3A_29 {strides = array<i32>} : memref<1280x128xf32, #tpu.memory_space<vmem>>, vector<1280x128xf32>,
    return
  }
  func.func @transform_0(%arg0: i32) -> (i32, i32) {
    %c0_i32 = arith.constant 0 : i32
    %c0_i32_0 = arith.constant 0 : i32
    return %c0_i32, %arg0 : i32, i32
  }
  func.func @transform_1(%arg0: i32) -> (i32, i32) {
    %c0_i32 = arith.constant 0 : i32
    %c0_i32_0 = arith.constant 0 : i32
    return %arg0, %c0_i32 : i32, i32
  }
  func.func @transform_2(%arg0: i32) -> (i32, i32) {
    %c0_i32 = arith.constant 0 : i32
    %c0_i32_0 = arith.constant 0 : i32
    return %arg0, %c0_i32 : i32, i32
  }
  func.func @transform_3(%arg0: i32) -> (i32, i32) {
    %c0_i32 = arith.constant 0 : i32
    %c0_i32_0 = arith.constant 0 : i32
    return %arg0, %c0_i32 : i32, i32
  }
  func.func @transform_4(%arg0: i32) -> (i32, i32) {
    %c0_i32 = arith.constant 0 : i32
    %c0_i32_0 = arith.constant 0 : i32
    return %arg0, %c0_i32 : i32, i32
  }
}

module attributes {stable_mosaic.version = 14 : i64} {
  func.func @_mid_body(%arg0: i32, %arg1: memref<2x1280x128xf32, #tpu.memory_space<vmem>>, %arg2: memref<1280x1xf32, #tpu.memory_space<vmem>>, %arg3: memref<1280x1xf32, #tpu.memory_space<vmem>>, %arg4: memref<128x256xf32, #tpu.memory_space<vmem>>, %arg5: memref<1x256xf32, #tpu.memory_space<vmem>>, %arg6: memref<256x128xf32, #tpu.memory_space<vmem>>, %arg7: memref<1280x256xf32, #tpu.memory_space<vmem>>, %arg8: memref<1280x128xf32, #tpu.memory_space<vmem>>) attributes {dimension_semantics = [#tpu.dimension_semantics<arbitrary>], iteration_bounds = array<i64: 8>, scalar_prefetch = 0 : i64, scratch_operands = 0 : i64, tpu.core_type = #tpu.core_type<tc>, window_params = [{transform_indices = @transform_0, window_bounds = array<i64: 2, 1280, 128>}, {transform_indices = @transform_1, window_bounds = array<i64: 1280, 1>}, {transform_indices = @transform_2, window_bounds = array<i64: 1280, 1>}, {pipeline_mode = #tpu.pipeline_mode<synchronous>, transform_indices = @transform_3, window_bounds = array<i64: 128, 256>}, {pipeline_mode = #tpu.pipeline_mode<synchronous>, transform_indices = @transform_4, window_bounds = array<i64: 1, 256>}, {pipeline_mode = #tpu.pipeline_mode<synchronous>, transform_indices = @transform_5, window_bounds = array<i64: 256, 128>}, {transform_indices = @transform_6, window_bounds = array<i64: 1280, 256>}, {transform_indices = @transform_7, window_bounds = array<i64: 1280, 128>}]} {
    %get3A = arith.constant 0 : index
    %get3A_0 = arith.constant 0 : index
    %get3A_1 = arith.constant 0 : index
    %get3A_2 = vector.load %arg1[%get3A, %get3A_0, %get3A_1] : memref<2x1280x128xf32, #tpu.memory_space<vmem>>, vector<1x1280x128xf32>
    %get3A_3 = vector.shape_cast %get3A_2 : vector<1x1280x128xf32> to vector<1280x128xf32>
    %get3A_4 = arith.constant 1 : index
    %get3A_5 = arith.constant 0 : index
    %get3A_6 = arith.constant 0 : index
    %get3A_7 = vector.load %arg1[%get3A_4, %get3A_5, %get3A_6] : memref<2x1280x128xf32, #tpu.memory_space<vmem>>, vector<1x1280x128xf32>
    %get3A_8 = vector.shape_cast %get3A_7 : vector<1x1280x128xf32> to vector<1280x128xf32>
    %add3A = arith.addf %get3A_3, %get3A_8 : vector<1280x128xf32>
    %get3A_9 = arith.constant 0 : index
    %get3A_10 = arith.constant 0 : index
    %get3A_11 = vector.load %arg3[%get3A_9, %get3A_10] : memref<1280x1xf32, #tpu.memory_space<vmem>>, vector<1280x1xf32>
    %mul3A = vector.broadcast %get3A_11 : vector<1280x1xf32> to vector<1280x128xf32>
    %mul3A_12 = arith.mulf %add3A, %mul3A : vector<1280x128xf32>
    %get3A_13 = arith.constant 0 : index
    %get3A_14 = arith.constant 0 : index
    %get3A_15 = vector.load %arg4[%get3A_13, %get3A_14] : memref<128x256xf32, #tpu.memory_space<vmem>>, vector<128x256xf32>
    %dot_general3A = arith.constant dense<0.000000e+00> : vector<1280x256xf32>
    %dot_general3A_16 = tpu.matmul %mul3A_12, %get3A_15, %dot_general3A {dimension_numbers = #tpu.dot_dimension_numbers<[1], [0], [0], [1], [0, 0, 1, 1], [], []>, transpose_lhs_hint = false} : vector<1280x128xf32>, vector<128x256xf32>, vector<1280x256xf32> -> vector<1280x256xf32>
    %get3A_17 = arith.constant 0 : index
    %get3A_18 = arith.constant 0 : index
    %get3A_19 = vector.load %arg5[%get3A_17, %get3A_18] : memref<1x256xf32, #tpu.memory_space<vmem>>, vector<1x256xf32>
    %add3A_20 = vector.broadcast %get3A_19 : vector<1x256xf32> to vector<1280x256xf32>
    %add3A_21 = arith.addf %dot_general3A_16, %add3A_20 : vector<1280x256xf32>
    %max3A = arith.constant 0.000000e+00 : f32
    %max3A_22 = vector.broadcast %max3A : f32 to vector<1280x256xf32>
    %max3A_23 = arith.maximumf %add3A_21, %max3A_22 : vector<1280x256xf32>
    %swap3A = arith.constant 0 : index
    %swap3A_24 = arith.constant 0 : index
    %swap3A_25 = vector.load %arg7[%swap3A, %swap3A_24] : memref<1280x256xf32, #tpu.memory_space<vmem>>, vector<1280x256xf32>
    tpu.vector_store %arg7[%swap3A, %swap3A_24], %max3A_23 {strides = array<i32>} : memref<1280x256xf32, #tpu.memory_space<vmem>>, vector<1280x256xf32>,
    %get3A_26 = arith.constant 0 : index
    %get3A_27 = arith.constant 0 : index
    %get3A_28 = vector.load %arg6[%get3A_26, %get3A_27] : memref<256x128xf32, #tpu.memory_space<vmem>>, vector<256x128xf32>
    %dot_general3A_29 = arith.constant dense<0.000000e+00> : vector<1280x128xf32>
    %dot_general3A_30 = tpu.matmul %max3A_23, %get3A_28, %dot_general3A_29 {dimension_numbers = #tpu.dot_dimension_numbers<[1], [0], [0], [1], [0, 0, 1, 1], [], []>, transpose_lhs_hint = false} : vector<1280x256xf32>, vector<256x128xf32>, vector<1280x128xf32> -> vector<1280x128xf32>
    %get3A_31 = arith.constant 0 : index
    %get3A_32 = arith.constant 0 : index
    %get3A_33 = vector.load %arg2[%get3A_31, %get3A_32] : memref<1280x1xf32, #tpu.memory_space<vmem>>, vector<1280x1xf32>
    %mul3A_34 = vector.broadcast %get3A_33 : vector<1280x1xf32> to vector<1280x128xf32>
    %mul3A_35 = arith.mulf %dot_general3A_30, %mul3A_34 : vector<1280x128xf32>
    %swap3A_36 = arith.constant 0 : index
    %swap3A_37 = arith.constant 0 : index
    %swap3A_38 = vector.load %arg8[%swap3A_36, %swap3A_37] : memref<1280x128xf32, #tpu.memory_space<vmem>>, vector<1280x128xf32>
    tpu.vector_store %arg8[%swap3A_36, %swap3A_37], %mul3A_35 {strides = array<i32>} : memref<1280x128xf32, #tpu.memory_space<vmem>>, vector<1280x128xf32>,
    return
  }
  func.func @transform_0(%arg0: i32) -> (i32, i32, i32) {
    %c0_i32 = arith.constant 0 : i32
    %c0_i32_0 = arith.constant 0 : i32
    %c0_i32_1 = arith.constant 0 : i32
    return %c0_i32, %arg0, %c0_i32_0 : i32, i32, i32
  }
  func.func @transform_1(%arg0: i32) -> (i32, i32) {
    %c0_i32 = arith.constant 0 : i32
    %c0_i32_0 = arith.constant 0 : i32
    return %arg0, %c0_i32 : i32, i32
  }
  func.func @transform_2(%arg0: i32) -> (i32, i32) {
    %c0_i32 = arith.constant 0 : i32
    %c0_i32_0 = arith.constant 0 : i32
    return %arg0, %c0_i32 : i32, i32
  }
  func.func @transform_3(%arg0: i32) -> (i32, i32) {
    %c0_i32 = arith.constant 0 : i32
    %c0_i32_0 = arith.constant 0 : i32
    %c0_i32_1 = arith.constant 0 : i32
    return %c0_i32, %c0_i32_0 : i32, i32
  }
  func.func @transform_4(%arg0: i32) -> (i32, i32) {
    %c0_i32 = arith.constant 0 : i32
    %c0_i32_0 = arith.constant 0 : i32
    %c0_i32_1 = arith.constant 0 : i32
    return %c0_i32, %c0_i32_0 : i32, i32
  }
  func.func @transform_5(%arg0: i32) -> (i32, i32) {
    %c0_i32 = arith.constant 0 : i32
    %c0_i32_0 = arith.constant 0 : i32
    %c0_i32_1 = arith.constant 0 : i32
    return %c0_i32, %c0_i32_0 : i32, i32
  }
  func.func @transform_6(%arg0: i32) -> (i32, i32) {
    %c0_i32 = arith.constant 0 : i32
    %c0_i32_0 = arith.constant 0 : i32
    return %arg0, %c0_i32 : i32, i32
  }
  func.func @transform_7(%arg0: i32) -> (i32, i32) {
    %c0_i32 = arith.constant 0 : i32
    %c0_i32_0 = arith.constant 0 : i32
    return %arg0, %c0_i32 : i32, i32
  }
}

module attributes {stable_mosaic.version = 14 : i64} {
  func.func @_fin_body(%arg0: i32, %arg1: memref<2x1280x128xf32, #tpu.memory_space<vmem>>, %arg2: memref<1280x1xf32, #tpu.memory_space<vmem>>, %arg3: memref<1x128xf32, #tpu.memory_space<vmem>>, %arg4: memref<10x128xf32, #tpu.memory_space<vmem>>, %arg5: memref<128x1xf32, #tpu.memory_space<vmem>>, %arg6: memref<1280x128xf32, #tpu.memory_space<vmem>>, %arg7: memref<10x1xf32, #tpu.memory_space<vmem>>) attributes {dimension_semantics = [#tpu.dimension_semantics<arbitrary>], iteration_bounds = array<i64: 8>, scalar_prefetch = 0 : i64, scratch_operands = 0 : i64, tpu.core_type = #tpu.core_type<tc>, window_params = [{transform_indices = @transform_0, window_bounds = array<i64: 2, 1280, 128>}, {transform_indices = @transform_1, window_bounds = array<i64: 1280, 1>}, {pipeline_mode = #tpu.pipeline_mode<synchronous>, transform_indices = @transform_2, window_bounds = array<i64: 1, 128>}, {pipeline_mode = #tpu.pipeline_mode<synchronous>, transform_indices = @transform_3, window_bounds = array<i64: 10, 128>}, {pipeline_mode = #tpu.pipeline_mode<synchronous>, transform_indices = @transform_4, window_bounds = array<i64: 128, 1>}, {transform_indices = @transform_5, window_bounds = array<i64: 1280, 128>}, {pipeline_mode = #tpu.pipeline_mode<synchronous>, transform_indices = @transform_6, window_bounds = array<i64: 10, 1>}]} {
    %get3A = arith.constant 0 : index
    %get3A_0 = arith.constant 0 : index
    %get3A_1 = arith.constant 0 : index
    %get3A_2 = vector.load %arg1[%get3A, %get3A_0, %get3A_1] : memref<2x1280x128xf32, #tpu.memory_space<vmem>>, vector<1x1280x128xf32>
    %get3A_3 = vector.shape_cast %get3A_2 : vector<1x1280x128xf32> to vector<1280x128xf32>
    %get3A_4 = arith.constant 1 : index
    %get3A_5 = arith.constant 0 : index
    %get3A_6 = arith.constant 0 : index
    %get3A_7 = vector.load %arg1[%get3A_4, %get3A_5, %get3A_6] : memref<2x1280x128xf32, #tpu.memory_space<vmem>>, vector<1x1280x128xf32>
    %get3A_8 = vector.shape_cast %get3A_7 : vector<1x1280x128xf32> to vector<1280x128xf32>
    %add3A = arith.addf %get3A_3, %get3A_8 : vector<1280x128xf32>
    %get3A_9 = arith.constant 0 : index
    %get3A_10 = arith.constant 0 : index
    %get3A_11 = vector.load %arg2[%get3A_9, %get3A_10] : memref<1280x1xf32, #tpu.memory_space<vmem>>, vector<1280x1xf32>
    %mul3A = vector.broadcast %get3A_11 : vector<1280x1xf32> to vector<1280x128xf32>
    %mul3A_12 = arith.mulf %add3A, %mul3A : vector<1280x128xf32>
    %get3A_13 = arith.constant 0 : index
    %get3A_14 = arith.constant 0 : index
    %get3A_15 = vector.load %arg3[%get3A_13, %get3A_14] : memref<1x128xf32, #tpu.memory_space<vmem>>, vector<1x128xf32>
    %add3A_16 = vector.broadcast %get3A_15 : vector<1x128xf32> to vector<1280x128xf32>
    %add3A_17 = arith.addf %mul3A_12, %add3A_16 : vector<1280x128xf32>
    %swap3A = arith.constant 0 : index
    %swap3A_18 = arith.constant 0 : index
    %swap3A_19 = vector.load %arg6[%swap3A, %swap3A_18] : memref<1280x128xf32, #tpu.memory_space<vmem>>, vector<1280x128xf32>
    tpu.vector_store %arg6[%swap3A, %swap3A_18], %add3A_17 {strides = array<i32>} : memref<1280x128xf32, #tpu.memory_space<vmem>>, vector<1280x128xf32>,
    %eq3A = arith.constant 0 : i32
    %eq3A_20 = arith.cmpi eq, %arg0, %eq3A : i32
    %convert_element_type3A = arith.extui %eq3A_20 : i1 to i32
    %cond3A = arith.constant 0 : i32
    %cond3A_21 = arith.cmpi ne, %convert_element_type3A, %cond3A : i32
    scf.if %cond3A_21 {
      %get3A_22 = arith.constant 0 : index
      %get3A_23 = arith.constant 0 : index
      %get3A_24 = vector.load %arg4[%get3A_22, %get3A_23] : memref<10x128xf32, #tpu.memory_space<vmem>>, vector<10x128xf32>
      %get3A_25 = arith.constant 0 : index
      %get3A_26 = arith.constant 0 : index
      %get3A_27 = vector.load %arg5[%get3A_25, %get3A_26] : memref<128x1xf32, #tpu.memory_space<vmem>>, vector<128x1xf32>
      %dot_general3A = arith.constant dense<0.000000e+00> : vector<10x1xf32>
      %dot_general3A_28 = tpu.matmul %get3A_24, %get3A_27, %dot_general3A {dimension_numbers = #tpu.dot_dimension_numbers<[1], [0], [0], [1], [0, 0, 1, 1], [], []>, transpose_lhs_hint = false} : vector<10x128xf32>, vector<128x1xf32>, vector<10x1xf32> -> vector<10x1xf32>
      %max3A = arith.constant 0.000000e+00 : f32
      %max3A_29 = vector.broadcast %max3A : f32 to vector<10x1xf32>
      %max3A_30 = arith.maximumf %dot_general3A_28, %max3A_29 : vector<10x1xf32>
      %abs3A = math.absf %dot_general3A_28 : vector<10x1xf32>
      %neg3A = arith.constant 0.000000e+00 : f32
      %neg3A_31 = vector.broadcast %neg3A : f32 to vector<10x1xf32>
      %neg3A_32 = arith.subf %neg3A_31, %abs3A : vector<10x1xf32>
      %exp3A = math.exp %neg3A_32 : vector<10x1xf32>
      %add3A_33 = arith.constant 1.000000e+00 : f32
      %add3A_34 = vector.broadcast %add3A_33 : f32 to vector<10x1xf32>
      %add3A_35 = arith.addf %add3A_34, %exp3A : vector<10x1xf32>
      %log3A = math.log %add3A_35 : vector<10x1xf32>
      %add3A_36 = arith.addf %max3A_30, %log3A : vector<10x1xf32>
      %swap3A_37 = arith.constant 0 : index
      %swap3A_38 = arith.constant 0 : index
      %swap3A_39 = vector.load %arg7[%swap3A_37, %swap3A_38] : memref<10x1xf32, #tpu.memory_space<vmem>>, vector<10x1xf32>
      tpu.vector_store %arg7[%swap3A_37, %swap3A_38], %add3A_36 {strides = array<i32>} : memref<10x1xf32, #tpu.memory_space<vmem>>, vector<10x1xf32>,
    } else {
    }
    return
  }
  func.func @transform_0(%arg0: i32) -> (i32, i32, i32) {
    %c0_i32 = arith.constant 0 : i32
    %c0_i32_0 = arith.constant 0 : i32
    %c0_i32_1 = arith.constant 0 : i32
    return %c0_i32, %arg0, %c0_i32_0 : i32, i32, i32
  }
  func.func @transform_1(%arg0: i32) -> (i32, i32) {
    %c0_i32 = arith.constant 0 : i32
    %c0_i32_0 = arith.constant 0 : i32
    return %arg0, %c0_i32 : i32, i32
  }
  func.func @transform_2(%arg0: i32) -> (i32, i32) {
    %c0_i32 = arith.constant 0 : i32
    %c0_i32_0 = arith.constant 0 : i32
    %c0_i32_1 = arith.constant 0 : i32
    return %c0_i32, %c0_i32_0 : i32, i32
  }
  func.func @transform_3(%arg0: i32) -> (i32, i32) {
    %c0_i32 = arith.constant 0 : i32
    %c0_i32_0 = arith.constant 0 : i32
    %c0_i32_1 = arith.constant 0 : i32
    return %c0_i32, %c0_i32_0 : i32, i32
  }
  func.func @transform_4(%arg0: i32) -> (i32, i32) {
    %c0_i32 = arith.constant 0 : i32
    %c0_i32_0 = arith.constant 0 : i32
    %c0_i32_1 = arith.constant 0 : i32
    return %c0_i32, %c0_i32_0 : i32, i32
  }
  func.func @transform_5(%arg0: i32) -> (i32, i32) {
    %c0_i32 = arith.constant 0 : i32
    %c0_i32_0 = arith.constant 0 : i32
    return %arg0, %c0_i32 : i32, i32
  }
  func.func @transform_6(%arg0: i32) -> (i32, i32) {
    %c0_i32 = arith.constant 0 : i32
    %c0_i32_0 = arith.constant 0 : i32
    %c0_i32_1 = arith.constant 0 : i32
    return %c0_i32, %c0_i32_0 : i32, i32
  }
}

</mosaic_0001>

<sc_bundles>
// kernel: kernel.11.cloned.1.call-start
scs
__scs_entry_jumppad:
0x0: {  	(pc) =	sbr.rel $0x88, $3  }
0x1: {  	(tag) =	ssettag $0x0;
	lr =	simm.s32 $0x1  }
0x2: {  	[smem:$0x3F99] =	sst lr;
	_ =	strace $0xD0000000  }
0x3: {  	_ = 	snop  }
0x4: {  	_ = 	snop  }
0x5: {  	_ = 	snop  }
0x6: {  	_ = 	snop  }
0x7: {  	_ = 	snop  }
__scs_overlays_trampoline_lowered:
0x8: {  	[smem:$0x3FA8] =	sst s0  }
0x9: {  	[smem:$0x3FA9] =	sst s1  }
0xa: {  	[smem:$0x3FAA] =	sst s2  }
0xb: {  	[smem:$0x3FAB] =	sst s3  }
0xc: {  	[smem:$0x3FAC] =	sst s4  }
0xd: {  	[smem:$0x3FAD] =	sst s5  }
0xe: {  	[smem:$0x3FAE] =	sst s6  }
0xf: {  	[smem:$0x3FAF] =	sst s7  }
0x10: {  	[smem:$0x3FB0] =	sst s8  }
0x11: {  	[smem:$0x3FB1] =	sst s9;
	s0 =	simm.s32 @!p0 $0x0  }
0x12: {  	s1 =	sld [smem:$0x3F97];
	s0 =	simm.s32 @p0 $0x1  }
0x13: {  	[smem:$0x3FB2] =	sst s0;
	s0 =	simm.s32 @!p1 $0x0  }
0x14: {  	s2 =	sld [smem:$0x3F96];
	s0 =	simm.s32 @p1 $0x1  }
0x15: {  	[smem:$0x3FB3] =	sst s0;
	s0 =	simm.s32 @!p2 $0x0  }
0x16: {  	s3 =	sld [smem:$0x3FDB];
	s0 =	simm.s32 @p2 $0x1  }
0x17: {  	s4 =	simm.s32 $0x1BF5;
	[smem:$0x3FB5] =	sst s0  }
0x18: {  	s0 =	sld [smem:$0x3F98];
	_ =	swait.ge [sflag:s4], $0x0  }
0x19: {  	s7 =	sld [smem:$0x3F99]  }
0x1a: {  	s8 =	sadd.s32 $0xFFFFE003, lr  }
0x1b: {  	s9 =	sadd.s32 $0xFFFFFEF7, lr;
	s5 =	simm.s32 $0xFFFFFFFF;
	p2 =	slt.u32 s8, $0xFFFFF086  }
0x1c: {  	p1 =	slt.u32 s9, $0xF7A;
	s5 =	simm.s32 @!p2 $0x0  }
0x1d: {  	s5 =	simm.s32 @p1 $0x1;
	p0 =	seq.s32 s7, s2  }
0x1e: {  	s7 =	smul.u32 @!p0 $0xF7A, s2;
	p2 =	seq.s32 @!p0 s5, $0x0  }
0x1f: {  	s9 =	smul.u32 $0xF7A, s1;
	s8 =	simm.s32 @!p0 $0x1BF5;
	p2 =	por !p2, p0  }
0x20: {  	[sflag:s8] =	ssyncset.s32 @!p0 $0xFFFFF086;
	s6 =	sadd.s32 @!p0 s3, s7;
	s7 =	simm.s32 @!p0 $0x108  }
0x21: {  	s3 =	sadd.s32 s3, s9;
	s6 =	sadd.s32 @!p0 $0x88, s6;
	s7 =	simm.s32 @p2 $0x1082  }
0x22: {  	[simem:s7], [sflag:s8] =	dma.local @!p0 [hbm:s6], $0xF7A  }
0x23: {  	s9 =	sor.u32 $0xD0000000, s2;
	s6 =	simm.s32 $0x108;
	_ =	swait.ge @!p0 [sflag:s8], $0x0  }
0x24: {  	s3 =	sadd.s32 $0x88, s3;
	s6 =	simm.s32 @!p1 $0x1082;
	[sflag:s4] =	ssyncset.s32 $0xFFFFF086  }
0x25: {  	[simem:s6], [sflag:s4] =	dma.local [hbm:s3], $0xF7A  }
0x26: {  	[smem:$0x3F99] =	sst s1;
	(tag) =	ssettag s2;
	_ =	strace s9  }
0x27: {  	s1 =	sld [smem:$0x3FA9]  }
0x28: {  	s2 =	sld [smem:$0x3FAA]  }
0x29: {  	s4 =	sld [smem:$0x3FAC]  }
0x2a: {  	p0 =	seq.s32 s5, $0x0;
	s5 =	sld [smem:$0x3FAD]  }
0x2b: {  	s6 =	sld [smem:$0x3FAE]  }
0x2c: {  	s7 =	sld [smem:$0x3FAF]  }
0x2d: {  	s3 =	simm.s32 $0x108;
	s8 =	sld [smem:$0x3FB0]  }
0x2e: {  	s3 =	simm.s32 @!p0 $0x1082;
	s9 =	sld [smem:$0x3FB1]  }
0x2f: {  	lr =	sadd.s32 s0, s3;
	s0 =	sld [smem:$0x3FA8]  }
0x30: {  	s3 =	sld [smem:$0x3FAB]  }
0x31: {  	[smem:$0x3FB4] =	sst s10  }
0x32: {  	s10 =	sld [smem:$0x3FB2];
	_ =	sdelay $0x3  }
0x33: {  	p0 =	seq.s32 s10, $0x1;
	s10 =	sld [smem:$0x3FB4];
	_ =	sdelay $0x3  }
0x34: {  	[smem:$0x3FB4] =	sst s10  }
0x35: {  	s10 =	sld [smem:$0x3FB3];
	_ =	sdelay $0x3  }
0x36: {  	p1 =	seq.s32 s10, $0x1;
	s10 =	sld [smem:$0x3FB4];
	_ =	sdelay $0x3  }
0x37: {  	[smem:$0x3FB4] =	sst s10  }
0x38: {  	s10 =	sld [smem:$0x3FB5]  }
0x39: {  	_ = 	snop;
	(pc) =	sbr.ind lr, $3  }
0x3a: {  	_ = 	snop  }
0x3b: {  	_ = 	snop  }
0x3c: {  	p2 =	seq.s32 s10, $0x1;
	s10 =	sld [smem:$0x3FB4]  }
0x3d: {  	_ =	shalt  }
0x3e: {  	_ =	shalt  }
0x3f: {  	_ =	shalt  }
0x40: {  	_ =	shalt  }
0x41: {  	_ =	shalt  }
0x42: {  	_ =	shalt  }
0x43: {  	_ =	shalt  }
0x44: {  	_ =	shalt  }
0x45: {  	_ =	shalt  }
0x46: {  	_ =	shalt  }
0x47: {  	_ =	shalt  }
0x48: {  	_ =	shalt  }
0x49: {  	_ =	shalt  }
0x4a: {  	_ =	shalt  }
0x4b: {  	_ =	shalt  }
0x4c: {  	_ =	shalt  }
0x4d: {  	_ =	shalt  }
0x4e: {  	_ =	shalt  }
0x4f: {  	_ =	shalt  }
0x50: {  	_ =	shalt  }
0x51: {  	_ =	shalt  }
0x52: {  	_ =	shalt  }
0x53: {  	_ =	shalt  }
0x54: {  	_ =	shalt  }
0x55: {  	_ =	shalt  }
0x56: {  	_ =	shalt  }
0x57: {  	_ =	shalt  }
0x58: {  	_ =	shalt  }
0x59: {  	_ =	shalt  }
0x5a: {  	_ =	shalt  }
0x5b: {  	_ =	shalt  }
0x5c: {  	_ =	shalt  }
0x5d: {  	_ =	shalt  }
0x5e: {  	_ =	shalt  }
0x5f: {  	_ =	shalt  }
0x60: {  	_ =	shalt  }
0x61: {  	_ =	shalt  }
0x62: {  	_ =	shalt  }
0x63: {  	_ =	shalt  }
0x64: {  	_ =	shalt  }
0x65: {  	_ =	shalt  }
0x66: {  	_ =	shalt  }
0x67: {  	_ =	shalt  }
0x68: {  	_ =	shalt  }
0x69: {  	_ =	shalt  }
0x6a: {  	_ =	shalt  }
0x6b: {  	_ =	shalt  }
0x6c: {  	_ =	shalt  }
0x6d: {  	_ =	shalt  }
0x6e: {  	_ =	shalt  }
0x6f: {  	_ =	shalt  }
0x70: {  	_ =	shalt  }
0x71: {  	_ =	shalt  }
0x72: {  	_ =	shalt  }
0x73: {  	_ =	shalt  }
0x74: {  	_ =	shalt  }
0x75: {  	_ =	shalt  }
0x76: {  	_ =	shalt  }
0x77: {  	_ =	shalt  }
0x78: {  	_ =	shalt  }
0x79: {  	_ =	shalt  }
0x7a: {  	_ =	shalt  }
0x7b: {  	_ =	shalt  }
0x7c: {  	_ =	shalt  }
0x7d: {  	_ =	shalt  }
0x7e: {  	_ =	shalt  }
0x7f: {  	_ =	shalt  }
0x80: {  	_ =	shalt  }
0x81: {  	_ =	shalt  }
0x82: {  	_ =	shalt  }
0x83: {  	_ =	shalt  }
0x84: {  	_ =	shalt  }
0x85: {  	_ =	shalt  }
0x86: {  	_ =	shalt  }
0x87: {  	_ =	shalt  }
.Lfunc_end0:
.L_simem_size_0:
called_computation.1_lowered:
.L_overlay_start_0:
0x88: {  	s2 =	sld [smem:$0x3FD9]  }
0x89: {  	s3 =	sld [smem:$0x3FFE];
	_ =	sdelay $0x1  }
0x8a: {  	s1 =	srdreg.scid  }
0x8b: {  	s0 =	sand.u32 $0x1, s1  }
0x8c: {  	s14 =	sshll.u32 s0, $0xA;
	s2 =	sadd.s32 s3, s2  }
0x8d: {  	s2 =	sadd.s32 s2, s14  }
0x8e: {  	[smem:$0x3FC0] =	sst s2  }
0x8f: {  	_ = 	snop  }
0x90: {  	s2 =	sld [smem:$0x3FD0];
	_ =	sdelay $0x2  }
0x91: {  	s4 =	simm.s32 $0xA;
	s5 =	simm.s32 $0x10;
	s15 =	sld [smem:$0x3FC9]  }
0x92: {  	[smem:s5], [sflag:s4] =	dma.local [hbm:s2], $0x1  }
0x93: {  	_ =	swait.eq [sflag:s4], $0x1  }
0x94: {  	[sflag:s4] =	ssyncset.done $0x0  }
0x95: {  	[sflag:s4] =	ssyncadd.s32 $0xFFFFFFFF  }
0x96: {  	s16 =	sld [smem:$0x11];
	(tm) =	ssettm $0x1  }
0x97: {  	s17 =	sld [smem:$0x3FFB];
	_ =	sdelay $0x3  }
0x98: {  	_ =	strace s17  }
0x99: {  	s4 =	sld [smem:$0x3FFC];
	_ =	sdelay $0x3  }
0x9a: {  	_ =	strace s4  }
0x9b: {  	s4 =	sld [smem:$0x3FFD];
	_ =	sdelay $0x3  }
0x9c: {  	_ =	strace s4  }
0x9d: {  	_ =	strace $0x8FFFFFFF  }
0x9e: {  	s18 =	sld [smem:$0x3FDB];
	_ =	sdelay $0x1  }
0x9f: {  	s19 =	simm.s32 $_scs_section_size  }
0xa0: {  	s6 =	simm.s32 $_size__tile_overlayer_lowered;
	s7 =	simm.s32 $_tile_overlayer_lowered  }
0xa1: {  	s22 =	simm.s32 $0x1BFF;
	s21 =	sshll.u32 s7, $0x1;
	s4 =	sadd.s32 s19, s18  }
0xa2: {  	s8 =	simm.s32 $0x0;
	s20 =	sshll.u32 s6, $0x1;
	s6 =	sadd.s32 s21, s4  }
0xa3: {  	[timem:s8], [sflag:s22] =	dma.local [hbm:s6], s20  }
0xa4: {  	_ =	swait.ge [sflag:s22], s20  }
0xa5: {  	s5 =	ssub.s32 $0x0, s20;
	[sflag:s22] =	ssyncset.done $0x0  }
0xa6: {  	[sflag:s22] =	ssyncadd.s32 s5;
	_ =	sdelay $0x1  }
0xa7: {  	s23 =	simm.s32 $0x1B8B  }
0xa8: {  	_ =	swait.ge [sflag:s23], $0x1  }
0xa9: {  	[sflag:s23] =	ssyncset.done $0x0  }
0xaa: {  	s25 =	simm.s32 $0x1B8E;
	s24 =	sld [smem:$0x3FFE];
	[sflag:s23] =	ssyncadd.s32 $0xFFFFFFFF  }
0xab: {  	s26 =	simm.s32 $execute0_lowered;
	[smem:$0x3FD2] =	sst s25  }
0xac: {  	s6 =	sshll.u32 s26, $0x1;
	_ =	strace $0x80000049;
	[dreg:$0x1] =	wrdreg $0xFFFFFFFF  }
0xad: {  	s28 =	simm.s32 $_size_execute0_lowered;
	s4 =	sadd.s32 s4, s6;
	[dreg:$0x0] =	wrdreg $0x0  }
0xae: {  	s6 =	sshll.u32 s28, $0x1;
	[dreg:$0x2] =	wrdreg s4  }
0xaf: {  	[dreg:$0x3] =	wrdreg s6  }
0xb0: {  	[dreg:$0x4] =	wrdreg $0xC0  }
0xb1: {  	_ =	task [dreg:s8], $0x5FFFF  }
0xb2: {  	[dreg:$0x1] =	wrdreg $0xFFFFFFFF  }
0xb3: {  	[dreg:$0x0] =	wrdreg $0x60  }
0xb4: {  	[dreg:$0x2] =	wrdreg s16  }
0xb5: {  	[dreg:$0x3] =	wrdreg s15  }
0xb6: {  	[dreg:$0x4] =	wrdreg s24  }
0xb7: {  	[dreg:$0x5] =	wrdreg $0xBA000  }
0xb8: {  	[dreg:$0x6] =	wrdreg $0x9  }
0xb9: {  	_ =	task.clear_ibuf [dreg:s8], $0x7FFFF;
	_ =	strace $0x90000049  }
0xba: {  	s29 =	simm.s32 $0x9;
	_ =	strace $0x8000004B  }
0xbb: {  	_ =	swait.ge [sflag:s29], $0x1  }
0xbc: {  	[sflag:s29] =	ssyncadd.s32 $0xFFFFFFFF  }
0xbd: {  	_ =	strace $0x9000004B  }
0xbe: {  	_ =	sfence  }
0xbf: {  	s30 =	sld [smem:$0x0];
	_ =	sdelay $0x2  }
0xc0: {  	s31 =	sshll.u32 s1, $0xD;
	s1 =	sshrl.u32 s1, $0x2  }
0xc1: {  	s3 =	sand.u32 $0x4000, s31;
	s1 =	sadd.s32 s1, s30  }
0xc2: {  	s0 =	sor.u32 s3, s0;
	s1 =	sshll.u32 s1, $0x11  }
0xc3: {  	s0 =	sor.u32 s1, s0  }
0xc4: {  	s0 =	sadd.s32 $0x8F2B, s0  }
0xc5: {  	[sflag:s0] =	ssyncadd.remote.s32 $0x1  }
0xc6: {  	_ =	sfence.sel $0xFFFF  }
0xc7: {  	[dreg:$0x0] =	wrdreg $0xFFFFFFFF;
	(pc) =	sbr.abs _section_cstart, $3  }
0xc8: {  	[dreg:$0x1] =	wrdreg $0xFFFFFFFF  }
0xc9: {  	_ =	task.clear_ibuf [dreg:s8], $0x2FFFF;
	_ =	strace $0x9FFFFFFF  }
0xca: {  	(tm) =	ssettm $0x7FFFFFFF  }
0xcb: {  	_ =	shalt  }
tec
execute0_lowered:
.L_overlay_start_1:
0x0: {  	(tag) =	ssettag $0x1  }
0x1: {  	s1 =	rddreg [dreg:$0x0]  }
0x2: {  	s0 =	rddreg [dreg:$0x1]  }
0x3: {  	s3 =	rddreg [dreg:$0x2]  }
0x4: {  	s2 =	rddreg [dreg:$0x3]  }
0x5: {  	s4 =	srdreg.scid;
	s16 =	stileid.u32  }
0x6: {  	s11 =	simm.s32 $0x29;
	s28 =	simm.s32 $0x2980;
	s29 =	simm.s32 $0x3  }
0x7: {  	s30 =	simm.s32 $0x1;
	s31 =	simm.s32 $0x4;
	s10 =	smul.u32 $0x50000, s16  }
0x8: {  	s6 =	sand.u32 $0x1, s4;
	s4 =	simm.s32 $0x0;
	s21 =	smul.u32 $0x14000, s16  }
0x9: {  	s3 =	sadd.s32 $0x2A00, s3;
	s5 =	sshll.u32 s6, $0x4;
	s12 =	smul.u32 $0x140000, s6  }
0xa: {  	[smem:$0x7FF] =	sst s4;
	s7 =	ssub.s32 $0x2, s6;
	s6 =	smul.u32 $0x27000, s6  }
0xb: {  	s5 =	sor.u32 s16, s5;
	_ =	strace $0x8000004A;
	s9 =	sshrl.u32 s7, $0x1  }
0xc: {  	s22 =	sshrl.u32 s10, $0x2;
	s14 =	sadd.s32 $0x4000, s21;
	s16 =	smul.u32 $0x2700, s16  }
0xd: {  	s26 =	sadd.s32 $0x8000, s21;
	s8 =	smul.u32 $0x9C0, s5;
	p0 =	seq.s32 s5, $0x1F  }
0xe: {  	s7 =	ssub.s32 s7, s9;
	s23 =	sadd.s32 s12, s21;
	s24 =	sadd.s32 s12, s14  }
0xf: {  	s15 =	sadd.s32 s12, s26;
	s9 =	sadd.s32 $0x10000, s21;
	s11 =	simm.s32 @!p0 $0x27  }
0x10: {  	s10 =	sshrl.u32 s23, $0x3;
	s7 =	smax.u32 s7, $0x1;
	s6 =	sadd.s32 s16, s6  }
0x11: {  	s23 =	sadd.s32 s14, s2;
	s5 =	sshll.u32 s11, $0x1;
	s13 =	sadd.s32 s0, s8  }
0x12: {  	s10 =	sadd.s32 s3, s10;
	[dreg:$0x8] =	wrdreg s7;
	s7 =	sshrl.u32 s24, $0x3  }
0x13: {  	s19 =	sadd.s32 $0x180, s6;
	s11 =	sshll.u32 s11, $0x6;
	[dreg:$0x5] =	wrdreg s13  }
0x14: {  	s13 =	sadd.s32 $0x10, s0;
	[dreg:$0x7] =	wrdreg s10;
	s7 =	sadd.s32 s3, s7  }
0x15: {  	s10 =	sadd.s32 s26, s2;
	s8 =	sadd.s32 s8, s13;
	[dreg:$0xa] =	wrdreg s7  }
0x16: {  	s7 =	sshrl.u32 s15, $0x3;
	s26 =	sshrl.u32 s10, $0x3;
	[dreg:$0x6] =	wrdreg s8  }
0x17: {  	s8 =	sadd.s32 s22, s2;
	s7 =	sadd.s32 s3, s7;
	[dreg:$0x12] =	wrdreg s26  }
0x18: {  	s15 =	sadd.s32 $0xC000, s21;
	s25 =	sadd.s32 $0x1000, s8;
	[dreg:$0xb] =	wrdreg s7  }
0x19: {  	s17 =	sadd.s32 s12, s15;
	s22 =	sadd.s32 $0x2000, s8;
	[dreg:$0x9] =	wrdreg s25  }
0x1a: {  	s12 =	sadd.s32 s12, s9;
	s10 =	sadd.s32 $0x5000, s8;
	[dreg:$0xe] =	wrdreg s22  }
0x1b: {  	s18 =	sshrl.u32 s12, $0x3;
	s12 =	sadd.s32 $0x7000, s8;
	[dreg:$0x17] =	wrdreg s10  }
0x1c: {  	s20 =	sshrl.u32 s19, $0x2;
	s14 =	sadd.s32 $0x9000, s8;
	[dreg:$0x19] =	wrdreg s12  }
0x1d: {  	s24 =	sadd.s32 s15, s2;
	s15 =	sadd.s32 $0xA000, s8;
	[dreg:$0x1b] =	wrdreg s14  }
0x1e: {  	s7 =	sshrl.u32 s17, $0x3;
	s17 =	sadd.s32 $0xB000, s8;
	[dreg:$0x1c] =	wrdreg s15  }
0x1f: {  	s21 =	sor.u32 $0x80, s6;
	s19 =	sadd.s32 $0xC000, s8;
	[dreg:$0x1d] =	wrdreg s17  }
0x20: {  	s6 =	sshrl.u32 s6, $0x2;
	s26 =	sadd.s32 $0x12000, s8;
	[dreg:$0x1e] =	wrdreg s19  }
0x21: {  	s9 =	sadd.s32 s9, s2;
	s7 =	sadd.s32 s3, s7;
	[smem:$0x7FD] =	sst s26  }
0x22: {  	s3 =	sadd.s32 s3, s18;
	s18 =	sadd.s32 $0xFFFFFFC0, s11;
	[dreg:$0xc] =	wrdreg s7  }
0x23: {  	s25 =	sshrl.u32 s23, $0x3;
	s11 =	sadd.s32 $0x6000, s8;
	[dreg:$0xd] =	wrdreg s3  }
0x24: {  	s22 =	sadd.s32 $0xE000, s8;
	s23 =	sadd.s32 $0xF000, s8;
	[dreg:$0x11] =	wrdreg s25  }
0x25: {  	s17 =	sadd.s32 $0x13000, s8;
	s19 =	simm.s32 $0x80;
	[dreg:$0x18] =	wrdreg s11  }
0x26: {  	s26 =	simm.s32 $0x6A00;
	s3 =	sadd.s32 s20, s0;
	[smem:$0x7F9] =	sst s22  }
0x27: {  	s7 =	sshrl.u32 s21, $0x2;
	s20 =	sadd.s32 $0xD000, s8;
	[smem:$0x7FA] =	sst s23  }
0x28: {  	s0 =	sadd.s32 s0, s6;
	s25 =	sadd.s32 $0x11000, s8;
	[dreg:$0x1f] =	wrdreg s20  }
0x29: {  	s6 =	sadd.s32 s13, s6;
	s3 =	sadd.s32 $0xFFFFFFD0, s3;
	[smem:$0x7FC] =	sst s25  }
0x2a: {  	s22 =	simm.s32 $0x2900;
	s0 =	sadd.s32 $0x50, s0;
	[dreg:$0xf] =	wrdreg s3  }
0x2b: {  	s21 =	sadd.s32 $0x40, s6;
	s6 =	sshrl.u32 s9, $0x3;
	[dreg:$0x10] =	wrdreg s0  }
0x2c: {  	s16 =	sadd.s32 s7, s13;
	s7 =	sadd.s32 $0x3000, s8;
	[dreg:$0x14] =	wrdreg s6  }
0x2d: {  	s23 =	simm.s32 $0x2A00;
	s9 =	sadd.s32 $0x4000, s8;
	[dreg:$0x15] =	wrdreg s7  }
0x2e: {  	s13 =	sadd.s32 $0x8000, s8;
	s20 =	simm.s32 $0x5;
	[dreg:$0x16] =	wrdreg s9  }
0x2f: {  	s25 =	simm.s32 $0x6;
	s3 =	sshrl.u32 s24, $0x3;
	[dreg:$0x1a] =	wrdreg s13  }
0x30: {  	s24 =	sadd.s32 $0x10000, s8;
	s0 =	simm.s32 $0x2;
	[dreg:$0x13] =	wrdreg s3  }
0x31: {  	v0 =	vimm.f32 $0.0e+00;
	[smem:$0x7FB] =	sst s24;
	s24 =	simm.s32 $0xAA00;
	s3 =	simm.s32 $0x0  }
.LBB2_1:
0x32: {  	s6 =	rddreg [dreg:$0x5];
	s7 =	simm.s32 $0x100  }
0x33: {  	[tilespmem:s4], [sflag:$0x5] =	stream.strided.gather [hbm4b:s6+s19], $0x2900, s7, s19, $0x38;
	[tilespmem:$0x1FA00] =	vst v63  }
0x34: {  	s6 =	simm.s32 $0x0;
	s7 =	simm.s32 $0x200  }
.LBB2_2:
0x35: {  	p0 =	sne.s32 s7, $0x3E00;
	[tilespmem:s6+$0xAA70] =	vst v0  }
0x36: {  	[tilespmem:s6+$0xAA00] =	vst v0  }
0x37: {  	[tilespmem:s6+$0xAA10] =	vst v0  }
.Ltmp0:
0x38: {  	[tilespmem:s6+$0xAA20] =	vst v0;
	(pc) =	sbr.rel @p0 .LBB2_2-.Ltmp0, $4  }
0x39: {  	[tilespmem:s6+$0xAA30] =	vst v0  }
0x3a: {  	[tilespmem:s6+$0xAA40] =	vst v0  }
0x3b: {  	[tilespmem:s6+$0xAA50] =	vst v0  }
0x3c: {  	[tilespmem:s6+$0xAA60] =	vst v0;
	s6 =	sshra.s32 s7, $0x2;
	s7 =	sadd.s32 $0x200, s7  }
0x3d: {  	[tilespmem:s6+$0xAA70] =	vst v0  }
0x3e: {  	[tilespmem:s6+$0xAA00] =	vst v0  }
0x3f: {  	[tilespmem:s6+$0xAA10] =	vst v0  }
0x40: {  	[tilespmem:s6+$0xAA20] =	vst v0  }
0x41: {  	[tilespmem:s6+$0xAA30] =	vst v0  }
0x42: {  	[tilespmem:s6+$0xAA40] =	vst v0  }
0x43: {  	[tilespmem:s6+$0xAA50] =	vst v0  }
0x44: {  	[tilespmem:s6+$0xAA60] =	vst v0  }
0x45: {  	_ =	swait.ge [sflag:s20], $0x2900  }
0x46: {  	[sflag:s20] =	ssyncset.done $0x0  }
0x47: {  	s7 =	simm.s32 $0x0;
	s10 =	rddreg [dreg:$0x6];
	[sflag:s20] =	ssyncadd.s32 $0xFFFFD700  }
0x48: {  	[tilespmem:s22], [sflag:$0x3] =	stream.linear.gather [hbm4b:s10+s7], $0x80, $0x38;
	[tilespmem:$0x1FA00] =	vst v63  }
0x49: {  	s6 =	simm.s32 $0x80  }
0x4a: {  	[tilespmem:s23], [sflag:$0x1] =	stream.indirect.gather [hbm4b:s1+s6], $0x80, s7, s6, $0xb8;
	[tilespmem:$0x1FA00] =	vst v63  }
0x4b: {  	_ = 	snop  }
0x4c: {  	[spmem:s8] =	stream.linear.scatter [tilespmem:s24], [sflag:$0x6], $0x1000, $0x38;
	[tilespmem:$0x1FA00] =	vst v63  }
0x4d: {  	_ =	swait.ge [sflag:s25], $0x1000  }
0x4e: {  	[sflag:s25] =	ssyncset.done $0x0  }
0x4f: {  	s11 =	rddreg [dreg:$0x9];
	[sflag:s25] =	ssyncadd.s32 $0xFFFFF000  }
0x50: {  	[spmem:s11] =	stream.linear.scatter [tilespmem:s24], [sflag:$0x6], $0x1000, $0x38;
	[tilespmem:$0x1FA00] =	vst v63  }
0x51: {  	_ =	swait.ge [sflag:s25], $0x1000  }
0x52: {  	[sflag:s25] =	ssyncset.done $0x0  }
0x53: {  	s12 =	rddreg [dreg:$0xe];
	[sflag:s25] =	ssyncadd.s32 $0xFFFFF000  }
0x54: {  	[spmem:s12] =	stream.linear.scatter [tilespmem:s24], [sflag:$0x6], $0x1000, $0x38;
	[tilespmem:$0x1FA00] =	vst v63  }
0x55: {  	_ =	swait.ge [sflag:s25], $0x1000  }
0x56: {  	[sflag:s25] =	ssyncset.done $0x0  }
0x57: {  	s13 =	rddreg [dreg:$0x15];
	[sflag:s25] =	ssyncadd.s32 $0xFFFFF000  }
0x58: {  	[spmem:s13] =	stream.linear.scatter [tilespmem:s24], [sflag:$0x6], $0x1000, $0x38;
	[tilespmem:$0x1FA00] =	vst v63  }
0x59: {  	_ =	swait.ge [sflag:s25], $0x1000  }
0x5a: {  	[sflag:s25] =	ssyncset.done $0x0  }
0x5b: {  	s14 =	rddreg [dreg:$0x16];
	[sflag:s25] =	ssyncadd.s32 $0xFFFFF000  }
0x5c: {  	[spmem:s14] =	stream.linear.scatter [tilespmem:s24], [sflag:$0x6], $0x1000, $0x38;
	[tilespmem:$0x1FA00] =	vst v63  }
0x5d: {  	_ =	swait.ge [sflag:s25], $0x1000  }
0x5e: {  	[sflag:s25] =	ssyncset.done $0x0  }
0x5f: {  	s15 =	rddreg [dreg:$0x17];
	[sflag:s25] =	ssyncadd.s32 $0xFFFFF000  }
0x60: {  	[spmem:s15] =	stream.linear.scatter [tilespmem:s24], [sflag:$0x6], $0x1000, $0x38;
	[tilespmem:$0x1FA00] =	vst v63  }
0x61: {  	_ =	swait.ge [sflag:s25], $0x1000  }
0x62: {  	[sflag:s25] =	ssyncset.done $0x0  }
0x63: {  	s9 =	rddreg [dreg:$0x18];
	[sflag:s25] =	ssyncadd.s32 $0xFFFFF000  }
0x64: {  	[spmem:s9] =	stream.linear.scatter [tilespmem:s24], [sflag:$0x6], $0x1000, $0x38;
	[tilespmem:$0x1FA00] =	vst v63  }
0x65: {  	_ =	swait.ge [sflag:s25], $0x1000  }
0x66: {  	[sflag:s25] =	ssyncset.done $0x0  }
0x67: {  	s10 =	rddreg [dreg:$0x19];
	[sflag:s25] =	ssyncadd.s32 $0xFFFFF000  }
0x68: {  	[spmem:s10] =	stream.linear.scatter [tilespmem:s24], [sflag:$0x6], $0x1000, $0x38;
	[tilespmem:$0x1FA00] =	vst v63  }
0x69: {  	_ =	swait.ge [sflag:s25], $0x1000  }
0x6a: {  	[sflag:s25] =	ssyncset.done $0x0  }
0x6b: {  	s11 =	rddreg [dreg:$0x1a];
	[sflag:s25] =	ssyncadd.s32 $0xFFFFF000  }
0x6c: {  	[spmem:s11] =	stream.linear.scatter [tilespmem:s24], [sflag:$0x6], $0x1000, $0x38;
	[tilespmem:$0x1FA00] =	vst v63  }
0x6d: {  	_ =	swait.ge [sflag:s25], $0x1000  }
0x6e: {  	[sflag:s25] =	ssyncset.done $0x0  }
0x6f: {  	s12 =	rddreg [dreg:$0x1b];
	[sflag:s25] =	ssyncadd.s32 $0xFFFFF000  }
0x70: {  	[spmem:s12] =	stream.linear.scatter [tilespmem:s24], [sflag:$0x6], $0x1000, $0x38;
	[tilespmem:$0x1FA00] =	vst v63  }
0x71: {  	_ =	swait.ge [sflag:s25], $0x1000  }
0x72: {  	[sflag:s25] =	ssyncset.done $0x0  }
0x73: {  	s13 =	rddreg [dreg:$0x1c];
	[sflag:s25] =	ssyncadd.s32 $0xFFFFF000  }
0x74: {  	[spmem:s13] =	stream.linear.scatter [tilespmem:s24], [sflag:$0x6], $0x1000, $0x38;
	[tilespmem:$0x1FA00] =	vst v63  }
0x75: {  	_ =	swait.ge [sflag:s25], $0x1000  }
0x76: {  	[sflag:s25] =	ssyncset.done $0x0  }
0x77: {  	s14 =	rddreg [dreg:$0x1d];
	[sflag:s25] =	ssyncadd.s32 $0xFFFFF000  }
0x78: {  	[spmem:s14] =	stream.linear.scatter [tilespmem:s24], [sflag:$0x6], $0x1000, $0x38;
	[tilespmem:$0x1FA00] =	vst v63  }
0x79: {  	_ =	swait.ge [sflag:s25], $0x1000  }
0x7a: {  	[sflag:s25] =	ssyncset.done $0x0  }
0x7b: {  	s15 =	rddreg [dreg:$0x1e];
	[sflag:s25] =	ssyncadd.s32 $0xFFFFF000  }
0x7c: {  	[spmem:s15] =	stream.linear.scatter [tilespmem:s24], [sflag:$0x6], $0x1000, $0x38;
	[tilespmem:$0x1FA00] =	vst v63  }
0x7d: {  	_ =	swait.ge [sflag:s25], $0x1000  }
0x7e: {  	[sflag:s25] =	ssyncset.done $0x0  }
0x7f: {  	s9 =	rddreg [dreg:$0x1f];
	[sflag:s25] =	ssyncadd.s32 $0xFFFFF000  }
0x80: {  	[spmem:s9] =	stream.linear.scatter [tilespmem:s24], [sflag:$0x6], $0x1000, $0x38;
	[tilespmem:$0x1FA00] =	vst v63  }
0x81: {  	_ =	swait.ge [sflag:s25], $0x1000  }
0x82: {  	s10 =	sld [smem:$0x7F9]  }
0x83: {  	[sflag:s25] =	ssyncset.done $0x0  }
0x84: {  	[sflag:s25] =	ssyncadd.s32 $0xFFFFF000  }
0x85: {  	[spmem:s10] =	stream.linear.scatter [tilespmem:s24], [sflag:$0x6], $0x1000, $0x38;
	[tilespmem:$0x1FA00] =	vst v63  }
0x86: {  	_ =	swait.ge [sflag:s25], $0x1000  }
0x87: {  	s11 =	sld [smem:$0x7FA]  }
0x88: {  	[sflag:s25] =	ssyncset.done $0x0  }
0x89: {  	[sflag:s25] =	ssyncadd.s32 $0xFFFFF000  }
0x8a: {  	[spmem:s11] =	stream.linear.scatter [tilespmem:s24], [sflag:$0x6], $0x1000, $0x38;
	[tilespmem:$0x1FA00] =	vst v63  }
0x8b: {  	_ =	swait.ge [sflag:s25], $0x1000  }
0x8c: {  	s12 =	sld [smem:$0x7FB]  }
0x8d: {  	[sflag:s25] =	ssyncset.done $0x0  }
0x8e: {  	[sflag:s25] =	ssyncadd.s32 $0xFFFFF000  }
0x8f: {  	[spmem:s12] =	stream.linear.scatter [tilespmem:s24], [sflag:$0x6], $0x1000, $0x38;
	[tilespmem:$0x1FA00] =	vst v63  }
0x90: {  	_ =	swait.ge [sflag:s25], $0x1000  }
0x91: {  	s13 =	sld [smem:$0x7FC]  }
0x92: {  	[sflag:s25] =	ssyncset.done $0x0  }
0x93: {  	[sflag:s25] =	ssyncadd.s32 $0xFFFFF000  }
0x94: {  	[spmem:s13] =	stream.linear.scatter [tilespmem:s24], [sflag:$0x6], $0x1000, $0x38;
	[tilespmem:$0x1FA00] =	vst v63  }
0x95: {  	_ =	swait.ge [sflag:s25], $0x1000  }
0x96: {  	s14 =	sld [smem:$0x7FD]  }
0x97: {  	[sflag:s25] =	ssyncset.done $0x0  }
0x98: {  	[sflag:s25] =	ssyncadd.s32 $0xFFFFF000  }
0x99: {  	[spmem:s14] =	stream.linear.scatter [tilespmem:s24], [sflag:$0x6], $0x1000, $0x38;
	[tilespmem:$0x1FA00] =	vst v63  }
0x9a: {  	_ =	swait.ge [sflag:s25], $0x1000  }
0x9b: {  	[sflag:s25] =	ssyncset.done $0x0  }
0x9c: {  	[sflag:s25] =	ssyncadd.s32 $0xFFFFF000  }
0x9d: {  	[spmem:s17] =	stream.linear.scatter [tilespmem:s24], [sflag:$0x6], $0x1000, $0x38;
	[tilespmem:$0x1FA00] =	vst v63  }
0x9e: {  	_ =	swait.ge [sflag:s25], $0x1000  }
0x9f: {  	[sflag:s25] =	ssyncset.done $0x0  }
0xa0: {  	[sflag:s25] =	ssyncadd.s32 $0xFFFFF000  }
0xa1: {  	[bflag:$0x0] =	sbarrier.arrive $0xFFFF  }
0xa2: {  	[tilespmem:s26], [sflag:$0x2] =	stream.indirect.gather [hbm4b:s1+s19], $0x80, s6, s19, $0xb8;
	[tilespmem:$0x1FA00] =	vst v63  }
0xa3: {  	s15 =	sadd.s32 $0x0, s16  }
0xa4: {  	[tilespmem:s28], [sflag:$0x4] =	stream.linear.gather [hbm4b:s15+s4], $0x80, $0x38;
	[tilespmem:$0x1FA00] =	vst v63  }
0xa5: {  	_ =	swait.ge [sflag:s29], $0x80  }
0xa6: {  	[sflag:s29] =	ssyncset.done $0x0  }
0xa7: {  	[sflag:s29] =	ssyncadd.s32 $0xFFFFFF80  }
0xa8: {  	_ =	swait.ge [sflag:s30], $0x4000  }
0xa9: {  	[sflag:s30] =	ssyncset.done $0x0  }
0xaa: {  	[sflag:s30] =	ssyncadd.s32 $0xFFFFC000  }
0xab: {  	[spmem:s2] =	stream.indirect.scatter.add.f32 [tilespmem:s23], [sflag:$0x6], $0x80, s22, s19, $0xb8;
	[tilespmem:$0x1FA00] =	vst v63  }
0xac: {  	p0 =	sle.u32 s5, $0x2;
	_ =	swait.ge [sflag:s25], $0x4000  }
0xad: {  	s7 =	simm.s32 @!p0 $0x100;
	[sflag:s25] =	ssyncset.done $0x0  }
0xae: {  	s9 =	simm.s32 @!p0 $0x80;
	s10 =	simm.s32 @!p0 $0x2A00;
	[sflag:s25] =	ssyncadd.s32 $0xFFFFC000  }
0xaf: {  	[tilespmem:s10], [sflag:$0x1] =	stream.indirect.gather @!p0 [hbm4b:s1+s9], $0x80, s7, s9, $0xb8;
	[tilespmem:$0x1FA00] =	vst v63  }
0xb0: {  	s7 =	sadd.s32 @!p0 $0x0, s21;
	s9 =	simm.s32 @!p0 $0x0;
	s10 =	simm.s32 @!p0 $0x2900  }
0xb1: {  	[tilespmem:s10], [sflag:$0x3] =	stream.linear.gather @!p0 [hbm4b:s7+s9], $0x80, $0x38;
	[tilespmem:$0x1FA00] =	vst v63  }
0xb2: {  	_ =	swait.ge [sflag:s31], $0x80  }
0xb3: {  	p0 =	sne.s32 s18, $0x40;
	[sflag:s31] =	ssyncset.done $0x0  }
.Ltmp1:
0xb4: {  	[sflag:s31] =	ssyncadd.s32 $0xFFFFFF80;
	(pc) =	sbr.rel @!p0 .LBB2_5-.Ltmp1, $4  }
0xb5: {  	_ =	swait.ge [sflag:s0], $0x4000  }
0xb6: {  	s7 =	simm.s32 $0x40;
	[sflag:s0] =	ssyncset.done $0x0  }
0xb7: {  	s9 =	simm.s32 $0x4;
	s10 =	simm.s32 $0x80;
	[sflag:s0] =	ssyncadd.s32 $0xFFFFC000  }
0xb8: {  	[spmem:s2] =	stream.indirect.scatter.add.f32 [tilespmem:s26], [sflag:$0x6], $0x80, s28, s19, $0xb8;
	[tilespmem:$0x1FA00] =	vst v63  }
.LBB2_4:
0xb9: {  	s10 =	smov.u32 s6;
	s6 =	sadd.s32 $0x100, s6  }
0xba: {  	s11 =	smov.u32 s7;
	s7 =	sadd.s32 $0x40, s7;
	_ =	swait.ge [sflag:s25], $0x4000  }
0xbb: {  	p0 =	sne.s32 s18, s7;
	[sflag:s25] =	ssyncset.done $0x0  }
0xbc: {  	[sflag:s25] =	ssyncadd.s32 $0xFFFFC000  }
0xbd: {  	[tilespmem:s26], [sflag:$0x2] =	stream.indirect.gather [hbm4b:s1+s19], $0x80, s6, s19, $0xb8;
	[tilespmem:$0x1FA00] =	vst v63  }
0xbe: {  	s12 =	sadd.s32 s11, s16  }
0xbf: {  	[tilespmem:s28], [sflag:$0x4] =	stream.linear.gather [hbm4b:s12+s4], $0x80, $0x38;
	[tilespmem:$0x1FA00] =	vst v63  }
0xc0: {  	_ =	swait.ge [sflag:s29], $0x80  }
0xc1: {  	[sflag:s29] =	ssyncset.done $0x0  }
0xc2: {  	[sflag:s29] =	ssyncadd.s32 $0xFFFFFF80  }
0xc3: {  	_ =	swait.ge [sflag:s30], $0x4000  }
0xc4: {  	[sflag:s30] =	ssyncset.done $0x0  }
0xc5: {  	p1 =	sge.u32 s9, s5;
	[sflag:s30] =	ssyncadd.s32 $0xFFFFC000  }
0xc6: {  	[spmem:s2] =	stream.indirect.scatter.add.f32 [tilespmem:s23], [sflag:$0x6], $0x80, s22, s19, $0xb8;
	[tilespmem:$0x1FA00] =	vst v63  }
0xc7: {  	s13 =	simm.s32 @!p1 $0x80;
	s12 =	sadd.s32 @!p1 $0x80, s6;
	_ =	swait.ge [sflag:s25], $0x4000  }
0xc8: {  	s14 =	simm.s32 @!p1 $0x2A00;
	s11 =	sadd.s32 @!p1 s11, s21;
	[sflag:s25] =	ssyncset.done $0x0  }
0xc9: {  	s15 =	simm.s32 @!p1 $0x0;
	[sflag:s25] =	ssyncadd.s32 $0xFFFFC000  }
0xca: {  	[tilespmem:s14], [sflag:$0x1] =	stream.indirect.gather @!p1 [hbm4b:s1+s13], $0x80, s12, s13, $0xb8;
	[tilespmem:$0x1FA00] =	vst v63  }
0xcb: {  	s12 =	simm.s32 @!p1 $0x2900  }
0xcc: {  	[tilespmem:s12], [sflag:$0x3] =	stream.linear.gather @!p1 [hbm4b:s11+s15], $0x80, $0x38;
	[tilespmem:$0x1FA00] =	vst v63  }
0xcd: {  	_ =	swait.ge [sflag:s31], $0x80  }
0xce: {  	[sflag:s31] =	ssyncset.done $0x0  }
.Ltmp2:
0xcf: {  	[sflag:s31] =	ssyncadd.s32 $0xFFFFFF80;
	(pc) =	sbr.rel @p0 .LBB2_4-.Ltmp2, $4  }
0xd0: {  	_ =	swait.ge [sflag:s0], $0x4000  }
0xd1: {  	[sflag:s0] =	ssyncset.done $0x0  }
0xd2: {  	s9 =	sadd.s32 $0x2, s9;
	[sflag:s0] =	ssyncadd.s32 $0xFFFFC000  }
0xd3: {  	[spmem:s2] =	stream.indirect.scatter.add.f32 [tilespmem:s26], [sflag:$0x6], $0x80, s28, s19, $0xb8;
	[tilespmem:$0x1FA00] =	vst v63  }
.LBB2_5:
0xd4: {  	_ =	swait.ge [sflag:s25], $0x4000  }
0xd5: {  	[sflag:s25] =	ssyncset.done $0x0  }
0xd6: {  	s6 =	sadd.s32 $0x100, s6;
	s15 =	rddreg [dreg:$0xf];
	[sflag:s25] =	ssyncadd.s32 $0xFFFFC000  }
0xd7: {  	[tilespmem:s26], [sflag:$0x2] =	stream.indirect.gather [hbm4b:s1+s19], $0x80, s6, s19, $0xb8;
	[tilespmem:$0x1FA00] =	vst v63  }
0xd8: {  	s6 =	sadd.s32 s7, s15  }
0xd9: {  	[tilespmem:s28], [sflag:$0x4] =	stream.linear.gather [hbm4b:s6+s4], $0x80, $0x38;
	[tilespmem:$0x1FA00] =	vst v63  }
0xda: {  	_ =	swait.ge [sflag:s29], $0x80  }
0xdb: {  	[sflag:s29] =	ssyncset.done $0x0  }
0xdc: {  	[sflag:s29] =	ssyncadd.s32 $0xFFFFFF80  }
0xdd: {  	_ =	swait.ge [sflag:s30], $0x4000  }
0xde: {  	[sflag:s30] =	ssyncset.done $0x0  }
0xdf: {  	[sflag:s30] =	ssyncadd.s32 $0xFFFFC000  }
0xe0: {  	[spmem:s2] =	stream.indirect.scatter.add.f32 [tilespmem:s23], [sflag:$0x6], $0x80, s22, s19, $0xb8;
	[tilespmem:$0x1FA00] =	vst v63  }
0xe1: {  	p0 =	sge.u32 s9, s5;
	_ =	swait.ge [sflag:s25], $0x4000  }
0xe2: {  	s9 =	simm.s32 @!p0 $0x80;
	[sflag:s25] =	ssyncset.done $0x0  }
0xe3: {  	s6 =	sadd.s32 @!p0 $0x180, s10;
	s10 =	simm.s32 @!p0 $0x2A00;
	[sflag:s25] =	ssyncadd.s32 $0xFFFFC000  }
0xe4: {  	[tilespmem:s10], [sflag:$0x1] =	stream.indirect.gather @!p0 [hbm4b:s1+s9], $0x80, s6, s9, $0xb8;
	[tilespmem:$0x1FA00] =	vst v63  }
0xe5: {  	s6 =	rddreg [dreg:$0x10]  }
0xe6: {  	s9 =	simm.s32 @!p0 $0x2900;
	s6 =	sadd.s32 @!p0 s7, s6;
	s7 =	simm.s32 @!p0 $0x0  }
0xe7: {  	[tilespmem:s9], [sflag:$0x3] =	stream.linear.gather @!p0 [hbm4b:s6+s7], $0x80, $0x38;
	[tilespmem:$0x1FA00] =	vst v63  }
0xe8: {  	_ =	swait.ge [sflag:s31], $0x80  }
0xe9: {  	[sflag:s31] =	ssyncset.done $0x0  }
0xea: {  	[sflag:s31] =	ssyncadd.s32 $0xFFFFFF80  }
0xeb: {  	_ =	swait.ge [sflag:s0], $0x4000  }
0xec: {  	[sflag:s0] =	ssyncset.done $0x0  }
0xed: {  	[sflag:s0] =	ssyncadd.s32 $0xFFFFC000  }
0xee: {  	[spmem:s2] =	stream.indirect.scatter.add.f32 [tilespmem:s26], [sflag:$0x6], $0x80, s28, s19, $0xb8;
	[tilespmem:$0x1FA00] =	vst v63  }
0xef: {  	_ =	swait.ge [sflag:s25], $0x4000  }
0xf0: {  	[sflag:s25] =	ssyncset.done $0x0  }
0xf1: {  	s11 =	stileid.u32;
	[sflag:s25] =	ssyncadd.s32 $0xFFFFC000  }
0xf2: {  	s6 =	sshll.u32 s11, $0x6;
	[bflag:$0x0] =	sbarrier.arrive $0xFFFF  }
0xf3: {  	s12 =	sshrl.u32 s8, $0x3;
	s6 =	sor.u32 $0x1C06, s6;
	s13 =	rddreg [dreg:$0x7]  }
0xf4: {  	[hbm:s13], [sflag:s6] =	dma.local [spmem:s12], $0x800  }
0xf5: {  	_ =	swait.ge [sflag:s25], $0x800  }
0xf6: {  	[sflag:s25] =	ssyncset.done $0x0;
	s14 =	rddreg [dreg:$0xa]  }
0xf7: {  	s15 =	rddreg [dreg:$0x11];
	[sflag:s25] =	ssyncadd.s32 $0xFFFFF800  }
0xf8: {  	[hbm:s14], [sflag:s6] =	dma.local [spmem:s15], $0x800  }
0xf9: {  	_ =	swait.ge [sflag:s25], $0x800  }
0xfa: {  	[sflag:s25] =	ssyncset.done $0x0;
	s9 =	rddreg [dreg:$0xb]  }
0xfb: {  	s10 =	rddreg [dreg:$0x12];
	[sflag:s25] =	ssyncadd.s32 $0xFFFFF800  }
0xfc: {  	[hbm:s9], [sflag:s6] =	dma.local [spmem:s10], $0x800  }
0xfd: {  	_ =	swait.ge [sflag:s25], $0x800  }
0xfe: {  	[sflag:s25] =	ssyncset.done $0x0;
	s11 =	rddreg [dreg:$0xc]  }
0xff: {  	s12 =	rddreg [dreg:$0x13];
	[sflag:s25] =	ssyncadd.s32 $0xFFFFF800  }
0x100: {  	[hbm:s11], [sflag:s6] =	dma.local [spmem:s12], $0x800  }
0x101: {  	_ =	swait.ge [sflag:s25], $0x800  }
0x102: {  	[sflag:s25] =	ssyncset.done $0x0;
	s13 =	rddreg [dreg:$0xd]  }
0x103: {  	s14 =	rddreg [dreg:$0x14];
	[sflag:s25] =	ssyncadd.s32 $0xFFFFF800  }
0x104: {  	[hbm:s13], [sflag:s6] =	dma.local [spmem:s14], $0x800  }
0x105: {  	_ =	swait.ge [sflag:s25], $0x800  }
0x106: {  	s3 =	sadd.s32 $0x1, s3;
	s15 =	rddreg [dreg:$0x8]  }
0x107: {  	p0 =	sne.s32 s3, s15  }
.Ltmp3:
0x108: {  	_ = 	snop;
	(pc) =	sbr.rel @p0 .LBB2_1-.Ltmp3, $3  }
0x109: {  	_ =	sdelay $0x1  }
0x10a: {  	[sflag:s25] =	ssyncset.done $0x0  }
0x10b: {  	[sflag:s25] =	ssyncadd.s32 $0xFFFFF800  }
0x10c: {  	_ =	sfence.sel $0x180000  }
0x10d: {  	[bflag:$0x0] =	sbarrier.arrive $0xFFFF  }
0x10e: {  	_ =	strace $0x9000004A  }
0x10f: {  	s0 =	stileid.u32;
	[bflag:$0x2] =	sbarrier.arrive $0xFFFF  }
0x110: {  	p0 =	sne.s32 s0, $0x0;
	s0 =	rddreg [dreg:$0x4]  }
0x111: {  	s0 =	sadd.s32 @!p0 $0x100000, s0  }
0x112: {  	[sflag:s0] =	ssyncadd.tile.s32 @!p0 $0x1;
	_ =	shalt  }
.Lfunc_end2:
_tile_overlayer_lowered:
.L_overlay_start_2:
0x113: {  	(tag) =	ssettag $0x2  }
0x114: {  	s0 =	rddreg [dreg:$0x0];
	s2 =	stileid.u32  }
0x115: {  	s1 =	rddreg [dreg:$0x1];
	p0 =	sne.s32 s2, $0x0  }
0x116: {  	s3 =	rddreg [dreg:$0x2];
	[bflag:$0x3] =	sbarrier.arrive $0xFFFF;
	s2 =	simm.s32 @!p0 $0x1C06  }
0x117: {  	[timem:s3], [sflag:s2] =	dma.local @!p0 [hbm:s0], s1  }
0x118: {  	s0 =	simm.s32 @!p0 $0x6  }
0x119: {  	_ =	swait.ge @!p0 [sflag:s0], s1  }
0x11a: {  	s1 =	ssub.s32 @!p0 $0x0, s1;
	[sflag:s0] =	ssyncset.done @!p0 $0x0  }
0x11b: {  	[sflag:s0] =	ssyncadd.s32 @!p0 s1  }
0x11c: {  	[bflag:$0x3] =	sbarrier.arrive $0xFFFF  }
0x11d: {  	_ =	shalt  }

// kernel: kernel.14.cloned.1.call-start
scs
__scs_entry_jumppad:
0x0: {  	(pc) =	sbr.rel $0x88, $3  }
0x1: {  	(tag) =	ssettag $0x0;
	lr =	simm.s32 $0x1  }
0x2: {  	[smem:$0x3F99] =	sst lr;
	_ =	strace $0xD0000000  }
0x3: {  	_ = 	snop  }
0x4: {  	_ = 	snop  }
0x5: {  	_ = 	snop  }
0x6: {  	_ = 	snop  }
0x7: {  	_ = 	snop  }
__scs_overlays_trampoline_lowered:
0x8: {  	[smem:$0x3FA8] =	sst s0  }
0x9: {  	[smem:$0x3FA9] =	sst s1  }
0xa: {  	[smem:$0x3FAA] =	sst s2  }
0xb: {  	[smem:$0x3FAB] =	sst s3  }
0xc: {  	[smem:$0x3FAC] =	sst s4  }
0xd: {  	[smem:$0x3FAD] =	sst s5  }
0xe: {  	[smem:$0x3FAE] =	sst s6  }
0xf: {  	[smem:$0x3FAF] =	sst s7  }
0x10: {  	[smem:$0x3FB0] =	sst s8  }
0x11: {  	[smem:$0x3FB1] =	sst s9;
	s0 =	simm.s32 @!p0 $0x0  }
0x12: {  	s1 =	sld [smem:$0x3F97];
	s0 =	simm.s32 @p0 $0x1  }
0x13: {  	[smem:$0x3FB2] =	sst s0;
	s0 =	simm.s32 @!p1 $0x0  }
0x14: {  	s2 =	sld [smem:$0x3F96];
	s0 =	simm.s32 @p1 $0x1  }
0x15: {  	[smem:$0x3FB3] =	sst s0;
	s0 =	simm.s32 @!p2 $0x0  }
0x16: {  	s3 =	sld [smem:$0x3FDB];
	s0 =	simm.s32 @p2 $0x1  }
0x17: {  	s4 =	simm.s32 $0x1BF5;
	[smem:$0x3FB5] =	sst s0  }
0x18: {  	s0 =	sld [smem:$0x3F98];
	_ =	swait.ge [sflag:s4], $0x0  }
0x19: {  	s7 =	sld [smem:$0x3F99]  }
0x1a: {  	s8 =	sadd.s32 $0xFFFFE003, lr  }
0x1b: {  	s9 =	sadd.s32 $0xFFFFFEF7, lr;
	s5 =	simm.s32 $0xFFFFFFFF;
	p2 =	slt.u32 s8, $0xFFFFF086  }
0x1c: {  	p1 =	slt.u32 s9, $0xF7A;
	s5 =	simm.s32 @!p2 $0x0  }
0x1d: {  	s5 =	simm.s32 @p1 $0x1;
	p0 =	seq.s32 s7, s2  }
0x1e: {  	s7 =	smul.u32 @!p0 $0xF7A, s2;
	p2 =	seq.s32 @!p0 s5, $0x0  }
0x1f: {  	s9 =	smul.u32 $0xF7A, s1;
	s8 =	simm.s32 @!p0 $0x1BF5;
	p2 =	por !p2, p0  }
0x20: {  	[sflag:s8] =	ssyncset.s32 @!p0 $0xFFFFF086;
	s6 =	sadd.s32 @!p0 s3, s7;
	s7 =	simm.s32 @!p0 $0x108  }
0x21: {  	s3 =	sadd.s32 s3, s9;
	s6 =	sadd.s32 @!p0 $0x88, s6;
	s7 =	simm.s32 @p2 $0x1082  }
0x22: {  	[simem:s7], [sflag:s8] =	dma.local @!p0 [hbm:s6], $0xF7A  }
0x23: {  	s9 =	sor.u32 $0xD0000000, s2;
	s6 =	simm.s32 $0x108;
	_ =	swait.ge @!p0 [sflag:s8], $0x0  }
0x24: {  	s3 =	sadd.s32 $0x88, s3;
	s6 =	simm.s32 @!p1 $0x1082;
	[sflag:s4] =	ssyncset.s32 $0xFFFFF086  }
0x25: {  	[simem:s6], [sflag:s4] =	dma.local [hbm:s3], $0xF7A  }
0x26: {  	[smem:$0x3F99] =	sst s1;
	(tag) =	ssettag s2;
	_ =	strace s9  }
0x27: {  	s1 =	sld [smem:$0x3FA9]  }
0x28: {  	s2 =	sld [smem:$0x3FAA]  }
0x29: {  	s4 =	sld [smem:$0x3FAC]  }
0x2a: {  	p0 =	seq.s32 s5, $0x0;
	s5 =	sld [smem:$0x3FAD]  }
0x2b: {  	s6 =	sld [smem:$0x3FAE]  }
0x2c: {  	s7 =	sld [smem:$0x3FAF]  }
0x2d: {  	s3 =	simm.s32 $0x108;
	s8 =	sld [smem:$0x3FB0]  }
0x2e: {  	s3 =	simm.s32 @!p0 $0x1082;
	s9 =	sld [smem:$0x3FB1]  }
0x2f: {  	lr =	sadd.s32 s0, s3;
	s0 =	sld [smem:$0x3FA8]  }
0x30: {  	s3 =	sld [smem:$0x3FAB]  }
0x31: {  	[smem:$0x3FB4] =	sst s10  }
0x32: {  	s10 =	sld [smem:$0x3FB2];
	_ =	sdelay $0x3  }
0x33: {  	p0 =	seq.s32 s10, $0x1;
	s10 =	sld [smem:$0x3FB4];
	_ =	sdelay $0x3  }
0x34: {  	[smem:$0x3FB4] =	sst s10  }
0x35: {  	s10 =	sld [smem:$0x3FB3];
	_ =	sdelay $0x3  }
0x36: {  	p1 =	seq.s32 s10, $0x1;
	s10 =	sld [smem:$0x3FB4];
	_ =	sdelay $0x3  }
0x37: {  	[smem:$0x3FB4] =	sst s10  }
0x38: {  	s10 =	sld [smem:$0x3FB5]  }
0x39: {  	_ = 	snop;
	(pc) =	sbr.ind lr, $3  }
0x3a: {  	_ = 	snop  }
0x3b: {  	_ = 	snop  }
0x3c: {  	p2 =	seq.s32 s10, $0x1;
	s10 =	sld [smem:$0x3FB4]  }
0x3d: {  	_ =	shalt  }
0x3e: {  	_ =	shalt  }
0x3f: {  	_ =	shalt  }
0x40: {  	_ =	shalt  }
0x41: {  	_ =	shalt  }
0x42: {  	_ =	shalt  }
0x43: {  	_ =	shalt  }
0x44: {  	_ =	shalt  }
0x45: {  	_ =	shalt  }
0x46: {  	_ =	shalt  }
0x47: {  	_ =	shalt  }
0x48: {  	_ =	shalt  }
0x49: {  	_ =	shalt  }
0x4a: {  	_ =	shalt  }
0x4b: {  	_ =	shalt  }
0x4c: {  	_ =	shalt  }
0x4d: {  	_ =	shalt  }
0x4e: {  	_ =	shalt  }
0x4f: {  	_ =	shalt  }
0x50: {  	_ =	shalt  }
0x51: {  	_ =	shalt  }
0x52: {  	_ =	shalt  }
0x53: {  	_ =	shalt  }
0x54: {  	_ =	shalt  }
0x55: {  	_ =	shalt  }
0x56: {  	_ =	shalt  }
0x57: {  	_ =	shalt  }
0x58: {  	_ =	shalt  }
0x59: {  	_ =	shalt  }
0x5a: {  	_ =	shalt  }
0x5b: {  	_ =	shalt  }
0x5c: {  	_ =	shalt  }
0x5d: {  	_ =	shalt  }
0x5e: {  	_ =	shalt  }
0x5f: {  	_ =	shalt  }
0x60: {  	_ =	shalt  }
0x61: {  	_ =	shalt  }
0x62: {  	_ =	shalt  }
0x63: {  	_ =	shalt  }
0x64: {  	_ =	shalt  }
0x65: {  	_ =	shalt  }
0x66: {  	_ =	shalt  }
0x67: {  	_ =	shalt  }
0x68: {  	_ =	shalt  }
0x69: {  	_ =	shalt  }
0x6a: {  	_ =	shalt  }
0x6b: {  	_ =	shalt  }
0x6c: {  	_ =	shalt  }
0x6d: {  	_ =	shalt  }
0x6e: {  	_ =	shalt  }
0x6f: {  	_ =	shalt  }
0x70: {  	_ =	shalt  }
0x71: {  	_ =	shalt  }
0x72: {  	_ =	shalt  }
0x73: {  	_ =	shalt  }
0x74: {  	_ =	shalt  }
0x75: {  	_ =	shalt  }
0x76: {  	_ =	shalt  }
0x77: {  	_ =	shalt  }
0x78: {  	_ =	shalt  }
0x79: {  	_ =	shalt  }
0x7a: {  	_ =	shalt  }
0x7b: {  	_ =	shalt  }
0x7c: {  	_ =	shalt  }
0x7d: {  	_ =	shalt  }
0x7e: {  	_ =	shalt  }
0x7f: {  	_ =	shalt  }
0x80: {  	_ =	shalt  }
0x81: {  	_ =	shalt  }
0x82: {  	_ =	shalt  }
0x83: {  	_ =	shalt  }
0x84: {  	_ =	shalt  }
0x85: {  	_ =	shalt  }
0x86: {  	_ =	shalt  }
0x87: {  	_ =	shalt  }
.Lfunc_end0:
.L_simem_size_0:
called_computation.2_lowered:
.L_overlay_start_0:
0x88: {  	s2 =	sld [smem:$0x3FD9]  }
0x89: {  	s3 =	sld [smem:$0x3FFE];
	_ =	sdelay $0x1  }
0x8a: {  	s1 =	srdreg.scid  }
0x8b: {  	s0 =	sand.u32 $0x1, s1  }
0x8c: {  	s17 =	sshll.u32 s0, $0xA;
	s2 =	sadd.s32 s3, s2  }
0x8d: {  	s2 =	sadd.s32 s2, s17  }
0x8e: {  	[smem:$0x3FC0] =	sst s2  }
0x8f: {  	_ = 	snop  }
0x90: {  	s2 =	sld [smem:$0x3FC9];
	(tm) =	ssettm $0x1  }
0x91: {  	s18 =	sld [smem:$0x3FFB];
	_ =	sdelay $0x3  }
0x92: {  	_ =	strace s18  }
0x93: {  	s3 =	sld [smem:$0x3FFC];
	_ =	sdelay $0x3  }
0x94: {  	_ =	strace s3  }
0x95: {  	s3 =	sld [smem:$0x3FFD];
	_ =	sdelay $0x3  }
0x96: {  	_ =	strace s3  }
0x97: {  	_ =	strace $0x8FFFFFFF  }
0x98: {  	s19 =	sld [smem:$0x3FDB];
	_ =	sdelay $0x1  }
0x99: {  	s4 =	simm.s32 $_scs_section_size  }
0x9a: {  	s5 =	simm.s32 $_size__tile_overlayer_lowered;
	s6 =	simm.s32 $_tile_overlayer_lowered  }
0x9b: {  	s22 =	simm.s32 $0x1BFF;
	s21 =	sshll.u32 s6, $0x1;
	s3 =	sadd.s32 s4, s19  }
0x9c: {  	s7 =	simm.s32 $0x0;
	s20 =	sshll.u32 s5, $0x1;
	s5 =	sadd.s32 s21, s3  }
0x9d: {  	[timem:s7], [sflag:s22] =	dma.local [hbm:s5], s20  }
0x9e: {  	_ =	swait.ge [sflag:s22], s20  }
0x9f: {  	s4 =	ssub.s32 $0x0, s20;
	[sflag:s22] =	ssyncset.done $0x0  }
0xa0: {  	[sflag:s22] =	ssyncadd.s32 s4;
	_ =	sdelay $0x1  }
0xa1: {  	s23 =	simm.s32 $0x1B8B  }
0xa2: {  	_ =	swait.ge [sflag:s23], $0x1  }
0xa3: {  	[sflag:s23] =	ssyncset.done $0x0  }
0xa4: {  	s25 =	simm.s32 $0x1B8E;
	s24 =	sld [smem:$0x3FFE];
	[sflag:s23] =	ssyncadd.s32 $0xFFFFFFFF  }
0xa5: {  	s26 =	simm.s32 $execute0_lowered;
	[smem:$0x3FD2] =	sst s25  }
0xa6: {  	s5 =	sshll.u32 s26, $0x1;
	_ =	strace $0x8000004C;
	[dreg:$0x1] =	wrdreg $0xFFFFFFFF  }
0xa7: {  	s28 =	simm.s32 $_size_execute0_lowered;
	s3 =	sadd.s32 s3, s5;
	[dreg:$0x0] =	wrdreg $0x0  }
0xa8: {  	s5 =	sshll.u32 s28, $0x1;
	[dreg:$0x2] =	wrdreg s3  }
0xa9: {  	[dreg:$0x3] =	wrdreg s5  }
0xaa: {  	[dreg:$0x4] =	wrdreg $0xC0  }
0xab: {  	_ =	task [dreg:s7], $0x5FFFF  }
0xac: {  	[dreg:$0x1] =	wrdreg $0xFFFFFFFF  }
0xad: {  	[dreg:$0x0] =	wrdreg $0x60  }
0xae: {  	[dreg:$0x2] =	wrdreg s24  }
0xaf: {  	[dreg:$0x3] =	wrdreg s2  }
0xb0: {  	[dreg:$0x4] =	wrdreg $0xBA000  }
0xb1: {  	[dreg:$0x5] =	wrdreg $0x9  }
0xb2: {  	_ =	task.clear_ibuf [dreg:s7], $0x6FFFF;
	_ =	strace $0x9000004C  }
0xb3: {  	s29 =	simm.s32 $0x9;
	_ =	strace $0x8000004E  }
0xb4: {  	_ =	swait.ge [sflag:s29], $0x1  }
0xb5: {  	[sflag:s29] =	ssyncadd.s32 $0xFFFFFFFF  }
0xb6: {  	_ =	strace $0x9000004E  }
0xb7: {  	_ =	sfence  }
0xb8: {  	s30 =	sld [smem:$0x0];
	_ =	sdelay $0x2  }
0xb9: {  	s31 =	sshll.u32 s1, $0xD;
	s1 =	sshrl.u32 s1, $0x2  }
0xba: {  	s3 =	sand.u32 $0x4000, s31;
	s1 =	sadd.s32 s1, s30  }
0xbb: {  	s0 =	sor.u32 s3, s0;
	s1 =	sshll.u32 s1, $0x11  }
0xbc: {  	s0 =	sor.u32 s1, s0  }
0xbd: {  	s0 =	sadd.s32 $0x8F2B, s0  }
0xbe: {  	[sflag:s0] =	ssyncadd.remote.s32 $0x1  }
0xbf: {  	_ =	sfence.sel $0xFFFF  }
0xc0: {  	[dreg:$0x0] =	wrdreg $0xFFFFFFFF;
	(pc) =	sbr.abs _section_cstart, $3  }
0xc1: {  	[dreg:$0x1] =	wrdreg $0xFFFFFFFF  }
0xc2: {  	_ =	task.clear_ibuf [dreg:s7], $0x2FFFF;
	_ =	strace $0x9FFFFFFF  }
0xc3: {  	(tm) =	ssettm $0x7FFFFFFF  }
tec
execute0_lowered:
.L_overlay_start_1:
0x0: {  	(tag) =	ssettag $0x1  }
0x1: {  	s0 =	rddreg [dreg:$0x0]  }
0x2: {  	s2 =	rddreg [dreg:$0x1]  }
0x3: {  	s1 =	rddreg [dreg:$0x2]  }
0x4: {  	s4 =	srdreg.scid;
	s3 =	simm.s32 $0x0;
	s16 =	stileid.u32  }
0x5: {  	s11 =	simm.s32 $0x29;
	s6 =	sand.u32 $0x1, s4;
	s10 =	smul.u32 $0x50000, s16  }
0x6: {  	[smem:$0x7FF] =	sst s3;
	s19 =	smul.u32 $0x14000, s16;
	s4 =	sshll.u32 s6, $0x4  }
0x7: {  	_ =	strace $0x8000004D;
	s7 =	ssub.s32 $0x2, s6;
	s12 =	smul.u32 $0x140000, s6  }
0x8: {  	s6 =	smul.u32 $0x27000, s6;
	s5 =	sor.u32 s16, s4;
	s4 =	sadd.s32 $0x2A00, s0  }
0x9: {  	s0 =	sadd.s32 $0x2AA00, s0;
	s9 =	sshrl.u32 s7, $0x1;
	s20 =	sshrl.u32 s10, $0x2  }
0xa: {  	s14 =	sadd.s32 $0x4000, s19;
	s24 =	sadd.s32 $0x8000, s19;
	s16 =	smul.u32 $0x2700, s16  }
0xb: {  	s15 =	sadd.s32 $0xC000, s19;
	s8 =	smul.u32 $0x9C0, s5;
	p0 =	seq.s32 s5, $0x1F  }
0xc: {  	s7 =	ssub.s32 s7, s9;
	s21 =	sadd.s32 s12, s19;
	s22 =	sadd.s32 s12, s14  }
0xd: {  	s25 =	sadd.s32 s12, s24;
	s26 =	sadd.s32 s12, s15;
	s9 =	sadd.s32 $0x10000, s19  }
0xe: {  	s11 =	simm.s32 @!p0 $0x27;
	s10 =	sshrl.u32 s21, $0x3;
	s7 =	smax.u32 s7, $0x1  }
0xf: {  	s12 =	sadd.s32 s12, s9;
	s6 =	sadd.s32 s16, s6;
	s5 =	sshll.u32 s11, $0x1  }
0x10: {  	s13 =	sadd.s32 s2, s8;
	s10 =	sadd.s32 s0, s10;
	[dreg:$0x7] =	wrdreg s7  }
0x11: {  	s7 =	sshrl.u32 s22, $0x3;
	s18 =	sadd.s32 $0x180, s6;
	[dreg:$0x4] =	wrdreg s13  }
0x12: {  	s13 =	sadd.s32 $0x10, s2;
	[dreg:$0x6] =	wrdreg s10;
	s7 =	sadd.s32 s0, s7  }
0x13: {  	s22 =	sadd.s32 s14, s1;
	s8 =	sadd.s32 s8, s13;
	[dreg:$0x9] =	wrdreg s7  }
0x14: {  	s7 =	sshrl.u32 s25, $0x3;
	s25 =	sshrl.u32 s22, $0x3;
	[dreg:$0x5] =	wrdreg s8  }
0x15: {  	s8 =	sadd.s32 s20, s1;
	s7 =	sadd.s32 s0, s7;
	[dreg:$0x10] =	wrdreg s25  }
0x16: {  	s11 =	sshll.u32 s11, $0x6;
	s23 =	sadd.s32 $0x1000, s8;
	[dreg:$0xa] =	wrdreg s7  }
0x17: {  	s10 =	sadd.s32 s24, s1;
	s21 =	sadd.s32 $0x2000, s8;
	[dreg:$0x8] =	wrdreg s23  }
0x18: {  	s7 =	sshrl.u32 s26, $0x3;
	s26 =	sshrl.u32 s10, $0x3;
	[dreg:$0xd] =	wrdreg s21  }
0x19: {  	s19 =	sshrl.u32 s18, $0x2;
	s10 =	sadd.s32 $0x5000, s8;
	[dreg:$0x11] =	wrdreg s26  }
0x1a: {  	s18 =	sadd.s32 $0xFFFFFFC0, s11;
	s11 =	sadd.s32 $0x6000, s8;
	[dreg:$0x16] =	wrdreg s10  }
0x1b: {  	s17 =	sshrl.u32 s12, $0x3;
	s12 =	sadd.s32 $0x7000, s8;
	[dreg:$0x17] =	wrdreg s11  }
0x1c: {  	s28 =	simm.s32 $0x2980;
	s14 =	sadd.s32 $0x9000, s8;
	[dreg:$0x18] =	wrdreg s12  }
0x1d: {  	s29 =	simm.s32 $0x3;
	s22 =	sadd.s32 $0xE000, s8;
	[dreg:$0x1a] =	wrdreg s14  }
0x1e: {  	s30 =	simm.s32 $0x1;
	s25 =	sadd.s32 $0x11000, s8;
	[dreg:$0x1f] =	wrdreg s22  }
0x1f: {  	s31 =	simm.s32 $0x4;
	s7 =	sadd.s32 s0, s7;
	[smem:$0x7FC] =	sst s25  }
0x20: {  	s9 =	sadd.s32 s9, s1;
	s0 =	sadd.s32 s0, s17;
	[dreg:$0xb] =	wrdreg s7  }
0x21: {  	s23 =	sadd.s32 s15, s1;
	s15 =	sadd.s32 $0xA000, s8;
	[dreg:$0xc] =	wrdreg s0  }
0x22: {  	s20 =	sor.u32 $0x80, s6;
	s17 =	sadd.s32 $0xB000, s8;
	[dreg:$0x1b] =	wrdreg s15  }
0x23: {  	s6 =	sshrl.u32 s6, $0x2;
	s26 =	sadd.s32 $0x12000, s8;
	[dreg:$0x1c] =	wrdreg s17  }
0x24: {  	s0 =	sadd.s32 s19, s2;
	s19 =	sadd.s32 $0xC000, s8;
	[smem:$0x7FD] =	sst s26  }
0x25: {  	s7 =	sshrl.u32 s20, $0x2;
	s20 =	sadd.s32 $0xD000, s8;
	[dreg:$0x1d] =	wrdreg s19  }
0x26: {  	s2 =	sadd.s32 s2, s6;
	s0 =	sadd.s32 $0xFFFFFFD0, s0;
	[dreg:$0x1e] =	wrdreg s20  }
0x27: {  	s22 =	simm.s32 $0x2900;
	s24 =	sadd.s32 $0x50, s2;
	[dreg:$0xe] =	wrdreg s0  }
0x28: {  	s6 =	sadd.s32 s13, s6;
	s2 =	sshrl.u32 s23, $0x3;
	[dreg:$0xf] =	wrdreg s24  }
0x29: {  	s21 =	sadd.s32 $0x40, s6;
	s6 =	sshrl.u32 s9, $0x3;
	[dreg:$0x12] =	wrdreg s2  }
0x2a: {  	s16 =	sadd.s32 s7, s13;
	s7 =	sadd.s32 $0x3000, s8;
	[dreg:$0x13] =	wrdreg s6  }
0x2b: {  	s25 =	simm.s32 $0x6;
	s9 =	sadd.s32 $0x4000, s8;
	[dreg:$0x14] =	wrdreg s7  }
0x2c: {  	s17 =	sadd.s32 $0x13000, s8;
	s13 =	sadd.s32 $0x8000, s8;
	[dreg:$0x15] =	wrdreg s9  }
0x2d: {  	s26 =	simm.s32 $0x6A00;
	s23 =	sadd.s32 $0xF000, s8;
	[dreg:$0x19] =	wrdreg s13  }
0x2e: {  	s19 =	simm.s32 $0x80;
	s20 =	simm.s32 $0x5;
	[smem:$0x7FA] =	sst s23  }
0x2f: {  	s24 =	sadd.s32 $0x10000, s8;
	s23 =	simm.s32 $0x2A00;
	s0 =	simm.s32 $0x2  }
0x30: {  	v0 =	vimm.f32 $0.0e+00;
	s2 =	simm.s32 $0x0;
	[smem:$0x7FB] =	sst s24;
	s24 =	simm.s32 $0xAA00  }
.LBB2_1:
0x31: {  	s6 =	rddreg [dreg:$0x4];
	s7 =	simm.s32 $0x100  }
0x32: {  	[tilespmem:s3], [sflag:$0x5] =	stream.strided.gather [hbm4b:s6+s19], $0x2900, s7, s19, $0x38;
	[tilespmem:$0x1FA00] =	vst v63  }
0x33: {  	s6 =	simm.s32 $0x0;
	s7 =	simm.s32 $0x200  }
.LBB2_2:
0x34: {  	p0 =	sne.s32 s7, $0x3E00;
	[tilespmem:s6+$0xAA70] =	vst v0  }
0x35: {  	[tilespmem:s6+$0xAA00] =	vst v0  }
0x36: {  	[tilespmem:s6+$0xAA10] =	vst v0  }
.Ltmp0:
0x37: {  	[tilespmem:s6+$0xAA20] =	vst v0;
	(pc) =	sbr.rel @p0 .LBB2_2-.Ltmp0, $4  }
0x38: {  	[tilespmem:s6+$0xAA30] =	vst v0  }
0x39: {  	[tilespmem:s6+$0xAA40] =	vst v0  }
0x3a: {  	[tilespmem:s6+$0xAA50] =	vst v0  }
0x3b: {  	[tilespmem:s6+$0xAA60] =	vst v0;
	s6 =	sshra.s32 s7, $0x2;
	s7 =	sadd.s32 $0x200, s7  }
0x3c: {  	[tilespmem:s6+$0xAA70] =	vst v0  }
0x3d: {  	[tilespmem:s6+$0xAA00] =	vst v0  }
0x3e: {  	[tilespmem:s6+$0xAA10] =	vst v0  }
0x3f: {  	[tilespmem:s6+$0xAA20] =	vst v0  }
0x40: {  	[tilespmem:s6+$0xAA30] =	vst v0  }
0x41: {  	[tilespmem:s6+$0xAA40] =	vst v0  }
0x42: {  	[tilespmem:s6+$0xAA50] =	vst v0  }
0x43: {  	[tilespmem:s6+$0xAA60] =	vst v0  }
0x44: {  	_ =	swait.ge [sflag:s20], $0x2900  }
0x45: {  	[sflag:s20] =	ssyncset.done $0x0  }
0x46: {  	s7 =	simm.s32 $0x0;
	s10 =	rddreg [dreg:$0x5];
	[sflag:s20] =	ssyncadd.s32 $0xFFFFD700  }
0x47: {  	[tilespmem:s22], [sflag:$0x3] =	stream.linear.gather [hbm4b:s10+s7], $0x80, $0x38;
	[tilespmem:$0x1FA00] =	vst v63  }
0x48: {  	s6 =	simm.s32 $0x80  }
0x49: {  	[tilespmem:s23], [sflag:$0x1] =	stream.indirect.gather [hbm4b:s4+s6], $0x80, s7, s6, $0xb8;
	[tilespmem:$0x1FA00] =	vst v63  }
0x4a: {  	_ = 	snop  }
0x4b: {  	[spmem:s8] =	stream.linear.scatter [tilespmem:s24], [sflag:$0x6], $0x1000, $0x38;
	[tilespmem:$0x1FA00] =	vst v63  }
0x4c: {  	_ =	swait.ge [sflag:s25], $0x1000  }
0x4d: {  	[sflag:s25] =	ssyncset.done $0x0  }
0x4e: {  	s11 =	rddreg [dreg:$0x8];
	[sflag:s25] =	ssyncadd.s32 $0xFFFFF000  }
0x4f: {  	[spmem:s11] =	stream.linear.scatter [tilespmem:s24], [sflag:$0x6], $0x1000, $0x38;
	[tilespmem:$0x1FA00] =	vst v63  }
0x50: {  	_ =	swait.ge [sflag:s25], $0x1000  }
0x51: {  	[sflag:s25] =	ssyncset.done $0x0  }
0x52: {  	s12 =	rddreg [dreg:$0xd];
	[sflag:s25] =	ssyncadd.s32 $0xFFFFF000  }
0x53: {  	[spmem:s12] =	stream.linear.scatter [tilespmem:s24], [sflag:$0x6], $0x1000, $0x38;
	[tilespmem:$0x1FA00] =	vst v63  }
0x54: {  	_ =	swait.ge [sflag:s25], $0x1000  }
0x55: {  	[sflag:s25] =	ssyncset.done $0x0  }
0x56: {  	s13 =	rddreg [dreg:$0x14];
	[sflag:s25] =	ssyncadd.s32 $0xFFFFF000  }
0x57: {  	[spmem:s13] =	stream.linear.scatter [tilespmem:s24], [sflag:$0x6], $0x1000, $0x38;
	[tilespmem:$0x1FA00] =	vst v63  }
0x58: {  	_ =	swait.ge [sflag:s25], $0x1000  }
0x59: {  	[sflag:s25] =	ssyncset.done $0x0  }
0x5a: {  	s14 =	rddreg [dreg:$0x15];
	[sflag:s25] =	ssyncadd.s32 $0xFFFFF000  }
0x5b: {  	[spmem:s14] =	stream.linear.scatter [tilespmem:s24], [sflag:$0x6], $0x1000, $0x38;
	[tilespmem:$0x1FA00] =	vst v63  }
0x5c: {  	_ =	swait.ge [sflag:s25], $0x1000  }
0x5d: {  	[sflag:s25] =	ssyncset.done $0x0  }
0x5e: {  	s15 =	rddreg [dreg:$0x16];
	[sflag:s25] =	ssyncadd.s32 $0xFFFFF000  }
0x5f: {  	[spmem:s15] =	stream.linear.scatter [tilespmem:s24], [sflag:$0x6], $0x1000, $0x38;
	[tilespmem:$0x1FA00] =	vst v63  }
0x60: {  	_ =	swait.ge [sflag:s25], $0x1000  }
0x61: {  	[sflag:s25] =	ssyncset.done $0x0  }
0x62: {  	s9 =	rddreg [dreg:$0x17];
	[sflag:s25] =	ssyncadd.s32 $0xFFFFF000  }
0x63: {  	[spmem:s9] =	stream.linear.scatter [tilespmem:s24], [sflag:$0x6], $0x1000, $0x38;
	[tilespmem:$0x1FA00] =	vst v63  }
0x64: {  	_ =	swait.ge [sflag:s25], $0x1000  }
0x65: {  	[sflag:s25] =	ssyncset.done $0x0  }
0x66: {  	s10 =	rddreg [dreg:$0x18];
	[sflag:s25] =	ssyncadd.s32 $0xFFFFF000  }
0x67: {  	[spmem:s10] =	stream.linear.scatter [tilespmem:s24], [sflag:$0x6], $0x1000, $0x38;
	[tilespmem:$0x1FA00] =	vst v63  }
0x68: {  	_ =	swait.ge [sflag:s25], $0x1000  }
0x69: {  	[sflag:s25] =	ssyncset.done $0x0  }
0x6a: {  	s11 =	rddreg [dreg:$0x19];
	[sflag:s25] =	ssyncadd.s32 $0xFFFFF000  }
0x6b: {  	[spmem:s11] =	stream.linear.scatter [tilespmem:s24], [sflag:$0x6], $0x1000, $0x38;
	[tilespmem:$0x1FA00] =	vst v63  }
0x6c: {  	_ =	swait.ge [sflag:s25], $0x1000  }
0x6d: {  	[sflag:s25] =	ssyncset.done $0x0  }
0x6e: {  	s12 =	rddreg [dreg:$0x1a];
	[sflag:s25] =	ssyncadd.s32 $0xFFFFF000  }
0x6f: {  	[spmem:s12] =	stream.linear.scatter [tilespmem:s24], [sflag:$0x6], $0x1000, $0x38;
	[tilespmem:$0x1FA00] =	vst v63  }
0x70: {  	_ =	swait.ge [sflag:s25], $0x1000  }
0x71: {  	[sflag:s25] =	ssyncset.done $0x0  }
0x72: {  	s13 =	rddreg [dreg:$0x1b];
	[sflag:s25] =	ssyncadd.s32 $0xFFFFF000  }
0x73: {  	[spmem:s13] =	stream.linear.scatter [tilespmem:s24], [sflag:$0x6], $0x1000, $0x38;
	[tilespmem:$0x1FA00] =	vst v63  }
0x74: {  	_ =	swait.ge [sflag:s25], $0x1000  }
0x75: {  	[sflag:s25] =	ssyncset.done $0x0  }
0x76: {  	s14 =	rddreg [dreg:$0x1c];
	[sflag:s25] =	ssyncadd.s32 $0xFFFFF000  }
0x77: {  	[spmem:s14] =	stream.linear.scatter [tilespmem:s24], [sflag:$0x6], $0x1000, $0x38;
	[tilespmem:$0x1FA00] =	vst v63  }
0x78: {  	_ =	swait.ge [sflag:s25], $0x1000  }
0x79: {  	[sflag:s25] =	ssyncset.done $0x0  }
0x7a: {  	s15 =	rddreg [dreg:$0x1d];
	[sflag:s25] =	ssyncadd.s32 $0xFFFFF000  }
0x7b: {  	[spmem:s15] =	stream.linear.scatter [tilespmem:s24], [sflag:$0x6], $0x1000, $0x38;
	[tilespmem:$0x1FA00] =	vst v63  }
0x7c: {  	_ =	swait.ge [sflag:s25], $0x1000  }
0x7d: {  	[sflag:s25] =	ssyncset.done $0x0  }
0x7e: {  	s9 =	rddreg [dreg:$0x1e];
	[sflag:s25] =	ssyncadd.s32 $0xFFFFF000  }
0x7f: {  	[spmem:s9] =	stream.linear.scatter [tilespmem:s24], [sflag:$0x6], $0x1000, $0x38;
	[tilespmem:$0x1FA00] =	vst v63  }
0x80: {  	_ =	swait.ge [sflag:s25], $0x1000  }
0x81: {  	[sflag:s25] =	ssyncset.done $0x0  }
0x82: {  	s10 =	rddreg [dreg:$0x1f];
	[sflag:s25] =	ssyncadd.s32 $0xFFFFF000  }
0x83: {  	[spmem:s10] =	stream.linear.scatter [tilespmem:s24], [sflag:$0x6], $0x1000, $0x38;
	[tilespmem:$0x1FA00] =	vst v63  }
0x84: {  	_ =	swait.ge [sflag:s25], $0x1000  }
0x85: {  	s11 =	sld [smem:$0x7FA]  }
0x86: {  	[sflag:s25] =	ssyncset.done $0x0  }
0x87: {  	[sflag:s25] =	ssyncadd.s32 $0xFFFFF000  }
0x88: {  	[spmem:s11] =	stream.linear.scatter [tilespmem:s24], [sflag:$0x6], $0x1000, $0x38;
	[tilespmem:$0x1FA00] =	vst v63  }
0x89: {  	_ =	swait.ge [sflag:s25], $0x1000  }
0x8a: {  	s12 =	sld [smem:$0x7FB]  }
0x8b: {  	[sflag:s25] =	ssyncset.done $0x0  }
0x8c: {  	[sflag:s25] =	ssyncadd.s32 $0xFFFFF000  }
0x8d: {  	[spmem:s12] =	stream.linear.scatter [tilespmem:s24], [sflag:$0x6], $0x1000, $0x38;
	[tilespmem:$0x1FA00] =	vst v63  }
0x8e: {  	_ =	swait.ge [sflag:s25], $0x1000  }
0x8f: {  	s13 =	sld [smem:$0x7FC]  }
0x90: {  	[sflag:s25] =	ssyncset.done $0x0  }
0x91: {  	[sflag:s25] =	ssyncadd.s32 $0xFFFFF000  }
0x92: {  	[spmem:s13] =	stream.linear.scatter [tilespmem:s24], [sflag:$0x6], $0x1000, $0x38;
	[tilespmem:$0x1FA00] =	vst v63  }
0x93: {  	_ =	swait.ge [sflag:s25], $0x1000  }
0x94: {  	s14 =	sld [smem:$0x7FD]  }
0x95: {  	[sflag:s25] =	ssyncset.done $0x0  }
0x96: {  	[sflag:s25] =	ssyncadd.s32 $0xFFFFF000  }
0x97: {  	[spmem:s14] =	stream.linear.scatter [tilespmem:s24], [sflag:$0x6], $0x1000, $0x38;
	[tilespmem:$0x1FA00] =	vst v63  }
0x98: {  	_ =	swait.ge [sflag:s25], $0x1000  }
0x99: {  	[sflag:s25] =	ssyncset.done $0x0  }
0x9a: {  	[sflag:s25] =	ssyncadd.s32 $0xFFFFF000  }
0x9b: {  	[spmem:s17] =	stream.linear.scatter [tilespmem:s24], [sflag:$0x6], $0x1000, $0x38;
	[tilespmem:$0x1FA00] =	vst v63  }
0x9c: {  	_ =	swait.ge [sflag:s25], $0x1000  }
0x9d: {  	[sflag:s25] =	ssyncset.done $0x0  }
0x9e: {  	[sflag:s25] =	ssyncadd.s32 $0xFFFFF000  }
0x9f: {  	[bflag:$0x0] =	sbarrier.arrive $0xFFFF  }
0xa0: {  	[tilespmem:s26], [sflag:$0x2] =	stream.indirect.gather [hbm4b:s4+s19], $0x80, s6, s19, $0xb8;
	[tilespmem:$0x1FA00] =	vst v63  }
0xa1: {  	s15 =	sadd.s32 $0x0, s16  }
0xa2: {  	[tilespmem:s28], [sflag:$0x4] =	stream.linear.gather [hbm4b:s15+s3], $0x80, $0x38;
	[tilespmem:$0x1FA00] =	vst v63  }
0xa3: {  	_ =	swait.ge [sflag:s29], $0x80  }
0xa4: {  	[sflag:s29] =	ssyncset.done $0x0  }
0xa5: {  	[sflag:s29] =	ssyncadd.s32 $0xFFFFFF80  }
0xa6: {  	_ =	swait.ge [sflag:s30], $0x4000  }
0xa7: {  	[sflag:s30] =	ssyncset.done $0x0  }
0xa8: {  	[sflag:s30] =	ssyncadd.s32 $0xFFFFC000  }
0xa9: {  	[spmem:s1] =	stream.indirect.scatter.add.f32 [tilespmem:s23], [sflag:$0x6], $0x80, s22, s19, $0xb8;
	[tilespmem:$0x1FA00] =	vst v63  }
0xaa: {  	p0 =	sle.u32 s5, $0x2;
	_ =	swait.ge [sflag:s25], $0x4000  }
0xab: {  	s7 =	simm.s32 @!p0 $0x100;
	[sflag:s25] =	ssyncset.done $0x0  }
0xac: {  	s9 =	simm.s32 @!p0 $0x80;
	s10 =	simm.s32 @!p0 $0x2A00;
	[sflag:s25] =	ssyncadd.s32 $0xFFFFC000  }
0xad: {  	[tilespmem:s10], [sflag:$0x1] =	stream.indirect.gather @!p0 [hbm4b:s4+s9], $0x80, s7, s9, $0xb8;
	[tilespmem:$0x1FA00] =	vst v63  }
0xae: {  	s7 =	sadd.s32 @!p0 $0x0, s21;
	s9 =	simm.s32 @!p0 $0x0;
	s10 =	simm.s32 @!p0 $0x2900  }
0xaf: {  	[tilespmem:s10], [sflag:$0x3] =	stream.linear.gather @!p0 [hbm4b:s7+s9], $0x80, $0x38;
	[tilespmem:$0x1FA00] =	vst v63  }
0xb0: {  	_ =	swait.ge [sflag:s31], $0x80  }
0xb1: {  	p0 =	sne.s32 s18, $0x40;
	[sflag:s31] =	ssyncset.done $0x0  }
.Ltmp1:
0xb2: {  	[sflag:s31] =	ssyncadd.s32 $0xFFFFFF80;
	(pc) =	sbr.rel @!p0 .LBB2_5-.Ltmp1, $4  }
0xb3: {  	_ =	swait.ge [sflag:s0], $0x4000  }
0xb4: {  	s7 =	simm.s32 $0x40;
	[sflag:s0] =	ssyncset.done $0x0  }
0xb5: {  	s9 =	simm.s32 $0x4;
	s10 =	simm.s32 $0x80;
	[sflag:s0] =	ssyncadd.s32 $0xFFFFC000  }
0xb6: {  	[spmem:s1] =	stream.indirect.scatter.add.f32 [tilespmem:s26], [sflag:$0x6], $0x80, s28, s19, $0xb8;
	[tilespmem:$0x1FA00] =	vst v63  }
.LBB2_4:
0xb7: {  	s10 =	smov.u32 s6;
	s6 =	sadd.s32 $0x100, s6  }
0xb8: {  	s11 =	smov.u32 s7;
	s7 =	sadd.s32 $0x40, s7;
	_ =	swait.ge [sflag:s25], $0x4000  }
0xb9: {  	p0 =	sne.s32 s18, s7;
	[sflag:s25] =	ssyncset.done $0x0  }
0xba: {  	[sflag:s25] =	ssyncadd.s32 $0xFFFFC000  }
0xbb: {  	[tilespmem:s26], [sflag:$0x2] =	stream.indirect.gather [hbm4b:s4+s19], $0x80, s6, s19, $0xb8;
	[tilespmem:$0x1FA00] =	vst v63  }
0xbc: {  	s12 =	sadd.s32 s11, s16  }
0xbd: {  	[tilespmem:s28], [sflag:$0x4] =	stream.linear.gather [hbm4b:s12+s3], $0x80, $0x38;
	[tilespmem:$0x1FA00] =	vst v63  }
0xbe: {  	_ =	swait.ge [sflag:s29], $0x80  }
0xbf: {  	[sflag:s29] =	ssyncset.done $0x0  }
0xc0: {  	[sflag:s29] =	ssyncadd.s32 $0xFFFFFF80  }
0xc1: {  	_ =	swait.ge [sflag:s30], $0x4000  }
0xc2: {  	[sflag:s30] =	ssyncset.done $0x0  }
0xc3: {  	p1 =	sge.u32 s9, s5;
	[sflag:s30] =	ssyncadd.s32 $0xFFFFC000  }
0xc4: {  	[spmem:s1] =	stream.indirect.scatter.add.f32 [tilespmem:s23], [sflag:$0x6], $0x80, s22, s19, $0xb8;
	[tilespmem:$0x1FA00] =	vst v63  }
0xc5: {  	s13 =	simm.s32 @!p1 $0x80;
	s12 =	sadd.s32 @!p1 $0x80, s6;
	_ =	swait.ge [sflag:s25], $0x4000  }
0xc6: {  	s14 =	simm.s32 @!p1 $0x2A00;
	s11 =	sadd.s32 @!p1 s11, s21;
	[sflag:s25] =	ssyncset.done $0x0  }
0xc7: {  	s15 =	simm.s32 @!p1 $0x0;
	[sflag:s25] =	ssyncadd.s32 $0xFFFFC000  }
0xc8: {  	[tilespmem:s14], [sflag:$0x1] =	stream.indirect.gather @!p1 [hbm4b:s4+s13], $0x80, s12, s13, $0xb8;
	[tilespmem:$0x1FA00] =	vst v63  }
0xc9: {  	s12 =	simm.s32 @!p1 $0x2900  }
0xca: {  	[tilespmem:s12], [sflag:$0x3] =	stream.linear.gather @!p1 [hbm4b:s11+s15], $0x80, $0x38;
	[tilespmem:$0x1FA00] =	vst v63  }
0xcb: {  	_ =	swait.ge [sflag:s31], $0x80  }
0xcc: {  	[sflag:s31] =	ssyncset.done $0x0  }
.Ltmp2:
0xcd: {  	[sflag:s31] =	ssyncadd.s32 $0xFFFFFF80;
	(pc) =	sbr.rel @p0 .LBB2_4-.Ltmp2, $4  }
0xce: {  	_ =	swait.ge [sflag:s0], $0x4000  }
0xcf: {  	[sflag:s0] =	ssyncset.done $0x0  }
0xd0: {  	s9 =	sadd.s32 $0x2, s9;
	[sflag:s0] =	ssyncadd.s32 $0xFFFFC000  }
0xd1: {  	[spmem:s1] =	stream.indirect.scatter.add.f32 [tilespmem:s26], [sflag:$0x6], $0x80, s28, s19, $0xb8;
	[tilespmem:$0x1FA00] =	vst v63  }
.LBB2_5:
0xd2: {  	_ =	swait.ge [sflag:s25], $0x4000  }
0xd3: {  	[sflag:s25] =	ssyncset.done $0x0  }
0xd4: {  	s6 =	sadd.s32 $0x100, s6;
	s15 =	rddreg [dreg:$0xe];
	[sflag:s25] =	ssyncadd.s32 $0xFFFFC000  }
0xd5: {  	[tilespmem:s26], [sflag:$0x2] =	stream.indirect.gather [hbm4b:s4+s19], $0x80, s6, s19, $0xb8;
	[tilespmem:$0x1FA00] =	vst v63  }
0xd6: {  	s6 =	sadd.s32 s7, s15  }
0xd7: {  	[tilespmem:s28], [sflag:$0x4] =	stream.linear.gather [hbm4b:s6+s3], $0x80, $0x38;
	[tilespmem:$0x1FA00] =	vst v63  }
0xd8: {  	_ =	swait.ge [sflag:s29], $0x80  }
0xd9: {  	[sflag:s29] =	ssyncset.done $0x0  }
0xda: {  	[sflag:s29] =	ssyncadd.s32 $0xFFFFFF80  }
0xdb: {  	_ =	swait.ge [sflag:s30], $0x4000  }
0xdc: {  	[sflag:s30] =	ssyncset.done $0x0  }
0xdd: {  	[sflag:s30] =	ssyncadd.s32 $0xFFFFC000  }
0xde: {  	[spmem:s1] =	stream.indirect.scatter.add.f32 [tilespmem:s23], [sflag:$0x6], $0x80, s22, s19, $0xb8;
	[tilespmem:$0x1FA00] =	vst v63  }
0xdf: {  	p0 =	sge.u32 s9, s5;
	_ =	swait.ge [sflag:s25], $0x4000  }
0xe0: {  	s9 =	simm.s32 @!p0 $0x80;
	[sflag:s25] =	ssyncset.done $0x0  }
0xe1: {  	s6 =	sadd.s32 @!p0 $0x180, s10;
	s10 =	simm.s32 @!p0 $0x2A00;
	[sflag:s25] =	ssyncadd.s32 $0xFFFFC000  }
0xe2: {  	[tilespmem:s10], [sflag:$0x1] =	stream.indirect.gather @!p0 [hbm4b:s4+s9], $0x80, s6, s9, $0xb8;
	[tilespmem:$0x1FA00] =	vst v63  }
0xe3: {  	s6 =	rddreg [dreg:$0xf]  }
0xe4: {  	s9 =	simm.s32 @!p0 $0x2900;
	s6 =	sadd.s32 @!p0 s7, s6;
	s7 =	simm.s32 @!p0 $0x0  }
0xe5: {  	[tilespmem:s9], [sflag:$0x3] =	stream.linear.gather @!p0 [hbm4b:s6+s7], $0x80, $0x38;
	[tilespmem:$0x1FA00] =	vst v63  }
0xe6: {  	_ =	swait.ge [sflag:s31], $0x80  }
0xe7: {  	[sflag:s31] =	ssyncset.done $0x0  }
0xe8: {  	[sflag:s31] =	ssyncadd.s32 $0xFFFFFF80  }
0xe9: {  	_ =	swait.ge [sflag:s0], $0x4000  }
0xea: {  	[sflag:s0] =	ssyncset.done $0x0  }
0xeb: {  	[sflag:s0] =	ssyncadd.s32 $0xFFFFC000  }
0xec: {  	[spmem:s1] =	stream.indirect.scatter.add.f32 [tilespmem:s26], [sflag:$0x6], $0x80, s28, s19, $0xb8;
	[tilespmem:$0x1FA00] =	vst v63  }
0xed: {  	_ =	swait.ge [sflag:s25], $0x4000  }
0xee: {  	[sflag:s25] =	ssyncset.done $0x0  }
0xef: {  	s11 =	stileid.u32;
	[sflag:s25] =	ssyncadd.s32 $0xFFFFC000  }
0xf0: {  	s6 =	sshll.u32 s11, $0x6;
	[bflag:$0x0] =	sbarrier.arrive $0xFFFF  }
0xf1: {  	s12 =	sshrl.u32 s8, $0x3;
	s6 =	sor.u32 $0x1C06, s6;
	s13 =	rddreg [dreg:$0x6]  }
0xf2: {  	[hbm:s13], [sflag:s6] =	dma.local [spmem:s12], $0x800  }
0xf3: {  	_ =	swait.ge [sflag:s25], $0x800  }
0xf4: {  	[sflag:s25] =	ssyncset.done $0x0;
	s14 =	rddreg [dreg:$0x9]  }
0xf5: {  	s15 =	rddreg [dreg:$0x10];
	[sflag:s25] =	ssyncadd.s32 $0xFFFFF800  }
0xf6: {  	[hbm:s14], [sflag:s6] =	dma.local [spmem:s15], $0x800  }
0xf7: {  	_ =	swait.ge [sflag:s25], $0x800  }
0xf8: {  	[sflag:s25] =	ssyncset.done $0x0;
	s9 =	rddreg [dreg:$0xa]  }
0xf9: {  	s10 =	rddreg [dreg:$0x11];
	[sflag:s25] =	ssyncadd.s32 $0xFFFFF800  }
0xfa: {  	[hbm:s9], [sflag:s6] =	dma.local [spmem:s10], $0x800  }
0xfb: {  	_ =	swait.ge [sflag:s25], $0x800  }
0xfc: {  	[sflag:s25] =	ssyncset.done $0x0;
	s11 =	rddreg [dreg:$0xb]  }
0xfd: {  	s12 =	rddreg [dreg:$0x12];
	[sflag:s25] =	ssyncadd.s32 $0xFFFFF800  }
0xfe: {  	[hbm:s11], [sflag:s6] =	dma.local [spmem:s12], $0x800  }
0xff: {  	_ =	swait.ge [sflag:s25], $0x800  }
0x100: {  	[sflag:s25] =	ssyncset.done $0x0;
	s13 =	rddreg [dreg:$0xc]  }
0x101: {  	s14 =	rddreg [dreg:$0x13];
	[sflag:s25] =	ssyncadd.s32 $0xFFFFF800  }
0x102: {  	[hbm:s13], [sflag:s6] =	dma.local [spmem:s14], $0x800  }
0x103: {  	_ =	swait.ge [sflag:s25], $0x800  }
0x104: {  	s2 =	sadd.s32 $0x1, s2;
	s15 =	rddreg [dreg:$0x7]  }
0x105: {  	p0 =	sne.s32 s2, s15  }
.Ltmp3:
0x106: {  	_ = 	snop;
	(pc) =	sbr.rel @p0 .LBB2_1-.Ltmp3, $3  }
0x107: {  	_ =	sdelay $0x1  }
0x108: {  	[sflag:s25] =	ssyncset.done $0x0  }
0x109: {  	[sflag:s25] =	ssyncadd.s32 $0xFFFFF800  }
0x10a: {  	_ =	sfence.sel $0x180000  }
0x10b: {  	[bflag:$0x0] =	sbarrier.arrive $0xFFFF  }
0x10c: {  	_ =	strace $0x9000004D  }
0x10d: {  	s0 =	stileid.u32;
	[bflag:$0x2] =	sbarrier.arrive $0xFFFF  }
0x10e: {  	p0 =	sne.s32 s0, $0x0;
	s0 =	rddreg [dreg:$0x3]  }
0x10f: {  	s0 =	sadd.s32 @!p0 $0x100000, s0  }
0x110: {  	[sflag:s0] =	ssyncadd.tile.s32 @!p0 $0x1;
	_ =	shalt  }
.Lfunc_end2:
_tile_overlayer_lowered:
.L_overlay_start_2:
0x111: {  	(tag) =	ssettag $0x2  }
0x112: {  	s0 =	rddreg [dreg:$0x0];
	s2 =	stileid.u32  }
0x113: {  	s1 =	rddreg [dreg:$0x1];
	p0 =	sne.s32 s2, $0x0  }
0x114: {  	s3 =	rddreg [dreg:$0x2];
	[bflag:$0x3] =	sbarrier.arrive $0xFFFF;
	s2 =	simm.s32 @!p0 $0x1C06  }
0x115: {  	[timem:s3], [sflag:s2] =	dma.local @!p0 [hbm:s0], s1  }
0x116: {  	s0 =	simm.s32 @!p0 $0x6  }
0x117: {  	_ =	swait.ge @!p0 [sflag:s0], s1  }
0x118: {  	s1 =	ssub.s32 @!p0 $0x0, s1;
	[sflag:s0] =	ssyncset.done @!p0 $0x0  }
0x119: {  	[sflag:s0] =	ssyncadd.s32 @!p0 s1  }
0x11a: {  	[bflag:$0x3] =	sbarrier.arrive $0xFFFF  }
0x11b: {  	_ =	shalt  }

// kernel: kernel.8.cloned.1.call-start
scs
__scs_entry_jumppad:
0x0: {  	(pc) =	sbr.rel $0x88, $3  }
0x1: {  	(tag) =	ssettag $0x0;
	lr =	simm.s32 $0x1  }
0x2: {  	[smem:$0x3F99] =	sst lr;
	_ =	strace $0xD0000000  }
0x3: {  	_ = 	snop  }
0x4: {  	_ = 	snop  }
0x5: {  	_ = 	snop  }
0x6: {  	_ = 	snop  }
0x7: {  	_ = 	snop  }
__scs_overlays_trampoline_lowered:
0x8: {  	[smem:$0x3FA8] =	sst s0  }
0x9: {  	[smem:$0x3FA9] =	sst s1  }
0xa: {  	[smem:$0x3FAA] =	sst s2  }
0xb: {  	[smem:$0x3FAB] =	sst s3  }
0xc: {  	[smem:$0x3FAC] =	sst s4  }
0xd: {  	[smem:$0x3FAD] =	sst s5  }
0xe: {  	[smem:$0x3FAE] =	sst s6  }
0xf: {  	[smem:$0x3FAF] =	sst s7  }
0x10: {  	[smem:$0x3FB0] =	sst s8  }
0x11: {  	[smem:$0x3FB1] =	sst s9;
	s0 =	simm.s32 @!p0 $0x0  }
0x12: {  	s1 =	sld [smem:$0x3F97];
	s0 =	simm.s32 @p0 $0x1  }
0x13: {  	[smem:$0x3FB2] =	sst s0;
	s0 =	simm.s32 @!p1 $0x0  }
0x14: {  	s2 =	sld [smem:$0x3F96];
	s0 =	simm.s32 @p1 $0x1  }
0x15: {  	[smem:$0x3FB3] =	sst s0;
	s0 =	simm.s32 @!p2 $0x0  }
0x16: {  	s3 =	sld [smem:$0x3FDB];
	s0 =	simm.s32 @p2 $0x1  }
0x17: {  	s4 =	simm.s32 $0x1BF5;
	[smem:$0x3FB5] =	sst s0  }
0x18: {  	s0 =	sld [smem:$0x3F98];
	_ =	swait.ge [sflag:s4], $0x0  }
0x19: {  	s7 =	sld [smem:$0x3F99]  }
0x1a: {  	s8 =	sadd.s32 $0xFFFFE003, lr  }
0x1b: {  	s9 =	sadd.s32 $0xFFFFFEF7, lr;
	s5 =	simm.s32 $0xFFFFFFFF;
	p2 =	slt.u32 s8, $0xFFFFF086  }
0x1c: {  	p1 =	slt.u32 s9, $0xF7A;
	s5 =	simm.s32 @!p2 $0x0  }
0x1d: {  	s5 =	simm.s32 @p1 $0x1;
	p0 =	seq.s32 s7, s2  }
0x1e: {  	s7 =	smul.u32 @!p0 $0xF7A, s2;
	p2 =	seq.s32 @!p0 s5, $0x0  }
0x1f: {  	s9 =	smul.u32 $0xF7A, s1;
	s8 =	simm.s32 @!p0 $0x1BF5;
	p2 =	por !p2, p0  }
0x20: {  	[sflag:s8] =	ssyncset.s32 @!p0 $0xFFFFF086;
	s6 =	sadd.s32 @!p0 s3, s7;
	s7 =	simm.s32 @!p0 $0x108  }
0x21: {  	s3 =	sadd.s32 s3, s9;
	s6 =	sadd.s32 @!p0 $0x88, s6;
	s7 =	simm.s32 @p2 $0x1082  }
0x22: {  	[simem:s7], [sflag:s8] =	dma.local @!p0 [hbm:s6], $0xF7A  }
0x23: {  	s9 =	sor.u32 $0xD0000000, s2;
	s6 =	simm.s32 $0x108;
	_ =	swait.ge @!p0 [sflag:s8], $0x0  }
0x24: {  	s3 =	sadd.s32 $0x88, s3;
	s6 =	simm.s32 @!p1 $0x1082;
	[sflag:s4] =	ssyncset.s32 $0xFFFFF086  }
0x25: {  	[simem:s6], [sflag:s4] =	dma.local [hbm:s3], $0xF7A  }
0x26: {  	[smem:$0x3F99] =	sst s1;
	(tag) =	ssettag s2;
	_ =	strace s9  }
0x27: {  	s1 =	sld [smem:$0x3FA9]  }
0x28: {  	s2 =	sld [smem:$0x3FAA]  }
0x29: {  	s4 =	sld [smem:$0x3FAC]  }
0x2a: {  	p0 =	seq.s32 s5, $0x0;
	s5 =	sld [smem:$0x3FAD]  }
0x2b: {  	s6 =	sld [smem:$0x3FAE]  }
0x2c: {  	s7 =	sld [smem:$0x3FAF]  }
0x2d: {  	s3 =	simm.s32 $0x108;
	s8 =	sld [smem:$0x3FB0]  }
0x2e: {  	s3 =	simm.s32 @!p0 $0x1082;
	s9 =	sld [smem:$0x3FB1]  }
0x2f: {  	lr =	sadd.s32 s0, s3;
	s0 =	sld [smem:$0x3FA8]  }
0x30: {  	s3 =	sld [smem:$0x3FAB]  }
0x31: {  	[smem:$0x3FB4] =	sst s10  }
0x32: {  	s10 =	sld [smem:$0x3FB2];
	_ =	sdelay $0x3  }
0x33: {  	p0 =	seq.s32 s10, $0x1;
	s10 =	sld [smem:$0x3FB4];
	_ =	sdelay $0x3  }
0x34: {  	[smem:$0x3FB4] =	sst s10  }
0x35: {  	s10 =	sld [smem:$0x3FB3];
	_ =	sdelay $0x3  }
0x36: {  	p1 =	seq.s32 s10, $0x1;
	s10 =	sld [smem:$0x3FB4];
	_ =	sdelay $0x3  }
0x37: {  	[smem:$0x3FB4] =	sst s10  }
0x38: {  	s10 =	sld [smem:$0x3FB5]  }
0x39: {  	_ = 	snop;
	(pc) =	sbr.ind lr, $3  }
0x3a: {  	_ = 	snop  }
0x3b: {  	_ = 	snop  }
0x3c: {  	p2 =	seq.s32 s10, $0x1;
	s10 =	sld [smem:$0x3FB4]  }
0x3d: {  	_ =	shalt  }
0x3e: {  	_ =	shalt  }
0x3f: {  	_ =	shalt  }
0x40: {  	_ =	shalt  }
0x41: {  	_ =	shalt  }
0x42: {  	_ =	shalt  }
0x43: {  	_ =	shalt  }
0x44: {  	_ =	shalt  }
0x45: {  	_ =	shalt  }
0x46: {  	_ =	shalt  }
0x47: {  	_ =	shalt  }
0x48: {  	_ =	shalt  }
0x49: {  	_ =	shalt  }
0x4a: {  	_ =	shalt  }
0x4b: {  	_ =	shalt  }
0x4c: {  	_ =	shalt  }
0x4d: {  	_ =	shalt  }
0x4e: {  	_ =	shalt  }
0x4f: {  	_ =	shalt  }
0x50: {  	_ =	shalt  }
0x51: {  	_ =	shalt  }
0x52: {  	_ =	shalt  }
0x53: {  	_ =	shalt  }
0x54: {  	_ =	shalt  }
0x55: {  	_ =	shalt  }
0x56: {  	_ =	shalt  }
0x57: {  	_ =	shalt  }
0x58: {  	_ =	shalt  }
0x59: {  	_ =	shalt  }
0x5a: {  	_ =	shalt  }
0x5b: {  	_ =	shalt  }
0x5c: {  	_ =	shalt  }
0x5d: {  	_ =	shalt  }
0x5e: {  	_ =	shalt  }
0x5f: {  	_ =	shalt  }
0x60: {  	_ =	shalt  }
0x61: {  	_ =	shalt  }
0x62: {  	_ =	shalt  }
0x63: {  	_ =	shalt  }
0x64: {  	_ =	shalt  }
0x65: {  	_ =	shalt  }
0x66: {  	_ =	shalt  }
0x67: {  	_ =	shalt  }
0x68: {  	_ =	shalt  }
0x69: {  	_ =	shalt  }
0x6a: {  	_ =	shalt  }
0x6b: {  	_ =	shalt  }
0x6c: {  	_ =	shalt  }
0x6d: {  	_ =	shalt  }
0x6e: {  	_ =	shalt  }
0x6f: {  	_ =	shalt  }
0x70: {  	_ =	shalt  }
0x71: {  	_ =	shalt  }
0x72: {  	_ =	shalt  }
0x73: {  	_ =	shalt  }
0x74: {  	_ =	shalt  }
0x75: {  	_ =	shalt  }
0x76: {  	_ =	shalt  }
0x77: {  	_ =	shalt  }
0x78: {  	_ =	shalt  }
0x79: {  	_ =	shalt  }
0x7a: {  	_ =	shalt  }
0x7b: {  	_ =	shalt  }
0x7c: {  	_ =	shalt  }
0x7d: {  	_ =	shalt  }
0x7e: {  	_ =	shalt  }
0x7f: {  	_ =	shalt  }
0x80: {  	_ =	shalt  }
0x81: {  	_ =	shalt  }
0x82: {  	_ =	shalt  }
0x83: {  	_ =	shalt  }
0x84: {  	_ =	shalt  }
0x85: {  	_ =	shalt  }
0x86: {  	_ =	shalt  }
0x87: {  	_ =	shalt  }
.Lfunc_end0:
.L_simem_size_0:
called_computation_lowered:
.L_overlay_start_0:
0x88: {  	s2 =	sld [smem:$0x3FD9]  }
0x89: {  	s3 =	sld [smem:$0x3FFE];
	_ =	sdelay $0x1  }
0x8a: {  	s1 =	srdreg.scid  }
0x8b: {  	s0 =	sand.u32 $0x1, s1  }
0x8c: {  	s15 =	sshll.u32 s0, $0xA;
	s2 =	sadd.s32 s3, s2  }
0x8d: {  	s2 =	sadd.s32 s2, s15  }
0x8e: {  	[smem:$0x3FC0] =	sst s2  }
0x8f: {  	_ = 	snop  }
0x90: {  	s2 =	sld [smem:$0x3FD0];
	_ =	sdelay $0x2  }
0x91: {  	s16 =	simm.s32 $0xA;
	s4 =	simm.s32 $0x10  }
0x92: {  	[smem:s4], [sflag:s16] =	dma.local [hbm:s2], $0x1  }
0x93: {  	_ =	swait.eq [sflag:s16], $0x1  }
0x94: {  	[sflag:s16] =	ssyncset.done $0x0  }
0x95: {  	s17 =	sld [smem:$0x10];
	[sflag:s16] =	ssyncadd.s32 $0xFFFFFFFF  }
0x96: {  	s18 =	sld [smem:$0x12];
	(tm) =	ssettm $0x1  }
0x97: {  	s19 =	sld [smem:$0x3FFB];
	_ =	sdelay $0x3  }
0x98: {  	_ =	strace s19  }
0x99: {  	s4 =	sld [smem:$0x3FFC];
	_ =	sdelay $0x3  }
0x9a: {  	_ =	strace s4  }
0x9b: {  	s4 =	sld [smem:$0x3FFD];
	_ =	sdelay $0x3  }
0x9c: {  	_ =	strace s4  }
0x9d: {  	_ =	strace $0x8FFFFFFF  }
0x9e: {  	s20 =	sld [smem:$0x3FDB];
	_ =	sdelay $0x1  }
0x9f: {  	s5 =	simm.s32 $_scs_section_size  }
0xa0: {  	s6 =	simm.s32 $_size__tile_overlayer_lowered;
	s7 =	simm.s32 $_tile_overlayer_lowered  }
0xa1: {  	s23 =	simm.s32 $0x1BFF;
	s22 =	sshll.u32 s7, $0x1;
	s4 =	sadd.s32 s5, s20  }
0xa2: {  	s8 =	simm.s32 $0x0;
	s21 =	sshll.u32 s6, $0x1;
	s6 =	sadd.s32 s22, s4  }
0xa3: {  	[timem:s8], [sflag:s23] =	dma.local [hbm:s6], s21  }
0xa4: {  	_ =	swait.ge [sflag:s23], s21  }
0xa5: {  	s5 =	ssub.s32 $0x0, s21;
	[sflag:s23] =	ssyncset.done $0x0  }
0xa6: {  	[sflag:s23] =	ssyncadd.s32 s5;
	_ =	sdelay $0x1  }
0xa7: {  	s24 =	simm.s32 $0x1B8B  }
0xa8: {  	_ =	swait.ge [sflag:s24], $0x1  }
0xa9: {  	[sflag:s24] =	ssyncset.done $0x0  }
0xaa: {  	s25 =	simm.s32 $0x1B8E;
	[sflag:s24] =	ssyncadd.s32 $0xFFFFFFFF  }
0xab: {  	s26 =	simm.s32 $execute0_lowered;
	[smem:$0x3FD2] =	sst s25  }
0xac: {  	s5 =	sshll.u32 s26, $0x1;
	_ =	strace $0x80000046;
	[dreg:$0x1] =	wrdreg $0xFFFFFFFF  }
0xad: {  	s28 =	simm.s32 $_size_execute0_lowered;
	s4 =	sadd.s32 s4, s5;
	[dreg:$0x0] =	wrdreg $0x0  }
0xae: {  	s5 =	sshll.u32 s28, $0x1;
	[dreg:$0x2] =	wrdreg s4  }
0xaf: {  	[dreg:$0x3] =	wrdreg s5  }
0xb0: {  	[dreg:$0x4] =	wrdreg $0xC0  }
0xb1: {  	_ =	task [dreg:s8], $0x5FFFF  }
0xb2: {  	[dreg:$0x1] =	wrdreg $0xFFFFFFFF  }
0xb3: {  	[dreg:$0x0] =	wrdreg $0x60  }
0xb4: {  	[dreg:$0x2] =	wrdreg s18  }
0xb5: {  	[dreg:$0x3] =	wrdreg s17  }
0xb6: {  	[dreg:$0x4] =	wrdreg $0x53000  }
0xb7: {  	[dreg:$0x5] =	wrdreg $0x9  }
0xb8: {  	_ =	task.clear_ibuf [dreg:s8], $0x6FFFF;
	_ =	strace $0x90000046  }
0xb9: {  	s29 =	simm.s32 $0x9;
	_ =	strace $0x80000048  }
0xba: {  	_ =	swait.ge [sflag:s29], $0x1  }
0xbb: {  	[sflag:s29] =	ssyncadd.s32 $0xFFFFFFFF  }
0xbc: {  	_ =	strace $0x90000048  }
0xbd: {  	_ =	sfence  }
0xbe: {  	s30 =	sld [smem:$0x0];
	_ =	sdelay $0x2  }
0xbf: {  	s31 =	sshll.u32 s1, $0xD;
	s1 =	sshrl.u32 s1, $0x2  }
0xc0: {  	s3 =	sand.u32 $0x4000, s31;
	s1 =	sadd.s32 s1, s30  }
0xc1: {  	s0 =	sor.u32 s3, s0;
	s1 =	sshll.u32 s1, $0x11  }
0xc2: {  	s0 =	sor.u32 s1, s0  }
0xc3: {  	s0 =	sadd.s32 $0x8F2B, s0  }
0xc4: {  	[sflag:s0] =	ssyncadd.remote.s32 $0x1  }
0xc5: {  	_ =	sfence.sel $0xFFFF  }
0xc6: {  	[dreg:$0x0] =	wrdreg $0xFFFFFFFF;
	(pc) =	sbr.abs _section_cstart, $3  }
0xc7: {  	[dreg:$0x1] =	wrdreg $0xFFFFFFFF  }
0xc8: {  	_ =	task.clear_ibuf [dreg:s8], $0x2FFFF;
	_ =	strace $0x9FFFFFFF  }
0xc9: {  	(tm) =	ssettm $0x7FFFFFFF  }
tec
execute0_lowered:
.L_overlay_start_1:
0x0: {  	(tag) =	ssettag $0x1  }
0x1: {  	s4 =	rddreg [dreg:$0x0]  }
0x2: {  	s6 =	rddreg [dreg:$0x1]  }
0x3: {  	s1 =	rddreg [dreg:$0x2]  }
0x4: {  	s2 =	srdreg.scid;
	s0 =	rddreg [dreg:$0x3];
	s3 =	simm.s32 $0x0  }
0x5: {  	s12 =	simm.s32 $0x1;
	s13 =	simm.s32 $0x2;
	s5 =	sand.u32 $0x1, s2  }
0x6: {  	s16 =	simm.s32 $0x20;
	s2 =	stileid.u32;
	s7 =	smul.u32 $0x50000, s5  }
0x7: {  	s17 =	simm.s32 $0x10;
	s18 =	simm.s32 $0x0;
	s9 =	smul.u32 $0x5000, s2  }
0x8: {  	[smem:$0x7FF] =	sst s3;
	s8 =	ssub.s32 $0x2, s5;
	s11 =	smul.u32 $0x500, s2  }
0x9: {  	_ =	strace $0x80000047;
	s29 =	smul.u32 $0xA00, s2;
	s14 =	sshll.u32 s2, $0x6  }
0xa: {  	s5 =	sshll.u32 s5, $0x7;
	s10 =	sshrl.u32 s8, $0x1;
	s14 =	sor.u32 $0x1C03, s14  }
0xb: {  	s7 =	sadd.s32 s9, s7;
	s8 =	ssub.s32 s8, s10;
	s5 =	sor.u32 s5, s11  }
0xc: {  	s30 =	sshrl.u32 s29, $0x2;
	s9 =	simm.s32 $0x5080;
	s10 =	simm.s32 $0x80  }
0xd: {  	s11 =	simm.s32 $0x5000;
	s7 =	sshrl.u32 s7, $0x3;
	s31 =	sshrl.u32 s5, $0x3  }
0xe: {  	s5 =	sadd.s32 s30, s1;
	s4 =	sadd.s32 s4, s7;
	s6 =	sadd.s32 s6, s31  }
0xf: {  	v0 =	vimm.f32 $1.000000000e+00;
	v1 =	vimm.f32 $0.0e+00;
	s7 =	smax.u32 s8, $0x1;
	s8 =	simm.s32 $0x3;
	s15 =	sshrl.u32 s5, $0x3  }
.LBB2_1:
0x10: {  	[tilespmem:s3], [sflag:$0x3] =	stream.linear.gather [hbm4b:s4+s3], $0x5000, $0x38;
	[tilespmem:$0x5580] =	vst v63  }
0x11: {  	_ =	swait.ge [sflag:s8], $0x5000  }
0x12: {  	[sflag:s8] =	ssyncset.done $0x0  }
0x13: {  	[sflag:s8] =	ssyncadd.s32 $0xFFFFB000  }
0x14: {  	[tilespmem:$0x5000] =	vst v0  }
0x15: {  	[tilespmem:$0x5010] =	vst v0  }
0x16: {  	[tilespmem:$0x5020] =	vst v0  }
0x17: {  	[tilespmem:$0x5030] =	vst v0  }
0x18: {  	[tilespmem:$0x5040] =	vst v0  }
0x19: {  	[tilespmem:$0x5050] =	vst v0  }
0x1a: {  	[tilespmem:$0x5060] =	vst v0  }
0x1b: {  	[tilespmem:$0x5070] =	vst v0  }
0x1c: {  	[tilespmem:$0x5080] =	vst v1  }
0x1d: {  	[tilespmem:$0x5090] =	vst v1  }
0x1e: {  	[tilespmem:$0x50A0] =	vst v1  }
0x1f: {  	[tilespmem:$0x50B0] =	vst v1  }
0x20: {  	[tilespmem:$0x50C0] =	vst v1  }
0x21: {  	[tilespmem:$0x50D0] =	vst v1  }
0x22: {  	[tilespmem:$0x50E0] =	vst v1  }
0x23: {  	[tilespmem:$0x50F0] =	vst v1  }
0x24: {  	[tilespmem:$0x5100] =	vst v1  }
0x25: {  	[tilespmem:$0x5110] =	vst v1  }
0x26: {  	[tilespmem:$0x5120] =	vst v1  }
0x27: {  	[tilespmem:$0x5130] =	vst v1  }
0x28: {  	[tilespmem:$0x5140] =	vst v1  }
0x29: {  	[tilespmem:$0x5150] =	vst v1  }
0x2a: {  	[tilespmem:$0x5160] =	vst v1  }
0x2b: {  	[tilespmem:$0x5170] =	vst v1  }
0x2c: {  	[tilespmem:$0x5180] =	vst v1  }
0x2d: {  	[tilespmem:$0x5190] =	vst v1  }
0x2e: {  	[tilespmem:$0x51A0] =	vst v1  }
0x2f: {  	[tilespmem:$0x51B0] =	vst v1  }
0x30: {  	[tilespmem:$0x51C0] =	vst v1  }
0x31: {  	[tilespmem:$0x51D0] =	vst v1  }
0x32: {  	[tilespmem:$0x51E0] =	vst v1  }
0x33: {  	[tilespmem:$0x51F0] =	vst v1  }
0x34: {  	[tilespmem:$0x5200] =	vst v1  }
0x35: {  	[tilespmem:$0x5210] =	vst v1  }
0x36: {  	[tilespmem:$0x5220] =	vst v1  }
0x37: {  	[tilespmem:$0x5230] =	vst v1  }
0x38: {  	[tilespmem:$0x5240] =	vst v1  }
0x39: {  	[tilespmem:$0x5250] =	vst v1  }
0x3a: {  	[tilespmem:$0x5260] =	vst v1  }
0x3b: {  	[tilespmem:$0x5270] =	vst v1  }
0x3c: {  	[tilespmem:$0x5280] =	vst v1  }
0x3d: {  	[tilespmem:$0x5290] =	vst v1  }
0x3e: {  	[tilespmem:$0x52A0] =	vst v1  }
0x3f: {  	[tilespmem:$0x52B0] =	vst v1  }
0x40: {  	[tilespmem:$0x52C0] =	vst v1  }
0x41: {  	[tilespmem:$0x52D0] =	vst v1  }
0x42: {  	[tilespmem:$0x52E0] =	vst v1  }
0x43: {  	[tilespmem:$0x52F0] =	vst v1  }
0x44: {  	[spmem:s5] =	stream.linear.scatter [tilespmem:s9], [sflag:$0x3], $0x280, $0x38;
	[tilespmem:$0x5580] =	vst v63  }
0x45: {  	_ =	swait.ge [sflag:s8], $0x280  }
0x46: {  	[sflag:s8] =	ssyncset.done $0x0  }
0x47: {  	[sflag:s8] =	ssyncadd.s32 $0xFFFFFD80  }
0x48: {  	s19 =	simm.s32 $0x0;
	[bflag:$0x0] =	sbarrier.arrive $0xFFFF  }
0x49: {  	[spmem:s1] =	stream.indirect.scatter.add.f32 [tilespmem:s11], [sflag:$0x1], $0x1, s19, s10, $0xb8;
	[tilespmem:$0x5580] =	vst v63  }
0x4a: {  	s31 =	simm.s32 $0x80  }
0x4b: {  	[spmem:s1] =	stream.indirect.scatter.add.f32 [tilespmem:s11], [sflag:$0x2], $0x1, s31, s10, $0xb8;
	[tilespmem:$0x5580] =	vst v63  }
0x4c: {  	_ =	swait.ge [sflag:s12], $0x80  }
0x4d: {  	[sflag:s12] =	ssyncset.done $0x0  }
0x4e: {  	[sflag:s12] =	ssyncadd.s32 $0xFFFFFF80  }
0x4f: {  	_ =	swait.ge [sflag:s13], $0x80  }
0x50: {  	s20 =	simm.s32 $0x800;
	s19 =	simm.s32 $0x400;
	[sflag:s13] =	ssyncset.done $0x0  }
.LBB2_2:
0x51: {  	s21 =	sshra.s32 s19, $0x2  }
0x52: {  	[sflag:s13] =	ssyncadd.s32 $0xFFFFFF80;
	s19 =	smov.u32 s20;
	s22 =	sadd.s32 $0x400, s20  }
0x53: {  	[spmem:s1] =	stream.indirect.scatter.add.f32 [tilespmem:s11], [sflag:$0x1], $0x1, s21, s10, $0xb8;
	[tilespmem:$0x5580] =	vst v63  }
0x54: {  	p0 =	sne.s32 s20, $0x13C00;
	s20 =	sadd.s32 $0x80, s21  }
0x55: {  	[spmem:s1] =	stream.indirect.scatter.add.f32 [tilespmem:s11], [sflag:$0x2], $0x1, s20, s10, $0xb8;
	[tilespmem:$0x5580] =	vst v63  }
.Ltmp0:
0x56: {  	_ =	swait.ge [sflag:s12], $0x80;
	(pc) =	sbr.rel @p0 .LBB2_2-.Ltmp0, $4  }
0x57: {  	[sflag:s12] =	ssyncset.done $0x0  }
0x58: {  	[sflag:s12] =	ssyncadd.s32 $0xFFFFFF80  }
0x59: {  	_ =	swait.ge [sflag:s13], $0x80  }
0x5a: {  	s20 =	smov.u32 s22;
	[sflag:s13] =	ssyncset.done $0x0  }
0x5b: {  	s19 =	sshra.s32 s19, $0x2;
	[sflag:s13] =	ssyncadd.s32 $0xFFFFFF80  }
0x5c: {  	[spmem:s1] =	stream.indirect.scatter.add.f32 [tilespmem:s11], [sflag:$0x1], $0x1, s19, s10, $0xb8;
	[tilespmem:$0x5580] =	vst v63  }
0x5d: {  	s19 =	sadd.s32 $0x80, s19  }
0x5e: {  	[spmem:s1] =	stream.indirect.scatter.add.f32 [tilespmem:s11], [sflag:$0x2], $0x1, s19, s10, $0xb8;
	[tilespmem:$0x5580] =	vst v63  }
0x5f: {  	_ =	swait.ge [sflag:s12], $0x80  }
0x60: {  	[sflag:s12] =	ssyncset.done $0x0  }
0x61: {  	[sflag:s12] =	ssyncadd.s32 $0xFFFFFF80  }
0x62: {  	_ =	swait.ge [sflag:s13], $0x80  }
0x63: {  	s18 =	sadd.s32 $0x1, s18;
	[sflag:s13] =	ssyncset.done $0x0  }
0x64: {  	p0 =	sne.s32 s18, s7;
	[sflag:s13] =	ssyncadd.s32 $0xFFFFFF80  }
.Ltmp1:
0x65: {  	[bflag:$0x0] =	sbarrier.arrive $0xFFFF;
	(pc) =	sbr.rel @p0 .LBB2_1-.Ltmp1, $4  }
0x66: {  	[hbm:s6@s16], [sflag:s14] =	dma.strided [spmem:s15@s17], $0x50, s12, $0x10   }
0x67: {  	_ =	swait.ge [sflag:s8], $0x50  }
0x68: {  	[sflag:s8] =	ssyncset.done $0x0  }
0x69: {  	[sflag:s8] =	ssyncadd.s32 $0xFFFFFFB0  }
0x6a: {  	_ =	sfence.sel $0x180000  }
0x6b: {  	[bflag:$0x0] =	sbarrier.arrive $0xFFFF  }
0x6c: {  	p0 =	sne.s32 s2, $0x0;
	_ =	strace $0x90000047  }
0x6d: {  	s0 =	sadd.s32 @!p0 $0x100000, s0;
	[bflag:$0x2] =	sbarrier.arrive $0xFFFF  }
0x6e: {  	[sflag:s0] =	ssyncadd.tile.s32 @!p0 $0x1;
	_ =	shalt  }
.Lfunc_end2:
_tile_overlayer_lowered:
.L_overlay_start_2:
0x6f: {  	(tag) =	ssettag $0x2  }
0x70: {  	s0 =	rddreg [dreg:$0x0];
	s2 =	stileid.u32  }
0x71: {  	s1 =	rddreg [dreg:$0x1];
	p0 =	sne.s32 s2, $0x0  }
0x72: {  	s3 =	rddreg [dreg:$0x2];
	[bflag:$0x3] =	sbarrier.arrive $0xFFFF;
	s2 =	simm.s32 @!p0 $0x1C03  }
0x73: {  	[timem:s3], [sflag:s2] =	dma.local @!p0 [hbm:s0], s1  }
0x74: {  	s0 =	simm.s32 @!p0 $0x3  }
0x75: {  	_ =	swait.ge @!p0 [sflag:s0], s1  }
0x76: {  	s1 =	ssub.s32 @!p0 $0x0, s1;
	[sflag:s0] =	ssyncset.done @!p0 $0x0  }
0x77: {  	[sflag:s0] =	ssyncadd.s32 @!p0 s1  }
0x78: {  	[bflag:$0x3] =	sbarrier.arrive $0xFFFF  }
0x79: {  	_ =	shalt  }

</sc_bundles>
